<compile_context>
chip_gen: v7x
topology: tpu7x:2x2x1
jax: 0.10.2.dev20260603
libtpu: 0.0.44.dev20260713+nightly
codegen_flags: <defaults>
</compile_context>

<pallas_src>
import functools

import jax
import jax.numpy as jnp
from jax import lax
from jax.experimental import pallas as pl
from jax.experimental.pallas import tpu as pltpu
from jax.experimental.pallas import tpu_sc as plsc

D_MODEL = 768
MAX_LEN = 8192
B = 4
L = 2048

NC = 2
NS = 16
NW = NC * NS
L_PER_TILE = L // NW
LCHUNK = 8
CHUNK = LCHUNK * B
NCHUNK = L_PER_TILE // LCHUNK
ROWS_PER_TILE = L_PER_TILE * B
NBUF = 4
PRE = 2

_MESH = plsc.VectorSubcoreMesh(core_axis_name="c", subcore_axis_name="s")


@functools.partial(
    pl.kernel,
    out_type=jax.ShapeDtypeStruct((L + 1, B, D_MODEL), jnp.float32),
    mesh=_MESH,
    scratch_types=[
        pltpu.VMEM((ROWS_PER_TILE,), jnp.int32),
        [pltpu.VMEM((CHUNK, 1, D_MODEL), jnp.float32) for _ in range(NBUF)],
        [pltpu.SemaphoreType.DMA for _ in range(NBUF)],
        [pltpu.SemaphoreType.DMA for _ in range(NBUF)],
        [pltpu.SemaphoreType.DMA for _ in range(NBUF)],
        pltpu.SemaphoreType.DMA,
    ],
)
def _pe_add(x_hbm, ts_hbm, pe_hbm, out_hbm, idx_v, bufs, semx, semg, sems,
            semi):
    wid = lax.axis_index("s") * NC + lax.axis_index("c")
    lbase = 1 + wid * L_PER_TILE

    cp_i = pltpu.async_copy(
        ts_hbm.at[pl.ds(wid * ROWS_PER_TILE, ROWS_PER_TILE)], idx_v, semi)

    @pl.when(wid == 0)
    def _():
        hdr = bufs[0].reshape(LCHUNK, B, D_MODEL)
        pltpu.sync_copy(x_hbm.at[pl.ds(0, 1)], hdr.at[pl.ds(0, 1)])
        pltpu.sync_copy(hdr.at[pl.ds(0, 1)], out_hbm.at[pl.ds(0, 1)])

    def issue_x(c):
        b = c % NBUF
        return pltpu.async_copy(
            x_hbm.at[pl.ds(lbase + c * LCHUNK, LCHUNK)],
            bufs[b].reshape(LCHUNK, B, D_MODEL), semx[b])

    cp_x = [None] * NCHUNK
    cp_g = [None] * NCHUNK
    cp_s = [None] * NCHUNK
    for c in range(min(PRE, NCHUNK)):
        cp_x[c] = issue_x(c)
    cp_i.wait()
    def clamp_body(i, carry):
        sl = pl.ds(i * 16, 16)
        idx_v[sl] = jnp.minimum(jnp.maximum(idx_v[sl], 0), MAX_LEN - 1)
        return carry
    lax.fori_loop(0, ROWS_PER_TILE // 16, clamp_body, 0)
    for c in range(NCHUNK):
        b = c % NBUF
        cp_x[c].wait()
        cp_g[c] = pltpu.async_copy(
            pe_hbm.at[idx_v.at[pl.ds(c * CHUNK, CHUNK)]],
            bufs[b], semg[b], add=True)
        if c > 0:
            cp_g[c - 1].wait()
            pb = (c - 1) % NBUF
            cp_s[c - 1] = pltpu.async_copy(
                bufs[pb].reshape(LCHUNK, B, D_MODEL),
                out_hbm.at[pl.ds(lbase + (c - 1) * LCHUNK, LCHUNK)], sems[pb])
        nxt = c + PRE
        if nxt < NCHUNK:
            if nxt - NBUF >= 0:
                cp_s[nxt - NBUF].wait()
            cp_x[nxt] = issue_x(nxt)
    last = NCHUNK - 1
    cp_g[last].wait()
    cp_s[last] = pltpu.async_copy(
        bufs[last % NBUF].reshape(LCHUNK, B, D_MODEL),
        out_hbm.at[pl.ds(lbase + last * LCHUNK, LCHUNK)], sems[last % NBUF])
    for c in range(max(0, NCHUNK - NBUF), NCHUNK):
        cp_s[c].wait()


def kernel(x, timestamps, pe):
    ts_flat = timestamps.T.reshape(L * B).astype(jnp.int32)
    return _pe_add(x, ts_flat, pe)

# --- scband reference (transcript-rebuilt; emitter-appended) ---
"""Pipeline reference for scband-positional-encoding-68478958567832 (READ-ONLY COPY).

The authoritative reference and input builder live on the scoring server;
editing this copy changes nothing except your own understanding.
"""

import math
import jax, jax.numpy as jnp
import numpy as np

D_MODEL = 768
MAX_LEN = 8192
B = 4
L = 2048


def make_pe(max_len, d_model):
    pe = np.zeros((max_len, d_model), dtype=np.float32)
    position = np.arange(0, max_len, dtype=np.float32)[:, None]
    div_term = np.exp(np.arange(0, d_model, 2).astype(np.float32) * (-math.log(10000.0) / d_model))
    pe[:, 0::2] = np.sin(position * div_term)
    pe[:, 1::2] = np.cos(position * div_term)
    # unsqueeze(0).transpose(0,1) -> [max_len, 1, d_model]
    pe = pe[:, None, :]
    return jnp.asarray(pe)


def setup_inputs(seed: int = 0) -> dict:
    key = jax.random.key(seed)
    k1, k2 = jax.random.split(key)
    x = jax.random.normal(k1, (L + 1, B, D_MODEL), dtype=jnp.float32)
    timestamps = jax.random.randint(k2, (B, L), 0, MAX_LEN, dtype=jnp.int32)
    pe = make_pe(MAX_LEN, D_MODEL)
    return {"x": x, "timestamps": timestamps, "pe": pe}


def reference(x, timestamps, pe):
    max_len = pe.shape[0]
    ts = jnp.clip(timestamps, 0, max_len - 1).astype(jnp.int32)
    # pe[ts.T]: [L, B, 1, D] gather over position rows, then squeeze singleton
    pem = jnp.squeeze(pe[ts.T], axis=-2)  # [L, B, D]
    Lp, Bp, Dp = pem.shape
    appended = jnp.concatenate([jnp.zeros((1, Bp, Dp), dtype=pem.dtype), pem], axis=0)  # [L+1, B, D]
    out = x + appended
    # nn.Dropout is identity in eval mode
    return out

if __name__ == "__main__":
    import jax
    _d = setup_inputs()
    print(jax.jit(kernel)(*tuple(_d.values())))

</pallas_src>

<mosaic_0001>
#map = affine_map<(d0, d1) -> (0, 0, 0)>
#map1 = affine_map<(d0, d1) -> (0)>
module attributes {stable_mosaic.version = 14 : i64} {
  func.func @_pe_add(%arg0: i32, %arg1: i32, %arg2: memref<2049x4x768xf32, #tpu.memory_space<hbm>>, %arg3: memref<8192xi32, #tpu.memory_space<hbm>>, %arg4: memref<8192x1x768xf32, #tpu.memory_space<hbm>>, %arg5: memref<2049x4x768xf32, #tpu.memory_space<hbm>>, %arg6: memref<256xi32, #tpu.memory_space<vmem>>, %arg7: memref<32x1x768xf32, #tpu.memory_space<vmem>>, %arg8: memref<32x1x768xf32, #tpu.memory_space<vmem>>, %arg9: memref<32x1x768xf32, #tpu.memory_space<vmem>>, %arg10: memref<32x1x768xf32, #tpu.memory_space<vmem>>, %arg11: memref<!tpu.dma_semaphore, #tpu.memory_space<semaphore_mem>>, %arg12: memref<!tpu.dma_semaphore, #tpu.memory_space<semaphore_mem>>, %arg13: memref<!tpu.dma_semaphore, #tpu.memory_space<semaphore_mem>>, %arg14: memref<!tpu.dma_semaphore, #tpu.memory_space<semaphore_mem>>, %arg15: memref<!tpu.dma_semaphore, #tpu.memory_space<semaphore_mem>>, %arg16: memref<!tpu.dma_semaphore, #tpu.memory_space<semaphore_mem>>, %arg17: memref<!tpu.dma_semaphore, #tpu.memory_space<semaphore_mem>>, %arg18: memref<!tpu.dma_semaphore, #tpu.memory_space<semaphore_mem>>, %arg19: memref<!tpu.dma_semaphore, #tpu.memory_space<semaphore_mem>>, %arg20: memref<!tpu.dma_semaphore, #tpu.memory_space<semaphore_mem>>, %arg21: memref<!tpu.dma_semaphore, #tpu.memory_space<semaphore_mem>>, %arg22: memref<!tpu.dma_semaphore, #tpu.memory_space<semaphore_mem>>, %arg23: memref<!tpu.dma_semaphore, #tpu.memory_space<semaphore_mem>>) attributes {dimension_semantics = [#tpu.dimension_semantics<core_parallel>, #tpu.dimension_semantics<subcore_parallel>], iteration_bounds = array<i64: 2, 16>, scalar_prefetch = 0 : i64, scratch_operands = 18 : i64, tpu.core_type = #tpu.core_type<sc_vector_subcore>, window_params = [{transform_indices = #map}, {transform_indices = #map1}, {transform_indices = #map}, {transform_indices = #map}]} {
    %mul3A = arith.constant 2 : i32
    %mul3A_0 = arith.muli %arg1, %mul3A : i32
    %add3A = arith.addi %mul3A_0, %arg0 : i32
    %mul3A_1 = arith.constant 64 : i32
    %mul3A_2 = arith.muli %add3A, %mul3A_1 : i32
    %add3A_3 = arith.constant 1 : i32
    %add3A_4 = arith.addi %add3A_3, %mul3A_2 : i32
    %mul3A_5 = arith.constant 256 : i32
    %mul3A_6 = arith.muli %add3A, %mul3A_5 : i32
    %dma_start3A = tpu.memref_slice %arg3[%mul3A_6] : memref<8192xi32, #tpu.memory_space<hbm>> -> memref<256xi32, #tpu.memory_space<hbm>>
    %dma_start3A_7 = tpu.memref_slice %arg3[%mul3A_6] : memref<8192xi32, #tpu.memory_space<hbm>> -> memref<256xi32, #tpu.memory_space<hbm>>
    tpu.enqueue_dma source(%dma_start3A_7 : memref<256xi32, #tpu.memory_space<hbm>>) target(%arg6 : memref<256xi32, #tpu.memory_space<vmem>>) target_semaphore(%arg23 : memref<!tpu.dma_semaphore, #tpu.memory_space<semaphore_mem>>)
    %eq3A = arith.constant 0 : i32
    %eq3A_8 = arith.cmpi eq, %add3A, %eq3A : i32
    %convert_element_type3A = arith.extui %eq3A_8 : i1 to i32
    %cond3A = arith.constant 0 : i32
    %cond3A_9 = arith.cmpi ne, %convert_element_type3A, %cond3A : i32
    scf.if %cond3A_9 {
      "tpu.region"() ({
        %run_scoped3A = tpu.sem_alloc : memref<!tpu.dma_semaphore, #tpu.memory_space<semaphore_mem>>
        %dma_start3A_400 = tpu.memref_reshape %arg7 : memref<32x1x768xf32, #tpu.memory_space<vmem>> -> memref<8x4x768xf32, #tpu.memory_space<vmem>>
        %dma_start3A_401 = arith.constant 0 : i32
        %dma_start3A_402 = arith.constant 0 : i32
        %dma_start3A_403 = arith.constant 0 : i32
        %dma_start3A_404 = tpu.memref_slice %dma_start3A_400[%dma_start3A_401, %dma_start3A_402, %dma_start3A_403] : memref<8x4x768xf32, #tpu.memory_space<vmem>> -> memref<1x4x768xf32, #tpu.memory_space<vmem>>
        %dma_start3A_405 = arith.constant 0 : i32
        %dma_start3A_406 = arith.constant 0 : i32
        %dma_start3A_407 = arith.constant 0 : i32
        %dma_start3A_408 = tpu.memref_slice %arg2[%dma_start3A_405, %dma_start3A_406, %dma_start3A_407] : memref<2049x4x768xf32, #tpu.memory_space<hbm>> -> memref<1x4x768xf32, #tpu.memory_space<hbm>>
        %dma_start3A_409 = tpu.memref_reshape %arg7 : memref<32x1x768xf32, #tpu.memory_space<vmem>> -> memref<8x4x768xf32, #tpu.memory_space<vmem>>
        %dma_start3A_410 = arith.constant 0 : i32
        %dma_start3A_411 = arith.constant 0 : i32
        %dma_start3A_412 = arith.constant 0 : i32
        %dma_start3A_413 = tpu.memref_slice %dma_start3A_409[%dma_start3A_410, %dma_start3A_411, %dma_start3A_412] : memref<8x4x768xf32, #tpu.memory_space<vmem>> -> memref<1x4x768xf32, #tpu.memory_space<vmem>>
        %dma_start3A_414 = arith.constant 0 : i32
        %dma_start3A_415 = arith.constant 0 : i32
        %dma_start3A_416 = arith.constant 0 : i32
        %dma_start3A_417 = tpu.memref_slice %arg2[%dma_start3A_414, %dma_start3A_415, %dma_start3A_416] : memref<2049x4x768xf32, #tpu.memory_space<hbm>> -> memref<1x4x768xf32, #tpu.memory_space<hbm>>
        tpu.enqueue_dma source(%dma_start3A_417 : memref<1x4x768xf32, #tpu.memory_space<hbm>>) target(%dma_start3A_413 : memref<1x4x768xf32, #tpu.memory_space<vmem>>) target_semaphore(%run_scoped3A : memref<!tpu.dma_semaphore, #tpu.memory_space<semaphore_mem>>)
        %dma_wait3A_418 = tpu.memref_reshape %arg7 : memref<32x1x768xf32, #tpu.memory_space<vmem>> -> memref<8x4x768xf32, #tpu.memory_space<vmem>>
        %dma_wait3A_419 = arith.constant 0 : i32
        %dma_wait3A_420 = arith.constant 0 : i32
        %dma_wait3A_421 = arith.constant 0 : i32
        %dma_wait3A_422 = tpu.memref_slice %dma_wait3A_418[%dma_wait3A_419, %dma_wait3A_420, %dma_wait3A_421] : memref<8x4x768xf32, #tpu.memory_space<vmem>> -> memref<1x4x768xf32, #tpu.memory_space<vmem>>
        %dma_wait3A_423 = arith.constant 0 : i32
        %dma_wait3A_424 = arith.constant 0 : i32
        %dma_wait3A_425 = arith.constant 0 : i32
        %dma_wait3A_426 = tpu.memref_slice %arg2[%dma_wait3A_423, %dma_wait3A_424, %dma_wait3A_425] : memref<2049x4x768xf32, #tpu.memory_space<hbm>> -> memref<1x4x768xf32, #tpu.memory_space<hbm>>
        %dma_wait3A_427 = tpu.memref_reshape %arg7 : memref<32x1x768xf32, #tpu.memory_space<vmem>> -> memref<8x4x768xf32, #tpu.memory_space<vmem>>
        %dma_wait3A_428 = arith.constant 0 : i32
        %dma_wait3A_429 = arith.constant 0 : i32
        %dma_wait3A_430 = arith.constant 0 : i32
        %dma_wait3A_431 = tpu.memref_slice %dma_wait3A_427[%dma_wait3A_428, %dma_wait3A_429, %dma_wait3A_430] : memref<8x4x768xf32, #tpu.memory_space<vmem>> -> memref<1x4x768xf32, #tpu.memory_space<vmem>>
        %dma_wait3A_432 = arith.constant 0 : i32
        %dma_wait3A_433 = arith.constant 0 : i32
        %dma_wait3A_434 = arith.constant 0 : i32
        %dma_wait3A_435 = tpu.memref_slice %arg2[%dma_wait3A_432, %dma_wait3A_433, %dma_wait3A_434] : memref<2049x4x768xf32, #tpu.memory_space<hbm>> -> memref<1x4x768xf32, #tpu.memory_space<hbm>>
        tpu.wait_dma2 semaphore(%run_scoped3A : memref<!tpu.dma_semaphore, #tpu.memory_space<semaphore_mem>>) src(%dma_wait3A_435 : memref<1x4x768xf32, #tpu.memory_space<hbm>>) dst(%dma_wait3A_431 : memref<1x4x768xf32, #tpu.memory_space<vmem>>)
        tpu.yield
      }) : () -> ()
      "tpu.region"() ({
        %run_scoped3A = tpu.sem_alloc : memref<!tpu.dma_semaphore, #tpu.memory_space<semaphore_mem>>
        %dma_start3A_400 = tpu.memref_reshape %arg7 : memref<32x1x768xf32, #tpu.memory_space<vmem>> -> memref<8x4x768xf32, #tpu.memory_space<vmem>>
        %dma_start3A_401 = arith.constant 0 : i32
        %dma_start3A_402 = arith.constant 0 : i32
        %dma_start3A_403 = arith.constant 0 : i32
        %dma_start3A_404 = tpu.memref_slice %dma_start3A_400[%dma_start3A_401, %dma_start3A_402, %dma_start3A_403] : memref<8x4x768xf32, #tpu.memory_space<vmem>> -> memref<1x4x768xf32, #tpu.memory_space<vmem>>
        %dma_start3A_405 = arith.constant 0 : i32
        %dma_start3A_406 = arith.constant 0 : i32
        %dma_start3A_407 = arith.constant 0 : i32
        %dma_start3A_408 = tpu.memref_slice %arg5[%dma_start3A_405, %dma_start3A_406, %dma_start3A_407] : memref<2049x4x768xf32, #tpu.memory_space<hbm>> -> memref<1x4x768xf32, #tpu.memory_space<hbm>>
        %dma_start3A_409 = arith.constant 0 : i32
        %dma_start3A_410 = arith.constant 0 : i32
        %dma_start3A_411 = arith.constant 0 : i32
        %dma_start3A_412 = tpu.memref_slice %arg5[%dma_start3A_409, %dma_start3A_410, %dma_start3A_411] : memref<2049x4x768xf32, #tpu.memory_space<hbm>> -> memref<1x4x768xf32, #tpu.memory_space<hbm>>
        %dma_start3A_413 = tpu.memref_reshape %arg7 : memref<32x1x768xf32, #tpu.memory_space<vmem>> -> memref<8x4x768xf32, #tpu.memory_space<vmem>>
        %dma_start3A_414 = arith.constant 0 : i32
        %dma_start3A_415 = arith.constant 0 : i32
        %dma_start3A_416 = arith.constant 0 : i32
        %dma_start3A_417 = tpu.memref_slice %dma_start3A_413[%dma_start3A_414, %dma_start3A_415, %dma_start3A_416] : memref<8x4x768xf32, #tpu.memory_space<vmem>> -> memref<1x4x768xf32, #tpu.memory_space<vmem>>
        tpu.enqueue_dma source(%dma_start3A_417 : memref<1x4x768xf32, #tpu.memory_space<vmem>>) target(%dma_start3A_412 : memref<1x4x768xf32, #tpu.memory_space<hbm>>) target_semaphore(%run_scoped3A : memref<!tpu.dma_semaphore, #tpu.memory_space<semaphore_mem>>)
        %dma_wait3A_418 = tpu.memref_reshape %arg7 : memref<32x1x768xf32, #tpu.memory_space<vmem>> -> memref<8x4x768xf32, #tpu.memory_space<vmem>>
        %dma_wait3A_419 = arith.constant 0 : i32
        %dma_wait3A_420 = arith.constant 0 : i32
        %dma_wait3A_421 = arith.constant 0 : i32
        %dma_wait3A_422 = tpu.memref_slice %dma_wait3A_418[%dma_wait3A_419, %dma_wait3A_420, %dma_wait3A_421] : memref<8x4x768xf32, #tpu.memory_space<vmem>> -> memref<1x4x768xf32, #tpu.memory_space<vmem>>
        %dma_wait3A_423 = arith.constant 0 : i32
        %dma_wait3A_424 = arith.constant 0 : i32
        %dma_wait3A_425 = arith.constant 0 : i32
        %dma_wait3A_426 = tpu.memref_slice %arg5[%dma_wait3A_423, %dma_wait3A_424, %dma_wait3A_425] : memref<2049x4x768xf32, #tpu.memory_space<hbm>> -> memref<1x4x768xf32, #tpu.memory_space<hbm>>
        %dma_wait3A_427 = arith.constant 0 : i32
        %dma_wait3A_428 = arith.constant 0 : i32
        %dma_wait3A_429 = arith.constant 0 : i32
        %dma_wait3A_430 = tpu.memref_slice %arg5[%dma_wait3A_427, %dma_wait3A_428, %dma_wait3A_429] : memref<2049x4x768xf32, #tpu.memory_space<hbm>> -> memref<1x4x768xf32, #tpu.memory_space<hbm>>
        %dma_wait3A_431 = tpu.memref_reshape %arg7 : memref<32x1x768xf32, #tpu.memory_space<vmem>> -> memref<8x4x768xf32, #tpu.memory_space<vmem>>
        %dma_wait3A_432 = arith.constant 0 : i32
        %dma_wait3A_433 = arith.constant 0 : i32
        %dma_wait3A_434 = arith.constant 0 : i32
        %dma_wait3A_435 = tpu.memref_slice %dma_wait3A_431[%dma_wait3A_432, %dma_wait3A_433, %dma_wait3A_434] : memref<8x4x768xf32, #tpu.memory_space<vmem>> -> memref<1x4x768xf32, #tpu.memory_space<vmem>>
        tpu.wait_dma2 semaphore(%run_scoped3A : memref<!tpu.dma_semaphore, #tpu.memory_space<semaphore_mem>>) src(%dma_wait3A_435 : memref<1x4x768xf32, #tpu.memory_space<vmem>>) dst(%dma_wait3A_430 : memref<1x4x768xf32, #tpu.memory_space<hbm>>)
        tpu.yield
      }) : () -> ()
    } else {
    }
    %add3A_10 = arith.constant 0 : i32
    %add3A_11 = arith.addi %add3A_4, %add3A_10 : i32
    %dma_start3A_12 = tpu.memref_reshape %arg7 : memref<32x1x768xf32, #tpu.memory_space<vmem>> -> memref<8x4x768xf32, #tpu.memory_space<vmem>>
    %dma_start3A_13 = arith.constant 0 : i32
    %dma_start3A_14 = arith.constant 0 : i32
    %dma_start3A_15 = tpu.memref_slice %arg2[%add3A_11, %dma_start3A_13, %dma_start3A_14] : memref<2049x4x768xf32, #tpu.memory_space<hbm>> -> memref<8x4x768xf32, #tpu.memory_space<hbm>>
    %dma_start3A_16 = tpu.memref_reshape %arg7 : memref<32x1x768xf32, #tpu.memory_space<vmem>> -> memref<8x4x768xf32, #tpu.memory_space<vmem>>
    %dma_start3A_17 = arith.constant 0 : i32
    %dma_start3A_18 = arith.constant 0 : i32
    %dma_start3A_19 = tpu.memref_slice %arg2[%add3A_11, %dma_start3A_17, %dma_start3A_18] : memref<2049x4x768xf32, #tpu.memory_space<hbm>> -> memref<8x4x768xf32, #tpu.memory_space<hbm>>
    tpu.enqueue_dma source(%dma_start3A_19 : memref<8x4x768xf32, #tpu.memory_space<hbm>>) target(%dma_start3A_16 : memref<8x4x768xf32, #tpu.memory_space<vmem>>) target_semaphore(%arg11 : memref<!tpu.dma_semaphore, #tpu.memory_space<semaphore_mem>>)
    %add3A_20 = arith.constant 8 : i32
    %add3A_21 = arith.addi %add3A_4, %add3A_20 : i32
    %dma_start3A_22 = tpu.memref_reshape %arg8 : memref<32x1x768xf32, #tpu.memory_space<vmem>> -> memref<8x4x768xf32, #tpu.memory_space<vmem>>
    %dma_start3A_23 = arith.constant 0 : i32
    %dma_start3A_24 = arith.constant 0 : i32
    %dma_start3A_25 = tpu.memref_slice %arg2[%add3A_21, %dma_start3A_23, %dma_start3A_24] : memref<2049x4x768xf32, #tpu.memory_space<hbm>> -> memref<8x4x768xf32, #tpu.memory_space<hbm>>
    %dma_start3A_26 = tpu.memref_reshape %arg8 : memref<32x1x768xf32, #tpu.memory_space<vmem>> -> memref<8x4x768xf32, #tpu.memory_space<vmem>>
    %dma_start3A_27 = arith.constant 0 : i32
    %dma_start3A_28 = arith.constant 0 : i32
    %dma_start3A_29 = tpu.memref_slice %arg2[%add3A_21, %dma_start3A_27, %dma_start3A_28] : memref<2049x4x768xf32, #tpu.memory_space<hbm>> -> memref<8x4x768xf32, #tpu.memory_space<hbm>>
    tpu.enqueue_dma source(%dma_start3A_29 : memref<8x4x768xf32, #tpu.memory_space<hbm>>) target(%dma_start3A_26 : memref<8x4x768xf32, #tpu.memory_space<vmem>>) target_semaphore(%arg12 : memref<!tpu.dma_semaphore, #tpu.memory_space<semaphore_mem>>)
    %dma_wait3A = tpu.memref_slice %arg3[%mul3A_6] : memref<8192xi32, #tpu.memory_space<hbm>> -> memref<256xi32, #tpu.memory_space<hbm>>
    %dma_wait3A_30 = tpu.memref_slice %arg3[%mul3A_6] : memref<8192xi32, #tpu.memory_space<hbm>> -> memref<256xi32, #tpu.memory_space<hbm>>
    tpu.wait_dma2 semaphore(%arg23 : memref<!tpu.dma_semaphore, #tpu.memory_space<semaphore_mem>>) src(%dma_wait3A_30 : memref<256xi32, #tpu.memory_space<hbm>>) dst(%arg6 : memref<256xi32, #tpu.memory_space<vmem>>)
    %scan3A = arith.constant 0 : i32
    %scan3A_31 = arith.constant 0 : i32
    %scan3A_32 = arith.constant 16 : i32
    %scan3A_33 = arith.addi %scan3A_31, %scan3A_32 : i32
    %scan3A_34 = arith.constant 1 : i32
    scf.for %scan3A_400 = %scan3A_31 to %scan3A_33 step %scan3A_34  : i32 {
      %mul3A_401 = arith.constant 16 : i32
      %mul3A_402 = arith.muli %scan3A_400, %mul3A_401 : i32
      %get3A = arith.index_cast %mul3A_402 : i32 to index
      %get3A_403 = tpu.vector_load %arg6[%get3A] {strides = array<i32>} : memref<256xi32, #tpu.memory_space<vmem>>, vector<16xi32>,
      %get3A_404 = vector.shape_cast %get3A_403 : vector<16xi32> to vector<16xi32>
      %max3A = arith.constant 0 : i32
      %max3A_405 = vector.broadcast %max3A : i32 to vector<16xi32>
      %max3A_406 = arith.maxsi %get3A_404, %max3A_405 : vector<16xi32>
      %min3A = arith.constant 8191 : i32
      %min3A_407 = vector.broadcast %min3A : i32 to vector<16xi32>
      %min3A_408 = arith.minsi %max3A_406, %min3A_407 : vector<16xi32>
      %swap3A = arith.index_cast %mul3A_402 : i32 to index
      %swap3A_409 = tpu.vector_load %arg6[%swap3A] {strides = array<i32>} : memref<256xi32, #tpu.memory_space<vmem>>, vector<16xi32>,
      %swap3A_410 = vector.shape_cast %swap3A_409 : vector<16xi32> to vector<16xi32>
      %swap3A_411 = vector.shape_cast %min3A_408 : vector<16xi32> to vector<16xi32>
      tpu.vector_store %arg6[%swap3A], %swap3A_411 {strides = array<i32>} : memref<256xi32, #tpu.memory_space<vmem>>, vector<16xi32>,
    }
    %scan3A_35 = arith.constant 16 : i32
    %dma_wait3A_36 = tpu.memref_reshape %arg7 : memref<32x1x768xf32, #tpu.memory_space<vmem>> -> memref<8x4x768xf32, #tpu.memory_space<vmem>>
    %dma_wait3A_37 = arith.constant 0 : i32
    %dma_wait3A_38 = arith.constant 0 : i32
    %dma_wait3A_39 = tpu.memref_slice %arg2[%add3A_11, %dma_wait3A_37, %dma_wait3A_38] : memref<2049x4x768xf32, #tpu.memory_space<hbm>> -> memref<8x4x768xf32, #tpu.memory_space<hbm>>
    %dma_wait3A_40 = tpu.memref_reshape %arg7 : memref<32x1x768xf32, #tpu.memory_space<vmem>> -> memref<8x4x768xf32, #tpu.memory_space<vmem>>
    %dma_wait3A_41 = arith.constant 0 : i32
    %dma_wait3A_42 = arith.constant 0 : i32
    %dma_wait3A_43 = tpu.memref_slice %arg2[%add3A_11, %dma_wait3A_41, %dma_wait3A_42] : memref<2049x4x768xf32, #tpu.memory_space<hbm>> -> memref<8x4x768xf32, #tpu.memory_space<hbm>>
    tpu.wait_dma2 semaphore(%arg11 : memref<!tpu.dma_semaphore, #tpu.memory_space<semaphore_mem>>) src(%dma_wait3A_43 : memref<8x4x768xf32, #tpu.memory_space<hbm>>) dst(%dma_wait3A_40 : memref<8x4x768xf32, #tpu.memory_space<vmem>>)
    %dma_start3A_44 = arith.constant 0 : i32
    %dma_start3A_45 = tpu.memref_slice %arg6[%dma_start3A_44] : memref<256xi32, #tpu.memory_space<vmem>> -> memref<32xi32, #tpu.memory_space<vmem>>
    %dma_start3A_46 = arith.constant 0 : i32
    %dma_start3A_47 = arith.constant 0 : i32
    %dma_start3A_48 = arith.constant 0 : i32
    %dma_start3A_49 = tpu.memref_slice %arg4[%dma_start3A_46, %dma_start3A_47, %dma_start3A_48] : memref<8192x1x768xf32, #tpu.memory_space<hbm>> -> memref<8192x1x768xf32, #tpu.memory_space<hbm>>
    tpu.enqueue_indirect_dma source(%dma_start3A_49 : memref<8192x1x768xf32, #tpu.memory_space<hbm>>) target(%arg7 : memref<32x1x768xf32, #tpu.memory_space<vmem>>) offsets(%dma_start3A_45 : memref<32xi32, #tpu.memory_space<vmem>>) semaphore(%arg15 : memref<!tpu.dma_semaphore, #tpu.memory_space<semaphore_mem>>) {add = true}
    %add3A_50 = arith.constant 16 : i32
    %add3A_51 = arith.addi %add3A_4, %add3A_50 : i32
    %dma_start3A_52 = tpu.memref_reshape %arg9 : memref<32x1x768xf32, #tpu.memory_space<vmem>> -> memref<8x4x768xf32, #tpu.memory_space<vmem>>
    %dma_start3A_53 = arith.constant 0 : i32
    %dma_start3A_54 = arith.constant 0 : i32
    %dma_start3A_55 = tpu.memref_slice %arg2[%add3A_51, %dma_start3A_53, %dma_start3A_54] : memref<2049x4x768xf32, #tpu.memory_space<hbm>> -> memref<8x4x768xf32, #tpu.memory_space<hbm>>
    %dma_start3A_56 = tpu.memref_reshape %arg9 : memref<32x1x768xf32, #tpu.memory_space<vmem>> -> memref<8x4x768xf32, #tpu.memory_space<vmem>>
    %dma_start3A_57 = arith.constant 0 : i32
    %dma_start3A_58 = arith.constant 0 : i32
    %dma_start3A_59 = tpu.memref_slice %arg2[%add3A_51, %dma_start3A_57, %dma_start3A_58] : memref<2049x4x768xf32, #tpu.memory_space<hbm>> -> memref<8x4x768xf32, #tpu.memory_space<hbm>>
    tpu.enqueue_dma source(%dma_start3A_59 : memref<8x4x768xf32, #tpu.memory_space<hbm>>) target(%dma_start3A_56 : memref<8x4x768xf32, #tpu.memory_space<vmem>>) target_semaphore(%arg13 : memref<!tpu.dma_semaphore, #tpu.memory_space<semaphore_mem>>)
    %dma_wait3A_60 = tpu.memref_reshape %arg8 : memref<32x1x768xf32, #tpu.memory_space<vmem>> -> memref<8x4x768xf32, #tpu.memory_space<vmem>>
    %dma_wait3A_61 = arith.constant 0 : i32
    %dma_wait3A_62 = arith.constant 0 : i32
    %dma_wait3A_63 = tpu.memref_slice %arg2[%add3A_21, %dma_wait3A_61, %dma_wait3A_62] : memref<2049x4x768xf32, #tpu.memory_space<hbm>> -> memref<8x4x768xf32, #tpu.memory_space<hbm>>
    %dma_wait3A_64 = tpu.memref_reshape %arg8 : memref<32x1x768xf32, #tpu.memory_space<vmem>> -> memref<8x4x768xf32, #tpu.memory_space<vmem>>
    %dma_wait3A_65 = arith.constant 0 : i32
    %dma_wait3A_66 = arith.constant 0 : i32
    %dma_wait3A_67 = tpu.memref_slice %arg2[%add3A_21, %dma_wait3A_65, %dma_wait3A_66] : memref<2049x4x768xf32, #tpu.memory_space<hbm>> -> memref<8x4x768xf32, #tpu.memory_space<hbm>>
    tpu.wait_dma2 semaphore(%arg12 : memref<!tpu.dma_semaphore, #tpu.memory_space<semaphore_mem>>) src(%dma_wait3A_67 : memref<8x4x768xf32, #tpu.memory_space<hbm>>) dst(%dma_wait3A_64 : memref<8x4x768xf32, #tpu.memory_space<vmem>>)
    %dma_start3A_68 = arith.constant 32 : i32
    %dma_start3A_69 = tpu.memref_slice %arg6[%dma_start3A_68] : memref<256xi32, #tpu.memory_space<vmem>> -> memref<32xi32, #tpu.memory_space<vmem>>
    %dma_start3A_70 = arith.constant 0 : i32
    %dma_start3A_71 = arith.constant 0 : i32
    %dma_start3A_72 = arith.constant 0 : i32
    %dma_start3A_73 = tpu.memref_slice %arg4[%dma_start3A_70, %dma_start3A_71, %dma_start3A_72] : memref<8192x1x768xf32, #tpu.memory_space<hbm>> -> memref<8192x1x768xf32, #tpu.memory_space<hbm>>
    tpu.enqueue_indirect_dma source(%dma_start3A_73 : memref<8192x1x768xf32, #tpu.memory_space<hbm>>) target(%arg8 : memref<32x1x768xf32, #tpu.memory_space<vmem>>) offsets(%dma_start3A_69 : memref<32xi32, #tpu.memory_space<vmem>>) semaphore(%arg16 : memref<!tpu.dma_semaphore, #tpu.memory_space<semaphore_mem>>) {add = true}
    %dma_wait3A_74 = arith.constant 0 : i32
    %dma_wait3A_75 = tpu.memref_slice %arg6[%dma_wait3A_74] : memref<256xi32, #tpu.memory_space<vmem>> -> memref<32xi32, #tpu.memory_space<vmem>>
    %dma_wait3A_76 = arith.constant 0 : i32
    %dma_wait3A_77 = arith.constant 0 : i32
    %dma_wait3A_78 = arith.constant 0 : i32
    %dma_wait3A_79 = tpu.memref_slice %arg4[%dma_wait3A_76, %dma_wait3A_77, %dma_wait3A_78] : memref<8192x1x768xf32, #tpu.memory_space<hbm>> -> memref<8192x1x768xf32, #tpu.memory_space<hbm>>
    tpu.wait_indirect_dma semaphore(%arg15 : memref<!tpu.dma_semaphore, #tpu.memory_space<semaphore_mem>>) src(%dma_wait3A_79 : memref<8192x1x768xf32, #tpu.memory_space<hbm>>) dst(%arg7 : memref<32x1x768xf32, #tpu.memory_space<vmem>>)
    %add3A_80 = arith.constant 0 : i32
    %add3A_81 = arith.addi %add3A_4, %add3A_80 : i32
    %dma_start3A_82 = tpu.memref_reshape %arg7 : memref<32x1x768xf32, #tpu.memory_space<vmem>> -> memref<8x4x768xf32, #tpu.memory_space<vmem>>
    %dma_start3A_83 = arith.constant 0 : i32
    %dma_start3A_84 = arith.constant 0 : i32
    %dma_start3A_85 = tpu.memref_slice %arg5[%add3A_81, %dma_start3A_83, %dma_start3A_84] : memref<2049x4x768xf32, #tpu.memory_space<hbm>> -> memref<8x4x768xf32, #tpu.memory_space<hbm>>
    %dma_start3A_86 = arith.constant 0 : i32
    %dma_start3A_87 = arith.constant 0 : i32
    %dma_start3A_88 = tpu.memref_slice %arg5[%add3A_81, %dma_start3A_86, %dma_start3A_87] : memref<2049x4x768xf32, #tpu.memory_space<hbm>> -> memref<8x4x768xf32, #tpu.memory_space<hbm>>
    %dma_start3A_89 = tpu.memref_reshape %arg7 : memref<32x1x768xf32, #tpu.memory_space<vmem>> -> memref<8x4x768xf32, #tpu.memory_space<vmem>>
    tpu.enqueue_dma source(%dma_start3A_89 : memref<8x4x768xf32, #tpu.memory_space<vmem>>) target(%dma_start3A_88 : memref<8x4x768xf32, #tpu.memory_space<hbm>>) target_semaphore(%arg19 : memref<!tpu.dma_semaphore, #tpu.memory_space<semaphore_mem>>)
    %add3A_90 = arith.constant 24 : i32
    %add3A_91 = arith.addi %add3A_4, %add3A_90 : i32
    %dma_start3A_92 = tpu.memref_reshape %arg10 : memref<32x1x768xf32, #tpu.memory_space<vmem>> -> memref<8x4x768xf32, #tpu.memory_space<vmem>>
    %dma_start3A_93 = arith.constant 0 : i32
    %dma_start3A_94 = arith.constant 0 : i32
    %dma_start3A_95 = tpu.memref_slice %arg2[%add3A_91, %dma_start3A_93, %dma_start3A_94] : memref<2049x4x768xf32, #tpu.memory_space<hbm>> -> memref<8x4x768xf32, #tpu.memory_space<hbm>>
    %dma_start3A_96 = tpu.memref_reshape %arg10 : memref<32x1x768xf32, #tpu.memory_space<vmem>> -> memref<8x4x768xf32, #tpu.memory_space<vmem>>
    %dma_start3A_97 = arith.constant 0 : i32
    %dma_start3A_98 = arith.constant 0 : i32
    %dma_start3A_99 = tpu.memref_slice %arg2[%add3A_91, %dma_start3A_97, %dma_start3A_98] : memref<2049x4x768xf32, #tpu.memory_space<hbm>> -> memref<8x4x768xf32, #tpu.memory_space<hbm>>
    tpu.enqueue_dma source(%dma_start3A_99 : memref<8x4x768xf32, #tpu.memory_space<hbm>>) target(%dma_start3A_96 : memref<8x4x768xf32, #tpu.memory_space<vmem>>) target_semaphore(%arg14 : memref<!tpu.dma_semaphore, #tpu.memory_space<semaphore_mem>>)
    %dma_wait3A_100 = tpu.memref_reshape %arg9 : memref<32x1x768xf32, #tpu.memory_space<vmem>> -> memref<8x4x768xf32, #tpu.memory_space<vmem>>
    %dma_wait3A_101 = arith.constant 0 : i32
    %dma_wait3A_102 = arith.constant 0 : i32
    %dma_wait3A_103 = tpu.memref_slice %arg2[%add3A_51, %dma_wait3A_101, %dma_wait3A_102] : memref<2049x4x768xf32, #tpu.memory_space<hbm>> -> memref<8x4x768xf32, #tpu.memory_space<hbm>>
    %dma_wait3A_104 = tpu.memref_reshape %arg9 : memref<32x1x768xf32, #tpu.memory_space<vmem>> -> memref<8x4x768xf32, #tpu.memory_space<vmem>>
    %dma_wait3A_105 = arith.constant 0 : i32
    %dma_wait3A_106 = arith.constant 0 : i32
    %dma_wait3A_107 = tpu.memref_slice %arg2[%add3A_51, %dma_wait3A_105, %dma_wait3A_106] : memref<2049x4x768xf32, #tpu.memory_space<hbm>> -> memref<8x4x768xf32, #tpu.memory_space<hbm>>
    tpu.wait_dma2 semaphore(%arg13 : memref<!tpu.dma_semaphore, #tpu.memory_space<semaphore_mem>>) src(%dma_wait3A_107 : memref<8x4x768xf32, #tpu.memory_space<hbm>>) dst(%dma_wait3A_104 : memref<8x4x768xf32, #tpu.memory_space<vmem>>)
    %dma_start3A_108 = arith.constant 64 : i32
    %dma_start3A_109 = tpu.memref_slice %arg6[%dma_start3A_108] : memref<256xi32, #tpu.memory_space<vmem>> -> memref<32xi32, #tpu.memory_space<vmem>>
    %dma_start3A_110 = arith.constant 0 : i32
    %dma_start3A_111 = arith.constant 0 : i32
    %dma_start3A_112 = arith.constant 0 : i32
    %dma_start3A_113 = tpu.memref_slice %arg4[%dma_start3A_110, %dma_start3A_111, %dma_start3A_112] : memref<8192x1x768xf32, #tpu.memory_space<hbm>> -> memref<8192x1x768xf32, #tpu.memory_space<hbm>>
    tpu.enqueue_indirect_dma source(%dma_start3A_113 : memref<8192x1x768xf32, #tpu.memory_space<hbm>>) target(%arg9 : memref<32x1x768xf32, #tpu.memory_space<vmem>>) offsets(%dma_start3A_109 : memref<32xi32, #tpu.memory_space<vmem>>) semaphore(%arg17 : memref<!tpu.dma_semaphore, #tpu.memory_space<semaphore_mem>>) {add = true}
    %dma_wait3A_114 = arith.constant 32 : i32
    %dma_wait3A_115 = tpu.memref_slice %arg6[%dma_wait3A_114] : memref<256xi32, #tpu.memory_space<vmem>> -> memref<32xi32, #tpu.memory_space<vmem>>
    %dma_wait3A_116 = arith.constant 0 : i32
    %dma_wait3A_117 = arith.constant 0 : i32
    %dma_wait3A_118 = arith.constant 0 : i32
    %dma_wait3A_119 = tpu.memref_slice %arg4[%dma_wait3A_116, %dma_wait3A_117, %dma_wait3A_118] : memref<8192x1x768xf32, #tpu.memory_space<hbm>> -> memref<8192x1x768xf32, #tpu.memory_space<hbm>>
    tpu.wait_indirect_dma semaphore(%arg16 : memref<!tpu.dma_semaphore, #tpu.memory_space<semaphore_mem>>) src(%dma_wait3A_119 : memref<8192x1x768xf32, #tpu.memory_space<hbm>>) dst(%arg8 : memref<32x1x768xf32, #tpu.memory_space<vmem>>)
    %add3A_120 = arith.constant 8 : i32
    %add3A_121 = arith.addi %add3A_4, %add3A_120 : i32
    %dma_start3A_122 = tpu.memref_reshape %arg8 : memref<32x1x768xf32, #tpu.memory_space<vmem>> -> memref<8x4x768xf32, #tpu.memory_space<vmem>>
    %dma_start3A_123 = arith.constant 0 : i32
    %dma_start3A_124 = arith.constant 0 : i32
    %dma_start3A_125 = tpu.memref_slice %arg5[%add3A_121, %dma_start3A_123, %dma_start3A_124] : memref<2049x4x768xf32, #tpu.memory_space<hbm>> -> memref<8x4x768xf32, #tpu.memory_space<hbm>>
    %dma_start3A_126 = arith.constant 0 : i32
    %dma_start3A_127 = arith.constant 0 : i32
    %dma_start3A_128 = tpu.memref_slice %arg5[%add3A_121, %dma_start3A_126, %dma_start3A_127] : memref<2049x4x768xf32, #tpu.memory_space<hbm>> -> memref<8x4x768xf32, #tpu.memory_space<hbm>>
    %dma_start3A_129 = tpu.memref_reshape %arg8 : memref<32x1x768xf32, #tpu.memory_space<vmem>> -> memref<8x4x768xf32, #tpu.memory_space<vmem>>
    tpu.enqueue_dma source(%dma_start3A_129 : memref<8x4x768xf32, #tpu.memory_space<vmem>>) target(%dma_start3A_128 : memref<8x4x768xf32, #tpu.memory_space<hbm>>) target_semaphore(%arg20 : memref<!tpu.dma_semaphore, #tpu.memory_space<semaphore_mem>>)
    %dma_wait3A_130 = tpu.memref_reshape %arg7 : memref<32x1x768xf32, #tpu.memory_space<vmem>> -> memref<8x4x768xf32, #tpu.memory_space<vmem>>
    %dma_wait3A_131 = arith.constant 0 : i32
    %dma_wait3A_132 = arith.constant 0 : i32
    %dma_wait3A_133 = tpu.memref_slice %arg5[%add3A_81, %dma_wait3A_131, %dma_wait3A_132] : memref<2049x4x768xf32, #tpu.memory_space<hbm>> -> memref<8x4x768xf32, #tpu.memory_space<hbm>>
    %dma_wait3A_134 = arith.constant 0 : i32
    %dma_wait3A_135 = arith.constant 0 : i32
    %dma_wait3A_136 = tpu.memref_slice %arg5[%add3A_81, %dma_wait3A_134, %dma_wait3A_135] : memref<2049x4x768xf32, #tpu.memory_space<hbm>> -> memref<8x4x768xf32, #tpu.memory_space<hbm>>
    %dma_wait3A_137 = tpu.memref_reshape %arg7 : memref<32x1x768xf32, #tpu.memory_space<vmem>> -> memref<8x4x768xf32, #tpu.memory_space<vmem>>
    tpu.wait_dma2 semaphore(%arg19 : memref<!tpu.dma_semaphore, #tpu.memory_space<semaphore_mem>>) src(%dma_wait3A_137 : memref<8x4x768xf32, #tpu.memory_space<vmem>>) dst(%dma_wait3A_136 : memref<8x4x768xf32, #tpu.memory_space<hbm>>)
    %add3A_138 = arith.constant 32 : i32
    %add3A_139 = arith.addi %add3A_4, %add3A_138 : i32
    %dma_start3A_140 = tpu.memref_reshape %arg7 : memref<32x1x768xf32, #tpu.memory_space<vmem>> -> memref<8x4x768xf32, #tpu.memory_space<vmem>>
    %dma_start3A_141 = arith.constant 0 : i32
    %dma_start3A_142 = arith.constant 0 : i32
    %dma_start3A_143 = tpu.memref_slice %arg2[%add3A_139, %dma_start3A_141, %dma_start3A_142] : memref<2049x4x768xf32, #tpu.memory_space<hbm>> -> memref<8x4x768xf32, #tpu.memory_space<hbm>>
    %dma_start3A_144 = tpu.memref_reshape %arg7 : memref<32x1x768xf32, #tpu.memory_space<vmem>> -> memref<8x4x768xf32, #tpu.memory_space<vmem>>
    %dma_start3A_145 = arith.constant 0 : i32
    %dma_start3A_146 = arith.constant 0 : i32
    %dma_start3A_147 = tpu.memref_slice %arg2[%add3A_139, %dma_start3A_145, %dma_start3A_146] : memref<2049x4x768xf32, #tpu.memory_space<hbm>> -> memref<8x4x768xf32, #tpu.memory_space<hbm>>
    tpu.enqueue_dma source(%dma_start3A_147 : memref<8x4x768xf32, #tpu.memory_space<hbm>>) target(%dma_start3A_144 : memref<8x4x768xf32, #tpu.memory_space<vmem>>) target_semaphore(%arg11 : memref<!tpu.dma_semaphore, #tpu.memory_space<semaphore_mem>>)
    %dma_wait3A_148 = tpu.memref_reshape %arg10 : memref<32x1x768xf32, #tpu.memory_space<vmem>> -> memref<8x4x768xf32, #tpu.memory_space<vmem>>
    %dma_wait3A_149 = arith.constant 0 : i32
    %dma_wait3A_150 = arith.constant 0 : i32
    %dma_wait3A_151 = tpu.memref_slice %arg2[%add3A_91, %dma_wait3A_149, %dma_wait3A_150] : memref<2049x4x768xf32, #tpu.memory_space<hbm>> -> memref<8x4x768xf32, #tpu.memory_space<hbm>>
    %dma_wait3A_152 = tpu.memref_reshape %arg10 : memref<32x1x768xf32, #tpu.memory_space<vmem>> -> memref<8x4x768xf32, #tpu.memory_space<vmem>>
    %dma_wait3A_153 = arith.constant 0 : i32
    %dma_wait3A_154 = arith.constant 0 : i32
    %dma_wait3A_155 = tpu.memref_slice %arg2[%add3A_91, %dma_wait3A_153, %dma_wait3A_154] : memref<2049x4x768xf32, #tpu.memory_space<hbm>> -> memref<8x4x768xf32, #tpu.memory_space<hbm>>
    tpu.wait_dma2 semaphore(%arg14 : memref<!tpu.dma_semaphore, #tpu.memory_space<semaphore_mem>>) src(%dma_wait3A_155 : memref<8x4x768xf32, #tpu.memory_space<hbm>>) dst(%dma_wait3A_152 : memref<8x4x768xf32, #tpu.memory_space<vmem>>)
    %dma_start3A_156 = arith.constant 96 : i32
    %dma_start3A_157 = tpu.memref_slice %arg6[%dma_start3A_156] : memref<256xi32, #tpu.memory_space<vmem>> -> memref<32xi32, #tpu.memory_space<vmem>>
    %dma_start3A_158 = arith.constant 0 : i32
    %dma_start3A_159 = arith.constant 0 : i32
    %dma_start3A_160 = arith.constant 0 : i32
    %dma_start3A_161 = tpu.memref_slice %arg4[%dma_start3A_158, %dma_start3A_159, %dma_start3A_160] : memref<8192x1x768xf32, #tpu.memory_space<hbm>> -> memref<8192x1x768xf32, #tpu.memory_space<hbm>>
    tpu.enqueue_indirect_dma source(%dma_start3A_161 : memref<8192x1x768xf32, #tpu.memory_space<hbm>>) target(%arg10 : memref<32x1x768xf32, #tpu.memory_space<vmem>>) offsets(%dma_start3A_157 : memref<32xi32, #tpu.memory_space<vmem>>) semaphore(%arg18 : memref<!tpu.dma_semaphore, #tpu.memory_space<semaphore_mem>>) {add = true}
    %dma_wait3A_162 = arith.constant 64 : i32
    %dma_wait3A_163 = tpu.memref_slice %arg6[%dma_wait3A_162] : memref<256xi32, #tpu.memory_space<vmem>> -> memref<32xi32, #tpu.memory_space<vmem>>
    %dma_wait3A_164 = arith.constant 0 : i32
    %dma_wait3A_165 = arith.constant 0 : i32
    %dma_wait3A_166 = arith.constant 0 : i32
    %dma_wait3A_167 = tpu.memref_slice %arg4[%dma_wait3A_164, %dma_wait3A_165, %dma_wait3A_166] : memref<8192x1x768xf32, #tpu.memory_space<hbm>> -> memref<8192x1x768xf32, #tpu.memory_space<hbm>>
    tpu.wait_indirect_dma semaphore(%arg17 : memref<!tpu.dma_semaphore, #tpu.memory_space<semaphore_mem>>) src(%dma_wait3A_167 : memref<8192x1x768xf32, #tpu.memory_space<hbm>>) dst(%arg9 : memref<32x1x768xf32, #tpu.memory_space<vmem>>)
    %add3A_168 = arith.constant 16 : i32
    %add3A_169 = arith.addi %add3A_4, %add3A_168 : i32
    %dma_start3A_170 = tpu.memref_reshape %arg9 : memref<32x1x768xf32, #tpu.memory_space<vmem>> -> memref<8x4x768xf32, #tpu.memory_space<vmem>>
    %dma_start3A_171 = arith.constant 0 : i32
    %dma_start3A_172 = arith.constant 0 : i32
    %dma_start3A_173 = tpu.memref_slice %arg5[%add3A_169, %dma_start3A_171, %dma_start3A_172] : memref<2049x4x768xf32, #tpu.memory_space<hbm>> -> memref<8x4x768xf32, #tpu.memory_space<hbm>>
    %dma_start3A_174 = arith.constant 0 : i32
    %dma_start3A_175 = arith.constant 0 : i32
    %dma_start3A_176 = tpu.memref_slice %arg5[%add3A_169, %dma_start3A_174, %dma_start3A_175] : memref<2049x4x768xf32, #tpu.memory_space<hbm>> -> memref<8x4x768xf32, #tpu.memory_space<hbm>>
    %dma_start3A_177 = tpu.memref_reshape %arg9 : memref<32x1x768xf32, #tpu.memory_space<vmem>> -> memref<8x4x768xf32, #tpu.memory_space<vmem>>
    tpu.enqueue_dma source(%dma_start3A_177 : memref<8x4x768xf32, #tpu.memory_space<vmem>>) target(%dma_start3A_176 : memref<8x4x768xf32, #tpu.memory_space<hbm>>) target_semaphore(%arg21 : memref<!tpu.dma_semaphore, #tpu.memory_space<semaphore_mem>>)
    %dma_wait3A_178 = tpu.memref_reshape %arg8 : memref<32x1x768xf32, #tpu.memory_space<vmem>> -> memref<8x4x768xf32, #tpu.memory_space<vmem>>
    %dma_wait3A_179 = arith.constant 0 : i32
    %dma_wait3A_180 = arith.constant 0 : i32
    %dma_wait3A_181 = tpu.memref_slice %arg5[%add3A_121, %dma_wait3A_179, %dma_wait3A_180] : memref<2049x4x768xf32, #tpu.memory_space<hbm>> -> memref<8x4x768xf32, #tpu.memory_space<hbm>>
    %dma_wait3A_182 = arith.constant 0 : i32
    %dma_wait3A_183 = arith.constant 0 : i32
    %dma_wait3A_184 = tpu.memref_slice %arg5[%add3A_121, %dma_wait3A_182, %dma_wait3A_183] : memref<2049x4x768xf32, #tpu.memory_space<hbm>> -> memref<8x4x768xf32, #tpu.memory_space<hbm>>
    %dma_wait3A_185 = tpu.memref_reshape %arg8 : memref<32x1x768xf32, #tpu.memory_space<vmem>> -> memref<8x4x768xf32, #tpu.memory_space<vmem>>
    tpu.wait_dma2 semaphore(%arg20 : memref<!tpu.dma_semaphore, #tpu.memory_space<semaphore_mem>>) src(%dma_wait3A_185 : memref<8x4x768xf32, #tpu.memory_space<vmem>>) dst(%dma_wait3A_184 : memref<8x4x768xf32, #tpu.memory_space<hbm>>)
    %add3A_186 = arith.constant 40 : i32
    %add3A_187 = arith.addi %add3A_4, %add3A_186 : i32
    %dma_start3A_188 = tpu.memref_reshape %arg8 : memref<32x1x768xf32, #tpu.memory_space<vmem>> -> memref<8x4x768xf32, #tpu.memory_space<vmem>>
    %dma_start3A_189 = arith.constant 0 : i32
    %dma_start3A_190 = arith.constant 0 : i32
    %dma_start3A_191 = tpu.memref_slice %arg2[%add3A_187, %dma_start3A_189, %dma_start3A_190] : memref<2049x4x768xf32, #tpu.memory_space<hbm>> -> memref<8x4x768xf32, #tpu.memory_space<hbm>>
    %dma_start3A_192 = tpu.memref_reshape %arg8 : memref<32x1x768xf32, #tpu.memory_space<vmem>> -> memref<8x4x768xf32, #tpu.memory_space<vmem>>
    %dma_start3A_193 = arith.constant 0 : i32
    %dma_start3A_194 = arith.constant 0 : i32
    %dma_start3A_195 = tpu.memref_slice %arg2[%add3A_187, %dma_start3A_193, %dma_start3A_194] : memref<2049x4x768xf32, #tpu.memory_space<hbm>> -> memref<8x4x768xf32, #tpu.memory_space<hbm>>
    tpu.enqueue_dma source(%dma_start3A_195 : memref<8x4x768xf32, #tpu.memory_space<hbm>>) target(%dma_start3A_192 : memref<8x4x768xf32, #tpu.memory_space<vmem>>) target_semaphore(%arg12 : memref<!tpu.dma_semaphore, #tpu.memory_space<semaphore_mem>>)
    %dma_wait3A_196 = tpu.memref_reshape %arg7 : memref<32x1x768xf32, #tpu.memory_space<vmem>> -> memref<8x4x768xf32, #tpu.memory_space<vmem>>
    %dma_wait3A_197 = arith.constant 0 : i32
    %dma_wait3A_198 = arith.constant 0 : i32
    %dma_wait3A_199 = tpu.memref_slice %arg2[%add3A_139, %dma_wait3A_197, %dma_wait3A_198] : memref<2049x4x768xf32, #tpu.memory_space<hbm>> -> memref<8x4x768xf32, #tpu.memory_space<hbm>>
    %dma_wait3A_200 = tpu.memref_reshape %arg7 : memref<32x1x768xf32, #tpu.memory_space<vmem>> -> memref<8x4x768xf32, #tpu.memory_space<vmem>>
    %dma_wait3A_201 = arith.constant 0 : i32
    %dma_wait3A_202 = arith.constant 0 : i32
    %dma_wait3A_203 = tpu.memref_slice %arg2[%add3A_139, %dma_wait3A_201, %dma_wait3A_202] : memref<2049x4x768xf32, #tpu.memory_space<hbm>> -> memref<8x4x768xf32, #tpu.memory_space<hbm>>
    tpu.wait_dma2 semaphore(%arg11 : memref<!tpu.dma_semaphore, #tpu.memory_space<semaphore_mem>>) src(%dma_wait3A_203 : memref<8x4x768xf32, #tpu.memory_space<hbm>>) dst(%dma_wait3A_200 : memref<8x4x768xf32, #tpu.memory_space<vmem>>)
    %dma_start3A_204 = arith.constant 128 : i32
    %dma_start3A_205 = tpu.memref_slice %arg6[%dma_start3A_204] : memref<256xi32, #tpu.memory_space<vmem>> -> memref<32xi32, #tpu.memory_space<vmem>>
    %dma_start3A_206 = arith.constant 0 : i32
    %dma_start3A_207 = arith.constant 0 : i32
    %dma_start3A_208 = arith.constant 0 : i32
    %dma_start3A_209 = tpu.memref_slice %arg4[%dma_start3A_206, %dma_start3A_207, %dma_start3A_208] : memref<8192x1x768xf32, #tpu.memory_space<hbm>> -> memref<8192x1x768xf32, #tpu.memory_space<hbm>>
    tpu.enqueue_indirect_dma source(%dma_start3A_209 : memref<8192x1x768xf32, #tpu.memory_space<hbm>>) target(%arg7 : memref<32x1x768xf32, #tpu.memory_space<vmem>>) offsets(%dma_start3A_205 : memref<32xi32, #tpu.memory_space<vmem>>) semaphore(%arg15 : memref<!tpu.dma_semaphore, #tpu.memory_space<semaphore_mem>>) {add = true}
    %dma_wait3A_210 = arith.constant 96 : i32
    %dma_wait3A_211 = tpu.memref_slice %arg6[%dma_wait3A_210] : memref<256xi32, #tpu.memory_space<vmem>> -> memref<32xi32, #tpu.memory_space<vmem>>
    %dma_wait3A_212 = arith.constant 0 : i32
    %dma_wait3A_213 = arith.constant 0 : i32
    %dma_wait3A_214 = arith.constant 0 : i32
    %dma_wait3A_215 = tpu.memref_slice %arg4[%dma_wait3A_212, %dma_wait3A_213, %dma_wait3A_214] : memref<8192x1x768xf32, #tpu.memory_space<hbm>> -> memref<8192x1x768xf32, #tpu.memory_space<hbm>>
    tpu.wait_indirect_dma semaphore(%arg18 : memref<!tpu.dma_semaphore, #tpu.memory_space<semaphore_mem>>) src(%dma_wait3A_215 : memref<8192x1x768xf32, #tpu.memory_space<hbm>>) dst(%arg10 : memref<32x1x768xf32, #tpu.memory_space<vmem>>)
    %add3A_216 = arith.constant 24 : i32
    %add3A_217 = arith.addi %add3A_4, %add3A_216 : i32
    %dma_start3A_218 = tpu.memref_reshape %arg10 : memref<32x1x768xf32, #tpu.memory_space<vmem>> -> memref<8x4x768xf32, #tpu.memory_space<vmem>>
    %dma_start3A_219 = arith.constant 0 : i32
    %dma_start3A_220 = arith.constant 0 : i32
    %dma_start3A_221 = tpu.memref_slice %arg5[%add3A_217, %dma_start3A_219, %dma_start3A_220] : memref<2049x4x768xf32, #tpu.memory_space<hbm>> -> memref<8x4x768xf32, #tpu.memory_space<hbm>>
    %dma_start3A_222 = arith.constant 0 : i32
    %dma_start3A_223 = arith.constant 0 : i32
    %dma_start3A_224 = tpu.memref_slice %arg5[%add3A_217, %dma_start3A_222, %dma_start3A_223] : memref<2049x4x768xf32, #tpu.memory_space<hbm>> -> memref<8x4x768xf32, #tpu.memory_space<hbm>>
    %dma_start3A_225 = tpu.memref_reshape %arg10 : memref<32x1x768xf32, #tpu.memory_space<vmem>> -> memref<8x4x768xf32, #tpu.memory_space<vmem>>
    tpu.enqueue_dma source(%dma_start3A_225 : memref<8x4x768xf32, #tpu.memory_space<vmem>>) target(%dma_start3A_224 : memref<8x4x768xf32, #tpu.memory_space<hbm>>) target_semaphore(%arg22 : memref<!tpu.dma_semaphore, #tpu.memory_space<semaphore_mem>>)
    %dma_wait3A_226 = tpu.memref_reshape %arg9 : memref<32x1x768xf32, #tpu.memory_space<vmem>> -> memref<8x4x768xf32, #tpu.memory_space<vmem>>
    %dma_wait3A_227 = arith.constant 0 : i32
    %dma_wait3A_228 = arith.constant 0 : i32
    %dma_wait3A_229 = tpu.memref_slice %arg5[%add3A_169, %dma_wait3A_227, %dma_wait3A_228] : memref<2049x4x768xf32, #tpu.memory_space<hbm>> -> memref<8x4x768xf32, #tpu.memory_space<hbm>>
    %dma_wait3A_230 = arith.constant 0 : i32
    %dma_wait3A_231 = arith.constant 0 : i32
    %dma_wait3A_232 = tpu.memref_slice %arg5[%add3A_169, %dma_wait3A_230, %dma_wait3A_231] : memref<2049x4x768xf32, #tpu.memory_space<hbm>> -> memref<8x4x768xf32, #tpu.memory_space<hbm>>
    %dma_wait3A_233 = tpu.memref_reshape %arg9 : memref<32x1x768xf32, #tpu.memory_space<vmem>> -> memref<8x4x768xf32, #tpu.memory_space<vmem>>
    tpu.wait_dma2 semaphore(%arg21 : memref<!tpu.dma_semaphore, #tpu.memory_space<semaphore_mem>>) src(%dma_wait3A_233 : memref<8x4x768xf32, #tpu.memory_space<vmem>>) dst(%dma_wait3A_232 : memref<8x4x768xf32, #tpu.memory_space<hbm>>)
    %add3A_234 = arith.constant 48 : i32
    %add3A_235 = arith.addi %add3A_4, %add3A_234 : i32
    %dma_start3A_236 = tpu.memref_reshape %arg9 : memref<32x1x768xf32, #tpu.memory_space<vmem>> -> memref<8x4x768xf32, #tpu.memory_space<vmem>>
    %dma_start3A_237 = arith.constant 0 : i32
    %dma_start3A_238 = arith.constant 0 : i32
    %dma_start3A_239 = tpu.memref_slice %arg2[%add3A_235, %dma_start3A_237, %dma_start3A_238] : memref<2049x4x768xf32, #tpu.memory_space<hbm>> -> memref<8x4x768xf32, #tpu.memory_space<hbm>>
    %dma_start3A_240 = tpu.memref_reshape %arg9 : memref<32x1x768xf32, #tpu.memory_space<vmem>> -> memref<8x4x768xf32, #tpu.memory_space<vmem>>
    %dma_start3A_241 = arith.constant 0 : i32
    %dma_start3A_242 = arith.constant 0 : i32
    %dma_start3A_243 = tpu.memref_slice %arg2[%add3A_235, %dma_start3A_241, %dma_start3A_242] : memref<2049x4x768xf32, #tpu.memory_space<hbm>> -> memref<8x4x768xf32, #tpu.memory_space<hbm>>
    tpu.enqueue_dma source(%dma_start3A_243 : memref<8x4x768xf32, #tpu.memory_space<hbm>>) target(%dma_start3A_240 : memref<8x4x768xf32, #tpu.memory_space<vmem>>) target_semaphore(%arg13 : memref<!tpu.dma_semaphore, #tpu.memory_space<semaphore_mem>>)
    %dma_wait3A_244 = tpu.memref_reshape %arg8 : memref<32x1x768xf32, #tpu.memory_space<vmem>> -> memref<8x4x768xf32, #tpu.memory_space<vmem>>
    %dma_wait3A_245 = arith.constant 0 : i32
    %dma_wait3A_246 = arith.constant 0 : i32
    %dma_wait3A_247 = tpu.memref_slice %arg2[%add3A_187, %dma_wait3A_245, %dma_wait3A_246] : memref<2049x4x768xf32, #tpu.memory_space<hbm>> -> memref<8x4x768xf32, #tpu.memory_space<hbm>>
    %dma_wait3A_248 = tpu.memref_reshape %arg8 : memref<32x1x768xf32, #tpu.memory_space<vmem>> -> memref<8x4x768xf32, #tpu.memory_space<vmem>>
    %dma_wait3A_249 = arith.constant 0 : i32
    %dma_wait3A_250 = arith.constant 0 : i32
    %dma_wait3A_251 = tpu.memref_slice %arg2[%add3A_187, %dma_wait3A_249, %dma_wait3A_250] : memref<2049x4x768xf32, #tpu.memory_space<hbm>> -> memref<8x4x768xf32, #tpu.memory_space<hbm>>
    tpu.wait_dma2 semaphore(%arg12 : memref<!tpu.dma_semaphore, #tpu.memory_space<semaphore_mem>>) src(%dma_wait3A_251 : memref<8x4x768xf32, #tpu.memory_space<hbm>>) dst(%dma_wait3A_248 : memref<8x4x768xf32, #tpu.memory_space<vmem>>)
    %dma_start3A_252 = arith.constant 160 : i32
    %dma_start3A_253 = tpu.memref_slice %arg6[%dma_start3A_252] : memref<256xi32, #tpu.memory_space<vmem>> -> memref<32xi32, #tpu.memory_space<vmem>>
    %dma_start3A_254 = arith.constant 0 : i32
    %dma_start3A_255 = arith.constant 0 : i32
    %dma_start3A_256 = arith.constant 0 : i32
    %dma_start3A_257 = tpu.memref_slice %arg4[%dma_start3A_254, %dma_start3A_255, %dma_start3A_256] : memref<8192x1x768xf32, #tpu.memory_space<hbm>> -> memref<8192x1x768xf32, #tpu.memory_space<hbm>>
    tpu.enqueue_indirect_dma source(%dma_start3A_257 : memref<8192x1x768xf32, #tpu.memory_space<hbm>>) target(%arg8 : memref<32x1x768xf32, #tpu.memory_space<vmem>>) offsets(%dma_start3A_253 : memref<32xi32, #tpu.memory_space<vmem>>) semaphore(%arg16 : memref<!tpu.dma_semaphore, #tpu.memory_space<semaphore_mem>>) {add = true}
    %dma_wait3A_258 = arith.constant 128 : i32
    %dma_wait3A_259 = tpu.memref_slice %arg6[%dma_wait3A_258] : memref<256xi32, #tpu.memory_space<vmem>> -> memref<32xi32, #tpu.memory_space<vmem>>
    %dma_wait3A_260 = arith.constant 0 : i32
    %dma_wait3A_261 = arith.constant 0 : i32
    %dma_wait3A_262 = arith.constant 0 : i32
    %dma_wait3A_263 = tpu.memref_slice %arg4[%dma_wait3A_260, %dma_wait3A_261, %dma_wait3A_262] : memref<8192x1x768xf32, #tpu.memory_space<hbm>> -> memref<8192x1x768xf32, #tpu.memory_space<hbm>>
    tpu.wait_indirect_dma semaphore(%arg15 : memref<!tpu.dma_semaphore, #tpu.memory_space<semaphore_mem>>) src(%dma_wait3A_263 : memref<8192x1x768xf32, #tpu.memory_space<hbm>>) dst(%arg7 : memref<32x1x768xf32, #tpu.memory_space<vmem>>)
    %add3A_264 = arith.constant 32 : i32
    %add3A_265 = arith.addi %add3A_4, %add3A_264 : i32
    %dma_start3A_266 = tpu.memref_reshape %arg7 : memref<32x1x768xf32, #tpu.memory_space<vmem>> -> memref<8x4x768xf32, #tpu.memory_space<vmem>>
    %dma_start3A_267 = arith.constant 0 : i32
    %dma_start3A_268 = arith.constant 0 : i32
    %dma_start3A_269 = tpu.memref_slice %arg5[%add3A_265, %dma_start3A_267, %dma_start3A_268] : memref<2049x4x768xf32, #tpu.memory_space<hbm>> -> memref<8x4x768xf32, #tpu.memory_space<hbm>>
    %dma_start3A_270 = arith.constant 0 : i32
    %dma_start3A_271 = arith.constant 0 : i32
    %dma_start3A_272 = tpu.memref_slice %arg5[%add3A_265, %dma_start3A_270, %dma_start3A_271] : memref<2049x4x768xf32, #tpu.memory_space<hbm>> -> memref<8x4x768xf32, #tpu.memory_space<hbm>>
    %dma_start3A_273 = tpu.memref_reshape %arg7 : memref<32x1x768xf32, #tpu.memory_space<vmem>> -> memref<8x4x768xf32, #tpu.memory_space<vmem>>
    tpu.enqueue_dma source(%dma_start3A_273 : memref<8x4x768xf32, #tpu.memory_space<vmem>>) target(%dma_start3A_272 : memref<8x4x768xf32, #tpu.memory_space<hbm>>) target_semaphore(%arg19 : memref<!tpu.dma_semaphore, #tpu.memory_space<semaphore_mem>>)
    %dma_wait3A_274 = tpu.memref_reshape %arg10 : memref<32x1x768xf32, #tpu.memory_space<vmem>> -> memref<8x4x768xf32, #tpu.memory_space<vmem>>
    %dma_wait3A_275 = arith.constant 0 : i32
    %dma_wait3A_276 = arith.constant 0 : i32
    %dma_wait3A_277 = tpu.memref_slice %arg5[%add3A_217, %dma_wait3A_275, %dma_wait3A_276] : memref<2049x4x768xf32, #tpu.memory_space<hbm>> -> memref<8x4x768xf32, #tpu.memory_space<hbm>>
    %dma_wait3A_278 = arith.constant 0 : i32
    %dma_wait3A_279 = arith.constant 0 : i32
    %dma_wait3A_280 = tpu.memref_slice %arg5[%add3A_217, %dma_wait3A_278, %dma_wait3A_279] : memref<2049x4x768xf32, #tpu.memory_space<hbm>> -> memref<8x4x768xf32, #tpu.memory_space<hbm>>
    %dma_wait3A_281 = tpu.memref_reshape %arg10 : memref<32x1x768xf32, #tpu.memory_space<vmem>> -> memref<8x4x768xf32, #tpu.memory_space<vmem>>
    tpu.wait_dma2 semaphore(%arg22 : memref<!tpu.dma_semaphore, #tpu.memory_space<semaphore_mem>>) src(%dma_wait3A_281 : memref<8x4x768xf32, #tpu.memory_space<vmem>>) dst(%dma_wait3A_280 : memref<8x4x768xf32, #tpu.memory_space<hbm>>)
    %add3A_282 = arith.constant 56 : i32
    %add3A_283 = arith.addi %add3A_4, %add3A_282 : i32
    %dma_start3A_284 = tpu.memref_reshape %arg10 : memref<32x1x768xf32, #tpu.memory_space<vmem>> -> memref<8x4x768xf32, #tpu.memory_space<vmem>>
    %dma_start3A_285 = arith.constant 0 : i32
    %dma_start3A_286 = arith.constant 0 : i32
    %dma_start3A_287 = tpu.memref_slice %arg2[%add3A_283, %dma_start3A_285, %dma_start3A_286] : memref<2049x4x768xf32, #tpu.memory_space<hbm>> -> memref<8x4x768xf32, #tpu.memory_space<hbm>>
    %dma_start3A_288 = tpu.memref_reshape %arg10 : memref<32x1x768xf32, #tpu.memory_space<vmem>> -> memref<8x4x768xf32, #tpu.memory_space<vmem>>
    %dma_start3A_289 = arith.constant 0 : i32
    %dma_start3A_290 = arith.constant 0 : i32
    %dma_start3A_291 = tpu.memref_slice %arg2[%add3A_283, %dma_start3A_289, %dma_start3A_290] : memref<2049x4x768xf32, #tpu.memory_space<hbm>> -> memref<8x4x768xf32, #tpu.memory_space<hbm>>
    tpu.enqueue_dma source(%dma_start3A_291 : memref<8x4x768xf32, #tpu.memory_space<hbm>>) target(%dma_start3A_288 : memref<8x4x768xf32, #tpu.memory_space<vmem>>) target_semaphore(%arg14 : memref<!tpu.dma_semaphore, #tpu.memory_space<semaphore_mem>>)
    %dma_wait3A_292 = tpu.memref_reshape %arg9 : memref<32x1x768xf32, #tpu.memory_space<vmem>> -> memref<8x4x768xf32, #tpu.memory_space<vmem>>
    %dma_wait3A_293 = arith.constant 0 : i32
    %dma_wait3A_294 = arith.constant 0 : i32
    %dma_wait3A_295 = tpu.memref_slice %arg2[%add3A_235, %dma_wait3A_293, %dma_wait3A_294] : memref<2049x4x768xf32, #tpu.memory_space<hbm>> -> memref<8x4x768xf32, #tpu.memory_space<hbm>>
    %dma_wait3A_296 = tpu.memref_reshape %arg9 : memref<32x1x768xf32, #tpu.memory_space<vmem>> -> memref<8x4x768xf32, #tpu.memory_space<vmem>>
    %dma_wait3A_297 = arith.constant 0 : i32
    %dma_wait3A_298 = arith.constant 0 : i32
    %dma_wait3A_299 = tpu.memref_slice %arg2[%add3A_235, %dma_wait3A_297, %dma_wait3A_298] : memref<2049x4x768xf32, #tpu.memory_space<hbm>> -> memref<8x4x768xf32, #tpu.memory_space<hbm>>
    tpu.wait_dma2 semaphore(%arg13 : memref<!tpu.dma_semaphore, #tpu.memory_space<semaphore_mem>>) src(%dma_wait3A_299 : memref<8x4x768xf32, #tpu.memory_space<hbm>>) dst(%dma_wait3A_296 : memref<8x4x768xf32, #tpu.memory_space<vmem>>)
    %dma_start3A_300 = arith.constant 192 : i32
    %dma_start3A_301 = tpu.memref_slice %arg6[%dma_start3A_300] : memref<256xi32, #tpu.memory_space<vmem>> -> memref<32xi32, #tpu.memory_space<vmem>>
    %dma_start3A_302 = arith.constant 0 : i32
    %dma_start3A_303 = arith.constant 0 : i32
    %dma_start3A_304 = arith.constant 0 : i32
    %dma_start3A_305 = tpu.memref_slice %arg4[%dma_start3A_302, %dma_start3A_303, %dma_start3A_304] : memref<8192x1x768xf32, #tpu.memory_space<hbm>> -> memref<8192x1x768xf32, #tpu.memory_space<hbm>>
    tpu.enqueue_indirect_dma source(%dma_start3A_305 : memref<8192x1x768xf32, #tpu.memory_space<hbm>>) target(%arg9 : memref<32x1x768xf32, #tpu.memory_space<vmem>>) offsets(%dma_start3A_301 : memref<32xi32, #tpu.memory_space<vmem>>) semaphore(%arg17 : memref<!tpu.dma_semaphore, #tpu.memory_space<semaphore_mem>>) {add = true}
    %dma_wait3A_306 = arith.constant 160 : i32
    %dma_wait3A_307 = tpu.memref_slice %arg6[%dma_wait3A_306] : memref<256xi32, #tpu.memory_space<vmem>> -> memref<32xi32, #tpu.memory_space<vmem>>
    %dma_wait3A_308 = arith.constant 0 : i32
    %dma_wait3A_309 = arith.constant 0 : i32
    %dma_wait3A_310 = arith.constant 0 : i32
    %dma_wait3A_311 = tpu.memref_slice %arg4[%dma_wait3A_308, %dma_wait3A_309, %dma_wait3A_310] : memref<8192x1x768xf32, #tpu.memory_space<hbm>> -> memref<8192x1x768xf32, #tpu.memory_space<hbm>>
    tpu.wait_indirect_dma semaphore(%arg16 : memref<!tpu.dma_semaphore, #tpu.memory_space<semaphore_mem>>) src(%dma_wait3A_311 : memref<8192x1x768xf32, #tpu.memory_space<hbm>>) dst(%arg8 : memref<32x1x768xf32, #tpu.memory_space<vmem>>)
    %add3A_312 = arith.constant 40 : i32
    %add3A_313 = arith.addi %add3A_4, %add3A_312 : i32
    %dma_start3A_314 = tpu.memref_reshape %arg8 : memref<32x1x768xf32, #tpu.memory_space<vmem>> -> memref<8x4x768xf32, #tpu.memory_space<vmem>>
    %dma_start3A_315 = arith.constant 0 : i32
    %dma_start3A_316 = arith.constant 0 : i32
    %dma_start3A_317 = tpu.memref_slice %arg5[%add3A_313, %dma_start3A_315, %dma_start3A_316] : memref<2049x4x768xf32, #tpu.memory_space<hbm>> -> memref<8x4x768xf32, #tpu.memory_space<hbm>>
    %dma_start3A_318 = arith.constant 0 : i32
    %dma_start3A_319 = arith.constant 0 : i32
    %dma_start3A_320 = tpu.memref_slice %arg5[%add3A_313, %dma_start3A_318, %dma_start3A_319] : memref<2049x4x768xf32, #tpu.memory_space<hbm>> -> memref<8x4x768xf32, #tpu.memory_space<hbm>>
    %dma_start3A_321 = tpu.memref_reshape %arg8 : memref<32x1x768xf32, #tpu.memory_space<vmem>> -> memref<8x4x768xf32, #tpu.memory_space<vmem>>
    tpu.enqueue_dma source(%dma_start3A_321 : memref<8x4x768xf32, #tpu.memory_space<vmem>>) target(%dma_start3A_320 : memref<8x4x768xf32, #tpu.memory_space<hbm>>) target_semaphore(%arg20 : memref<!tpu.dma_semaphore, #tpu.memory_space<semaphore_mem>>)
    %dma_wait3A_322 = tpu.memref_reshape %arg10 : memref<32x1x768xf32, #tpu.memory_space<vmem>> -> memref<8x4x768xf32, #tpu.memory_space<vmem>>
    %dma_wait3A_323 = arith.constant 0 : i32
    %dma_wait3A_324 = arith.constant 0 : i32
    %dma_wait3A_325 = tpu.memref_slice %arg2[%add3A_283, %dma_wait3A_323, %dma_wait3A_324] : memref<2049x4x768xf32, #tpu.memory_space<hbm>> -> memref<8x4x768xf32, #tpu.memory_space<hbm>>
    %dma_wait3A_326 = tpu.memref_reshape %arg10 : memref<32x1x768xf32, #tpu.memory_space<vmem>> -> memref<8x4x768xf32, #tpu.memory_space<vmem>>
    %dma_wait3A_327 = arith.constant 0 : i32
    %dma_wait3A_328 = arith.constant 0 : i32
    %dma_wait3A_329 = tpu.memref_slice %arg2[%add3A_283, %dma_wait3A_327, %dma_wait3A_328] : memref<2049x4x768xf32, #tpu.memory_space<hbm>> -> memref<8x4x768xf32, #tpu.memory_space<hbm>>
    tpu.wait_dma2 semaphore(%arg14 : memref<!tpu.dma_semaphore, #tpu.memory_space<semaphore_mem>>) src(%dma_wait3A_329 : memref<8x4x768xf32, #tpu.memory_space<hbm>>) dst(%dma_wait3A_326 : memref<8x4x768xf32, #tpu.memory_space<vmem>>)
    %dma_start3A_330 = arith.constant 224 : i32
    %dma_start3A_331 = tpu.memref_slice %arg6[%dma_start3A_330] : memref<256xi32, #tpu.memory_space<vmem>> -> memref<32xi32, #tpu.memory_space<vmem>>
    %dma_start3A_332 = arith.constant 0 : i32
    %dma_start3A_333 = arith.constant 0 : i32
    %dma_start3A_334 = arith.constant 0 : i32
    %dma_start3A_335 = tpu.memref_slice %arg4[%dma_start3A_332, %dma_start3A_333, %dma_start3A_334] : memref<8192x1x768xf32, #tpu.memory_space<hbm>> -> memref<8192x1x768xf32, #tpu.memory_space<hbm>>
    tpu.enqueue_indirect_dma source(%dma_start3A_335 : memref<8192x1x768xf32, #tpu.memory_space<hbm>>) target(%arg10 : memref<32x1x768xf32, #tpu.memory_space<vmem>>) offsets(%dma_start3A_331 : memref<32xi32, #tpu.memory_space<vmem>>) semaphore(%arg18 : memref<!tpu.dma_semaphore, #tpu.memory_space<semaphore_mem>>) {add = true}
    %dma_wait3A_336 = arith.constant 192 : i32
    %dma_wait3A_337 = tpu.memref_slice %arg6[%dma_wait3A_336] : memref<256xi32, #tpu.memory_space<vmem>> -> memref<32xi32, #tpu.memory_space<vmem>>
    %dma_wait3A_338 = arith.constant 0 : i32
    %dma_wait3A_339 = arith.constant 0 : i32
    %dma_wait3A_340 = arith.constant 0 : i32
    %dma_wait3A_341 = tpu.memref_slice %arg4[%dma_wait3A_338, %dma_wait3A_339, %dma_wait3A_340] : memref<8192x1x768xf32, #tpu.memory_space<hbm>> -> memref<8192x1x768xf32, #tpu.memory_space<hbm>>
    tpu.wait_indirect_dma semaphore(%arg17 : memref<!tpu.dma_semaphore, #tpu.memory_space<semaphore_mem>>) src(%dma_wait3A_341 : memref<8192x1x768xf32, #tpu.memory_space<hbm>>) dst(%arg9 : memref<32x1x768xf32, #tpu.memory_space<vmem>>)
    %add3A_342 = arith.constant 48 : i32
    %add3A_343 = arith.addi %add3A_4, %add3A_342 : i32
    %dma_start3A_344 = tpu.memref_reshape %arg9 : memref<32x1x768xf32, #tpu.memory_space<vmem>> -> memref<8x4x768xf32, #tpu.memory_space<vmem>>
    %dma_start3A_345 = arith.constant 0 : i32
    %dma_start3A_346 = arith.constant 0 : i32
    %dma_start3A_347 = tpu.memref_slice %arg5[%add3A_343, %dma_start3A_345, %dma_start3A_346] : memref<2049x4x768xf32, #tpu.memory_space<hbm>> -> memref<8x4x768xf32, #tpu.memory_space<hbm>>
    %dma_start3A_348 = arith.constant 0 : i32
    %dma_start3A_349 = arith.constant 0 : i32
    %dma_start3A_350 = tpu.memref_slice %arg5[%add3A_343, %dma_start3A_348, %dma_start3A_349] : memref<2049x4x768xf32, #tpu.memory_space<hbm>> -> memref<8x4x768xf32, #tpu.memory_space<hbm>>
    %dma_start3A_351 = tpu.memref_reshape %arg9 : memref<32x1x768xf32, #tpu.memory_space<vmem>> -> memref<8x4x768xf32, #tpu.memory_space<vmem>>
    tpu.enqueue_dma source(%dma_start3A_351 : memref<8x4x768xf32, #tpu.memory_space<vmem>>) target(%dma_start3A_350 : memref<8x4x768xf32, #tpu.memory_space<hbm>>) target_semaphore(%arg21 : memref<!tpu.dma_semaphore, #tpu.memory_space<semaphore_mem>>)
    %dma_wait3A_352 = arith.constant 224 : i32
    %dma_wait3A_353 = tpu.memref_slice %arg6[%dma_wait3A_352] : memref<256xi32, #tpu.memory_space<vmem>> -> memref<32xi32, #tpu.memory_space<vmem>>
    %dma_wait3A_354 = arith.constant 0 : i32
    %dma_wait3A_355 = arith.constant 0 : i32
    %dma_wait3A_356 = arith.constant 0 : i32
    %dma_wait3A_357 = tpu.memref_slice %arg4[%dma_wait3A_354, %dma_wait3A_355, %dma_wait3A_356] : memref<8192x1x768xf32, #tpu.memory_space<hbm>> -> memref<8192x1x768xf32, #tpu.memory_space<hbm>>
    tpu.wait_indirect_dma semaphore(%arg18 : memref<!tpu.dma_semaphore, #tpu.memory_space<semaphore_mem>>) src(%dma_wait3A_357 : memref<8192x1x768xf32, #tpu.memory_space<hbm>>) dst(%arg10 : memref<32x1x768xf32, #tpu.memory_space<vmem>>)
    %add3A_358 = arith.constant 56 : i32
    %add3A_359 = arith.addi %add3A_4, %add3A_358 : i32
    %dma_start3A_360 = tpu.memref_reshape %arg10 : memref<32x1x768xf32, #tpu.memory_space<vmem>> -> memref<8x4x768xf32, #tpu.memory_space<vmem>>
    %dma_start3A_361 = arith.constant 0 : i32
    %dma_start3A_362 = arith.constant 0 : i32
    %dma_start3A_363 = tpu.memref_slice %arg5[%add3A_359, %dma_start3A_361, %dma_start3A_362] : memref<2049x4x768xf32, #tpu.memory_space<hbm>> -> memref<8x4x768xf32, #tpu.memory_space<hbm>>
    %dma_start3A_364 = arith.constant 0 : i32
    %dma_start3A_365 = arith.constant 0 : i32
    %dma_start3A_366 = tpu.memref_slice %arg5[%add3A_359, %dma_start3A_364, %dma_start3A_365] : memref<2049x4x768xf32, #tpu.memory_space<hbm>> -> memref<8x4x768xf32, #tpu.memory_space<hbm>>
    %dma_start3A_367 = tpu.memref_reshape %arg10 : memref<32x1x768xf32, #tpu.memory_space<vmem>> -> memref<8x4x768xf32, #tpu.memory_space<vmem>>
    tpu.enqueue_dma source(%dma_start3A_367 : memref<8x4x768xf32, #tpu.memory_space<vmem>>) target(%dma_start3A_366 : memref<8x4x768xf32, #tpu.memory_space<hbm>>) target_semaphore(%arg22 : memref<!tpu.dma_semaphore, #tpu.memory_space<semaphore_mem>>)
    %dma_wait3A_368 = tpu.memref_reshape %arg7 : memref<32x1x768xf32, #tpu.memory_space<vmem>> -> memref<8x4x768xf32, #tpu.memory_space<vmem>>
    %dma_wait3A_369 = arith.constant 0 : i32
    %dma_wait3A_370 = arith.constant 0 : i32
    %dma_wait3A_371 = tpu.memref_slice %arg5[%add3A_265, %dma_wait3A_369, %dma_wait3A_370] : memref<2049x4x768xf32, #tpu.memory_space<hbm>> -> memref<8x4x768xf32, #tpu.memory_space<hbm>>
    %dma_wait3A_372 = arith.constant 0 : i32
    %dma_wait3A_373 = arith.constant 0 : i32
    %dma_wait3A_374 = tpu.memref_slice %arg5[%add3A_265, %dma_wait3A_372, %dma_wait3A_373] : memref<2049x4x768xf32, #tpu.memory_space<hbm>> -> memref<8x4x768xf32, #tpu.memory_space<hbm>>
    %dma_wait3A_375 = tpu.memref_reshape %arg7 : memref<32x1x768xf32, #tpu.memory_space<vmem>> -> memref<8x4x768xf32, #tpu.memory_space<vmem>>
    tpu.wait_dma2 semaphore(%arg19 : memref<!tpu.dma_semaphore, #tpu.memory_space<semaphore_mem>>) src(%dma_wait3A_375 : memref<8x4x768xf32, #tpu.memory_space<vmem>>) dst(%dma_wait3A_374 : memref<8x4x768xf32, #tpu.memory_space<hbm>>)
    %dma_wait3A_376 = tpu.memref_reshape %arg8 : memref<32x1x768xf32, #tpu.memory_space<vmem>> -> memref<8x4x768xf32, #tpu.memory_space<vmem>>
    %dma_wait3A_377 = arith.constant 0 : i32
    %dma_wait3A_378 = arith.constant 0 : i32
    %dma_wait3A_379 = tpu.memref_slice %arg5[%add3A_313, %dma_wait3A_377, %dma_wait3A_378] : memref<2049x4x768xf32, #tpu.memory_space<hbm>> -> memref<8x4x768xf32, #tpu.memory_space<hbm>>
    %dma_wait3A_380 = arith.constant 0 : i32
    %dma_wait3A_381 = arith.constant 0 : i32
    %dma_wait3A_382 = tpu.memref_slice %arg5[%add3A_313, %dma_wait3A_380, %dma_wait3A_381] : memref<2049x4x768xf32, #tpu.memory_space<hbm>> -> memref<8x4x768xf32, #tpu.memory_space<hbm>>
    %dma_wait3A_383 = tpu.memref_reshape %arg8 : memref<32x1x768xf32, #tpu.memory_space<vmem>> -> memref<8x4x768xf32, #tpu.memory_space<vmem>>
    tpu.wait_dma2 semaphore(%arg20 : memref<!tpu.dma_semaphore, #tpu.memory_space<semaphore_mem>>) src(%dma_wait3A_383 : memref<8x4x768xf32, #tpu.memory_space<vmem>>) dst(%dma_wait3A_382 : memref<8x4x768xf32, #tpu.memory_space<hbm>>)
    %dma_wait3A_384 = tpu.memref_reshape %arg9 : memref<32x1x768xf32, #tpu.memory_space<vmem>> -> memref<8x4x768xf32, #tpu.memory_space<vmem>>
    %dma_wait3A_385 = arith.constant 0 : i32
    %dma_wait3A_386 = arith.constant 0 : i32
    %dma_wait3A_387 = tpu.memref_slice %arg5[%add3A_343, %dma_wait3A_385, %dma_wait3A_386] : memref<2049x4x768xf32, #tpu.memory_space<hbm>> -> memref<8x4x768xf32, #tpu.memory_space<hbm>>
    %dma_wait3A_388 = arith.constant 0 : i32
    %dma_wait3A_389 = arith.constant 0 : i32
    %dma_wait3A_390 = tpu.memref_slice %arg5[%add3A_343, %dma_wait3A_388, %dma_wait3A_389] : memref<2049x4x768xf32, #tpu.memory_space<hbm>> -> memref<8x4x768xf32, #tpu.memory_space<hbm>>
    %dma_wait3A_391 = tpu.memref_reshape %arg9 : memref<32x1x768xf32, #tpu.memory_space<vmem>> -> memref<8x4x768xf32, #tpu.memory_space<vmem>>
    tpu.wait_dma2 semaphore(%arg21 : memref<!tpu.dma_semaphore, #tpu.memory_space<semaphore_mem>>) src(%dma_wait3A_391 : memref<8x4x768xf32, #tpu.memory_space<vmem>>) dst(%dma_wait3A_390 : memref<8x4x768xf32, #tpu.memory_space<hbm>>)
    %dma_wait3A_392 = tpu.memref_reshape %arg10 : memref<32x1x768xf32, #tpu.memory_space<vmem>> -> memref<8x4x768xf32, #tpu.memory_space<vmem>>
    %dma_wait3A_393 = arith.constant 0 : i32
    %dma_wait3A_394 = arith.constant 0 : i32
    %dma_wait3A_395 = tpu.memref_slice %arg5[%add3A_359, %dma_wait3A_393, %dma_wait3A_394] : memref<2049x4x768xf32, #tpu.memory_space<hbm>> -> memref<8x4x768xf32, #tpu.memory_space<hbm>>
    %dma_wait3A_396 = arith.constant 0 : i32
    %dma_wait3A_397 = arith.constant 0 : i32
    %dma_wait3A_398 = tpu.memref_slice %arg5[%add3A_359, %dma_wait3A_396, %dma_wait3A_397] : memref<2049x4x768xf32, #tpu.memory_space<hbm>> -> memref<8x4x768xf32, #tpu.memory_space<hbm>>
    %dma_wait3A_399 = tpu.memref_reshape %arg10 : memref<32x1x768xf32, #tpu.memory_space<vmem>> -> memref<8x4x768xf32, #tpu.memory_space<vmem>>
    tpu.wait_dma2 semaphore(%arg22 : memref<!tpu.dma_semaphore, #tpu.memory_space<semaphore_mem>>) src(%dma_wait3A_399 : memref<8x4x768xf32, #tpu.memory_space<vmem>>) dst(%dma_wait3A_398 : memref<8x4x768xf32, #tpu.memory_space<hbm>>)
    return
  }
}

</mosaic_0001>

<sc_bundles>
// kernel: kernel.3.cloned.1.call-start
scs
__scs_entry_jumppad:
0x0: {  	(pc) =	sbr.rel $0x88, $3  }
0x1: {  	(tag) =	ssettag $0x0;
	lr =	simm.s32 $0x1  }
0x2: {  	[smem:$0x3F9E] =	sst lr;
	_ =	strace $0xD0000000  }
0x3: {  	_ = 	snop  }
0x4: {  	_ = 	snop  }
0x5: {  	_ = 	snop  }
0x6: {  	_ = 	snop  }
0x7: {  	_ = 	snop  }
__scs_overlays_trampoline_lowered:
0x8: {  	[smem:$0x3FAD] =	sst s0  }
0x9: {  	[smem:$0x3FAE] =	sst s1  }
0xa: {  	[smem:$0x3FAF] =	sst s2  }
0xb: {  	[smem:$0x3FB0] =	sst s3  }
0xc: {  	[smem:$0x3FB1] =	sst s4  }
0xd: {  	[smem:$0x3FB2] =	sst s5  }
0xe: {  	[smem:$0x3FB3] =	sst s6  }
0xf: {  	[smem:$0x3FB4] =	sst s7  }
0x10: {  	[smem:$0x3FB5] =	sst s8  }
0x11: {  	[smem:$0x3FB6] =	sst s9;
	s0 =	simm.s32 @!p0 $0x0  }
0x12: {  	s1 =	sld [smem:$0x3F9C];
	s0 =	simm.s32 @p0 $0x1  }
0x13: {  	[smem:$0x3FB7] =	sst s0;
	s0 =	simm.s32 @!p1 $0x0  }
0x14: {  	s2 =	sld [smem:$0x3F9B];
	s0 =	simm.s32 @p1 $0x1  }
0x15: {  	[smem:$0x3FB8] =	sst s0;
	s0 =	simm.s32 @!p2 $0x0  }
0x16: {  	s3 =	sld [smem:$0x3FDB];
	s0 =	simm.s32 @p2 $0x1  }
0x17: {  	s4 =	simm.s32 $0x1BF5;
	[smem:$0x3FBA] =	sst s0  }
0x18: {  	s0 =	sld [smem:$0x3F9D];
	_ =	swait.ge [sflag:s4], $0x0  }
0x19: {  	s7 =	sld [smem:$0x3F9E]  }
0x1a: {  	s8 =	sadd.s32 $0xFFFFE003, lr  }
0x1b: {  	s9 =	sadd.s32 $0xFFFFFEF7, lr;
	s5 =	simm.s32 $0xFFFFFFFF;
	p2 =	slt.u32 s8, $0xFFFFF086  }
0x1c: {  	p1 =	slt.u32 s9, $0xF7A;
	s5 =	simm.s32 @!p2 $0x0  }
0x1d: {  	s5 =	simm.s32 @p1 $0x1;
	p0 =	seq.s32 s7, s2  }
0x1e: {  	s7 =	smul.u32 @!p0 $0xF7A, s2;
	p2 =	seq.s32 @!p0 s5, $0x0  }
0x1f: {  	s9 =	smul.u32 $0xF7A, s1;
	s8 =	simm.s32 @!p0 $0x1BF5;
	p2 =	por !p2, p0  }
0x20: {  	[sflag:s8] =	ssyncset.s32 @!p0 $0xFFFFF086;
	s6 =	sadd.s32 @!p0 s3, s7;
	s7 =	simm.s32 @!p0 $0x108  }
0x21: {  	s3 =	sadd.s32 s3, s9;
	s6 =	sadd.s32 @!p0 $0x88, s6;
	s7 =	simm.s32 @p2 $0x1082  }
0x22: {  	[simem:s7], [sflag:s8] =	dma.local @!p0 [hbm:s6], $0xF7A  }
0x23: {  	s9 =	sor.u32 $0xD0000000, s2;
	s6 =	simm.s32 $0x108;
	_ =	swait.ge @!p0 [sflag:s8], $0x0  }
0x24: {  	s3 =	sadd.s32 $0x88, s3;
	s6 =	simm.s32 @!p1 $0x1082;
	[sflag:s4] =	ssyncset.s32 $0xFFFFF086  }
0x25: {  	[simem:s6], [sflag:s4] =	dma.local [hbm:s3], $0xF7A  }
0x26: {  	[smem:$0x3F9E] =	sst s1;
	(tag) =	ssettag s2;
	_ =	strace s9  }
0x27: {  	s1 =	sld [smem:$0x3FAE]  }
0x28: {  	s2 =	sld [smem:$0x3FAF]  }
0x29: {  	s4 =	sld [smem:$0x3FB1]  }
0x2a: {  	p0 =	seq.s32 s5, $0x0;
	s5 =	sld [smem:$0x3FB2]  }
0x2b: {  	s6 =	sld [smem:$0x3FB3]  }
0x2c: {  	s7 =	sld [smem:$0x3FB4]  }
0x2d: {  	s3 =	simm.s32 $0x108;
	s8 =	sld [smem:$0x3FB5]  }
0x2e: {  	s3 =	simm.s32 @!p0 $0x1082;
	s9 =	sld [smem:$0x3FB6]  }
0x2f: {  	lr =	sadd.s32 s0, s3;
	s0 =	sld [smem:$0x3FAD]  }
0x30: {  	s3 =	sld [smem:$0x3FB0]  }
0x31: {  	[smem:$0x3FB9] =	sst s10  }
0x32: {  	s10 =	sld [smem:$0x3FB7];
	_ =	sdelay $0x3  }
0x33: {  	p0 =	seq.s32 s10, $0x1;
	s10 =	sld [smem:$0x3FB9];
	_ =	sdelay $0x3  }
0x34: {  	[smem:$0x3FB9] =	sst s10  }
0x35: {  	s10 =	sld [smem:$0x3FB8];
	_ =	sdelay $0x3  }
0x36: {  	p1 =	seq.s32 s10, $0x1;
	s10 =	sld [smem:$0x3FB9];
	_ =	sdelay $0x3  }
0x37: {  	[smem:$0x3FB9] =	sst s10  }
0x38: {  	s10 =	sld [smem:$0x3FBA]  }
0x39: {  	_ = 	snop;
	(pc) =	sbr.ind lr, $3  }
0x3a: {  	_ = 	snop  }
0x3b: {  	_ = 	snop  }
0x3c: {  	p2 =	seq.s32 s10, $0x1;
	s10 =	sld [smem:$0x3FB9]  }
0x3d: {  	_ =	shalt  }
0x3e: {  	_ =	shalt  }
0x3f: {  	_ =	shalt  }
0x40: {  	_ =	shalt  }
0x41: {  	_ =	shalt  }
0x42: {  	_ =	shalt  }
0x43: {  	_ =	shalt  }
0x44: {  	_ =	shalt  }
0x45: {  	_ =	shalt  }
0x46: {  	_ =	shalt  }
0x47: {  	_ =	shalt  }
0x48: {  	_ =	shalt  }
0x49: {  	_ =	shalt  }
0x4a: {  	_ =	shalt  }
0x4b: {  	_ =	shalt  }
0x4c: {  	_ =	shalt  }
0x4d: {  	_ =	shalt  }
0x4e: {  	_ =	shalt  }
0x4f: {  	_ =	shalt  }
0x50: {  	_ =	shalt  }
0x51: {  	_ =	shalt  }
0x52: {  	_ =	shalt  }
0x53: {  	_ =	shalt  }
0x54: {  	_ =	shalt  }
0x55: {  	_ =	shalt  }
0x56: {  	_ =	shalt  }
0x57: {  	_ =	shalt  }
0x58: {  	_ =	shalt  }
0x59: {  	_ =	shalt  }
0x5a: {  	_ =	shalt  }
0x5b: {  	_ =	shalt  }
0x5c: {  	_ =	shalt  }
0x5d: {  	_ =	shalt  }
0x5e: {  	_ =	shalt  }
0x5f: {  	_ =	shalt  }
0x60: {  	_ =	shalt  }
0x61: {  	_ =	shalt  }
0x62: {  	_ =	shalt  }
0x63: {  	_ =	shalt  }
0x64: {  	_ =	shalt  }
0x65: {  	_ =	shalt  }
0x66: {  	_ =	shalt  }
0x67: {  	_ =	shalt  }
0x68: {  	_ =	shalt  }
0x69: {  	_ =	shalt  }
0x6a: {  	_ =	shalt  }
0x6b: {  	_ =	shalt  }
0x6c: {  	_ =	shalt  }
0x6d: {  	_ =	shalt  }
0x6e: {  	_ =	shalt  }
0x6f: {  	_ =	shalt  }
0x70: {  	_ =	shalt  }
0x71: {  	_ =	shalt  }
0x72: {  	_ =	shalt  }
0x73: {  	_ =	shalt  }
0x74: {  	_ =	shalt  }
0x75: {  	_ =	shalt  }
0x76: {  	_ =	shalt  }
0x77: {  	_ =	shalt  }
0x78: {  	_ =	shalt  }
0x79: {  	_ =	shalt  }
0x7a: {  	_ =	shalt  }
0x7b: {  	_ =	shalt  }
0x7c: {  	_ =	shalt  }
0x7d: {  	_ =	shalt  }
0x7e: {  	_ =	shalt  }
0x7f: {  	_ =	shalt  }
0x80: {  	_ =	shalt  }
0x81: {  	_ =	shalt  }
0x82: {  	_ =	shalt  }
0x83: {  	_ =	shalt  }
0x84: {  	_ =	shalt  }
0x85: {  	_ =	shalt  }
0x86: {  	_ =	shalt  }
0x87: {  	_ =	shalt  }
.Lfunc_end0:
.L_simem_size_0:
called_computation_lowered:
.L_overlay_start_0:
0x88: {  	s2 =	sld [smem:$0x3FD9]  }
0x89: {  	s3 =	sld [smem:$0x3FFE];
	_ =	sdelay $0x1  }
0x8a: {  	s1 =	srdreg.scid  }
0x8b: {  	s0 =	sand.u32 $0x1, s1  }
0x8c: {  	s17 =	sshll.u32 s0, $0xA;
	s2 =	sadd.s32 s3, s2  }
0x8d: {  	s2 =	sadd.s32 s2, s17  }
0x8e: {  	[smem:$0x3FC5] =	sst s2  }
0x8f: {  	_ = 	snop  }
0x90: {  	s2 =	sld [smem:$0x3FC9]  }
0x91: {  	s18 =	sld [smem:$0x3FC7]  }
0x92: {  	s4 =	sld [smem:$0x3FD0];
	(tm) =	ssettm $0x1  }
0x93: {  	s5 =	sld [smem:$0x3FFB];
	_ =	sdelay $0x3  }
0x94: {  	_ =	strace s5  }
0x95: {  	s5 =	sld [smem:$0x3FFC];
	_ =	sdelay $0x3  }
0x96: {  	_ =	strace s5  }
0x97: {  	s5 =	sld [smem:$0x3FFD];
	_ =	sdelay $0x3  }
0x98: {  	_ =	strace s5  }
0x99: {  	_ =	strace $0x8FFFFFFF  }
0x9a: {  	s19 =	sld [smem:$0x3FDB];
	_ =	sdelay $0x1  }
0x9b: {  	s6 =	simm.s32 $_scs_section_size  }
0x9c: {  	s7 =	simm.s32 $_size__tile_overlayer_lowered;
	s8 =	simm.s32 $_tile_overlayer_lowered  }
0x9d: {  	s22 =	simm.s32 $0x1BFF;
	s21 =	sshll.u32 s8, $0x1;
	s5 =	sadd.s32 s6, s19  }
0x9e: {  	s9 =	simm.s32 $0x0;
	s20 =	sshll.u32 s7, $0x1;
	s7 =	sadd.s32 s21, s5  }
0x9f: {  	[timem:s9], [sflag:s22] =	dma.local [hbm:s7], s20  }
0xa0: {  	_ =	swait.ge [sflag:s22], s20  }
0xa1: {  	s6 =	ssub.s32 $0x0, s20;
	[sflag:s22] =	ssyncset.done $0x0  }
0xa2: {  	[sflag:s22] =	ssyncadd.s32 s6;
	_ =	sdelay $0x1  }
0xa3: {  	s23 =	simm.s32 $0x1B8B  }
0xa4: {  	_ =	swait.ge [sflag:s23], $0x1  }
0xa5: {  	[sflag:s23] =	ssyncset.done $0x0  }
0xa6: {  	s25 =	simm.s32 $0x1B8E;
	s24 =	sld [smem:$0x3FFE];
	[sflag:s23] =	ssyncadd.s32 $0xFFFFFFFF  }
0xa7: {  	s26 =	simm.s32 $execute0_lowered;
	[smem:$0x3FD2] =	sst s25  }
0xa8: {  	s7 =	sshll.u32 s26, $0x1;
	_ =	strace $0x80000046;
	[dreg:$0x1] =	wrdreg $0xFFFFFFFF  }
0xa9: {  	s28 =	simm.s32 $_size_execute0_lowered;
	s5 =	sadd.s32 s5, s7;
	[dreg:$0x0] =	wrdreg $0x0  }
0xaa: {  	s7 =	sshll.u32 s28, $0x1;
	[dreg:$0x2] =	wrdreg s5  }
0xab: {  	[dreg:$0x3] =	wrdreg s7  }
0xac: {  	[dreg:$0x4] =	wrdreg $0xC0  }
0xad: {  	_ =	task [dreg:s9], $0x5FFFF  }
0xae: {  	[dreg:$0x1] =	wrdreg $0xFFFFFFFF  }
0xaf: {  	[dreg:$0x0] =	wrdreg $0x60  }
0xb0: {  	[dreg:$0x2] =	wrdreg s2  }
0xb1: {  	[dreg:$0x3] =	wrdreg s24  }
0xb2: {  	[dreg:$0x4] =	wrdreg s18  }
0xb3: {  	[dreg:$0x5] =	wrdreg s4  }
0xb4: {  	[dreg:$0x6] =	wrdreg $0x9  }
0xb5: {  	_ =	task.clear_ibuf [dreg:s9], $0x7FFFF;
	_ =	strace $0x90000046  }
0xb6: {  	s29 =	simm.s32 $0x9;
	_ =	strace $0x80000048  }
0xb7: {  	_ =	swait.ge [sflag:s29], $0x1  }
0xb8: {  	[sflag:s29] =	ssyncadd.s32 $0xFFFFFFFF  }
0xb9: {  	_ =	strace $0x90000048  }
0xba: {  	_ =	sfence  }
0xbb: {  	s30 =	sld [smem:$0x0];
	_ =	sdelay $0x2  }
0xbc: {  	s31 =	sshll.u32 s1, $0xD;
	s1 =	sshrl.u32 s1, $0x2  }
0xbd: {  	s3 =	sand.u32 $0x4000, s31;
	s1 =	sadd.s32 s1, s30  }
0xbe: {  	s0 =	sor.u32 s3, s0;
	s1 =	sshll.u32 s1, $0x11  }
0xbf: {  	s0 =	sor.u32 s1, s0  }
0xc0: {  	s0 =	sadd.s32 $0x8F2B, s0  }
0xc1: {  	[sflag:s0] =	ssyncadd.remote.s32 $0x1  }
0xc2: {  	_ =	sfence.sel $0xFFFF  }
0xc3: {  	[dreg:$0x0] =	wrdreg $0xFFFFFFFF;
	(pc) =	sbr.abs _section_cstart, $3  }
0xc4: {  	[dreg:$0x1] =	wrdreg $0xFFFFFFFF  }
0xc5: {  	_ =	task.clear_ibuf [dreg:s9], $0x2FFFF;
	_ =	strace $0x9FFFFFFF  }
0xc6: {  	(tm) =	ssettm $0x7FFFFFFF  }
0xc7: {  	_ =	shalt  }
tec
execute0_lowered:
.L_overlay_start_1:
0x0: {  	(tag) =	ssettag $0x1  }
0x1: {  	s20 =	rddreg [dreg:$0x0]  }
0x2: {  	s0 =	rddreg [dreg:$0x1]  }
0x3: {  	s22 =	rddreg [dreg:$0x3]  }
0x4: {  	s1 =	srdreg.scid;
	s2 =	stileid.u32  }
0x5: {  	s4 =	simm.s32 $0x0;
	s1 =	sand.u32 $0x1, s1;
	s2 =	sshll.u32 s2, $0x1  }
0x6: {  	[smem:$0x7FF] =	sst s4;
	s17 =	sadd.s32 $0x10, s20;
	s19 =	sadd.s32 $0x20, s20  }
0x7: {  	s23 =	sadd.s32 $0x10, s22;
	_ =	strace $0x80000047;
	[dreg:$0x6] =	wrdreg s17  }
0x8: {  	s24 =	sadd.s32 $0x20, s22;
	s2 =	sor.u32 s1, s2;
	[dreg:$0x7] =	wrdreg s19  }
0x9: {  	s1 =	ssub.s32 $0x2, s1;
	s19 =	sadd.s32 $0x30, s20;
	[dreg:$0x9] =	wrdreg s23  }
0xa: {  	[dreg:$0xa] =	wrdreg s24;
	s23 =	simm.s32 $0x80;
	s24 =	simm.s32 $0x200  }
0xb: {  	s25 =	sshll.u32 s2, $0x5;
	s26 =	smul.u32 $0x6000, s2;
	s5 =	sshrl.u32 s1, $0x1  }
0xc: {  	s7 =	smul.u32 $0x30000, s2;
	[dreg:$0x8] =	wrdreg s19;
	p0 =	sne.s32 s2, $0x0  }
0xd: {  	s0 =	sadd.s32 s25, s0;
	s1 =	ssub.s32 s1, s5;
	s25 =	sadd.s32 $0x30, s22  }
0xe: {  	s0 =	sadd.s32 $0x400, s0;
	s28 =	sor.u32 $0x180, s26;
	s29 =	sor.u32 $0xD80, s26  }
0xf: {  	s18 =	sshrl.u32 s7, $0x3;
	s4 =	sor.u32 $0x1980, s26;
	[dreg:$0xb] =	wrdreg s25  }
0x10: {  	s26 =	simm.s32 $0x40;
	s1 =	smax.u32 s1, $0x1;
	[dreg:$0x5] =	wrdreg s0  }
0x11: {  	s6 =	sadd.s32 s20, s28;
	s7 =	sadd.s32 s20, s29;
	s15 =	sadd.s32 $0x2580, s18  }
0x12: {  	s8 =	sadd.s32 s20, s4;
	s9 =	sadd.s32 s22, s28;
	s11 =	sadd.s32 s22, s29  }
0x13: {  	s30 =	sadd.s32 $0x3180, s18;
	s31 =	sadd.s32 $0x3D80, s18;
	s13 =	sadd.s32 s22, s4  }
0x14: {  	s3 =	sadd.s32 $0x4980, s18;
	s21 =	sadd.s32 $0x5580, s18;
	[dreg:$0xc] =	wrdreg s26  }
0x15: {  	s28 =	simm.s32 $0x60;
	s29 =	simm.s32 $0xA0;
	s10 =	sadd.s32 s20, s15  }
0x16: {  	s12 =	sadd.s32 s20, s30;
	s14 =	sadd.s32 s20, s31;
	s15 =	sadd.s32 s22, s15  }
0x17: {  	s16 =	sadd.s32 s20, s3;
	s17 =	sadd.s32 s22, s30;
	[dreg:$0xd] =	wrdreg s28  }
0x18: {  	s18 =	sadd.s32 s20, s21;
	[dreg:$0xe] =	wrdreg s29;
	s30 =	simm.s32 $0xC0  }
0x19: {  	s19 =	sadd.s32 s22, s31;
	s31 =	simm.s32 $0xE0;
	[dreg:$0xf] =	wrdreg s30  }
0x1a: {  	s20 =	sadd.s32 s22, s3;
	s21 =	sadd.s32 s22, s21;
	[dreg:$0x10] =	wrdreg s31  }
.LBB2_1:
0x1b: {  	s30 =	rddreg [dreg:$0x5];
	s29 =	simm.s32 $0x0;
	s0 =	simm.s32 @!p0 $0x200  }
0x1c: {  	[tilespmem:s29], [sflag:$0xD] =	stream.linear.gather [hbm4b:s30+s29], $0x100, $0x38;
	[tilespmem:$0x18100] =	vst v63  }
0x1d: {  	s5 =	simm.s32 @!p0 $0x100;
	s2 =	rddreg [dreg:$0x0];
	s30 =	simm.s32 @!p0 $0x80  }
0x1e: {  	[tilespmem:s5], [sflag:$0xE] =	stream.strided.gather @!p0 [hbm4b:s2+s30], $0x300, s0, s30, $0x38;
	[tilespmem:$0x18100] =	vst v63  }
0x1f: {  	s31 =	rddreg [dreg:$0x6];
	s25 =	simm.s32 @!p0 $0x400  }
0x20: {  	[tilespmem:s25], [sflag:$0xE] =	stream.strided.gather @!p0 [hbm4b:s31+s30], $0x300, s0, s30, $0x38;
	[tilespmem:$0x18100] =	vst v63  }
0x21: {  	s28 =	rddreg [dreg:$0x7];
	s31 =	simm.s32 @!p0 $0x700  }
0x22: {  	[tilespmem:s31], [sflag:$0xE] =	stream.strided.gather @!p0 [hbm4b:s28+s30], $0x300, s0, s30, $0x38;
	[tilespmem:$0x18100] =	vst v63  }
0x23: {  	s2 =	rddreg [dreg:$0x8];
	s28 =	simm.s32 @!p0 $0xA00  }
0x24: {  	[tilespmem:s28], [sflag:$0xE] =	stream.strided.gather @!p0 [hbm4b:s2+s30], $0x300, s0, s30, $0x38;
	[tilespmem:$0x18100] =	vst v63  }
0x25: {  	[dreg:$0x11] =	wrdreg s1;
	s2 =	simm.s32 @!p0 $0xE  }
0x26: {  	_ =	swait.ge @!p0 [sflag:s2], $0xC00  }
0x27: {  	[sflag:s2] =	ssyncset.done @!p0 $0x0  }
0x28: {  	[sflag:s2] =	ssyncadd.s32 @!p0 $0xFFFFF400  }
0x29: {  	s26 =	rddreg [dreg:$0x3]  }
0x2a: {  	[hbm4b:s26+s30] =	stream.strided.scatter @!p0 [tilespmem:s5], [sflag:$0xE], $0x300, s0, s30, $0x38;
	[tilespmem:$0x18100] =	vst v63  }
0x2b: {  	s4 =	rddreg [dreg:$0x9]  }
0x2c: {  	[hbm4b:s4+s30] =	stream.strided.scatter @!p0 [tilespmem:s25], [sflag:$0xE], $0x300, s0, s30, $0x38;
	[tilespmem:$0x18100] =	vst v63  }
0x2d: {  	s5 =	rddreg [dreg:$0xa]  }
0x2e: {  	[hbm4b:s5+s30] =	stream.strided.scatter @!p0 [tilespmem:s31], [sflag:$0xE], $0x300, s0, s30, $0x38;
	[tilespmem:$0x18100] =	vst v63  }
0x2f: {  	s4 =	rddreg [dreg:$0xb]  }
0x30: {  	[hbm4b:s4+s30] =	stream.strided.scatter @!p0 [tilespmem:s28], [sflag:$0xE], $0x300, s0, s30, $0x38;
	[tilespmem:$0x18100] =	vst v63  }
0x31: {  	_ =	swait.ge @!p0 [sflag:s2], $0xC00  }
0x32: {  	[sflag:s2] =	ssyncset.done @!p0 $0x0  }
0x33: {  	s3 =	simm.s32 $0x100;
	[sflag:s2] =	ssyncadd.s32 @!p0 $0xFFFFF400  }
0x34: {  	[tilespmem:s3], [sflag:$0x1] =	stream.strided.gather [hbm4b:s6+s23], $0x300, s24, s23, $0x38;
	[tilespmem:$0x18100] =	vst v63  }
0x35: {  	s5 =	simm.s32 $0x400;
	s4 =	sadd.s32 $0x10, s6  }
0x36: {  	[tilespmem:s5], [sflag:$0x1] =	stream.strided.gather [hbm4b:s4+s23], $0x300, s24, s23, $0x38;
	[tilespmem:$0x18100] =	vst v63  }
0x37: {  	s22 =	sadd.s32 $0x20, s6;
	s25 =	simm.s32 $0x700  }
0x38: {  	[tilespmem:s25], [sflag:$0x1] =	stream.strided.gather [hbm4b:s22+s23], $0x300, s24, s23, $0x38;
	[tilespmem:$0x18100] =	vst v63  }
0x39: {  	s26 =	sadd.s32 $0x30, s6;
	s28 =	simm.s32 $0xA00  }
0x3a: {  	[tilespmem:s28], [sflag:$0x1] =	stream.strided.gather [hbm4b:s26+s23], $0x300, s24, s23, $0x38;
	[tilespmem:$0x18100] =	vst v63  }
0x3b: {  	s31 =	simm.s32 $0xD00;
	s30 =	sadd.s32 $0x180, s6  }
0x3c: {  	[tilespmem:s31], [sflag:$0x1] =	stream.strided.gather [hbm4b:s30+s23], $0x300, s24, s23, $0x38;
	[tilespmem:$0x18100] =	vst v63  }
0x3d: {  	s2 =	sadd.s32 $0x190, s6;
	s3 =	simm.s32 $0x1000  }
0x3e: {  	[tilespmem:s3], [sflag:$0x1] =	stream.strided.gather [hbm4b:s2+s23], $0x300, s24, s23, $0x38;
	[tilespmem:$0x18100] =	vst v63  }
0x3f: {  	s4 =	sadd.s32 $0x1A0, s6;
	s5 =	simm.s32 $0x1300  }
0x40: {  	[tilespmem:s5], [sflag:$0x1] =	stream.strided.gather [hbm4b:s4+s23], $0x300, s24, s23, $0x38;
	[tilespmem:$0x18100] =	vst v63  }
0x41: {  	s22 =	sadd.s32 $0x1B0, s6;
	s25 =	simm.s32 $0x1600  }
0x42: {  	[tilespmem:s25], [sflag:$0x1] =	stream.strided.gather [hbm4b:s22+s23], $0x300, s24, s23, $0x38;
	[tilespmem:$0x18100] =	vst v63  }
0x43: {  	s26 =	sadd.s32 $0x300, s6;
	s28 =	simm.s32 $0x1900  }
0x44: {  	[tilespmem:s28], [sflag:$0x1] =	stream.strided.gather [hbm4b:s26+s23], $0x300, s24, s23, $0x38;
	[tilespmem:$0x18100] =	vst v63  }
0x45: {  	s30 =	sadd.s32 $0x310, s6;
	s31 =	simm.s32 $0x1C00  }
0x46: {  	[tilespmem:s31], [sflag:$0x1] =	stream.strided.gather [hbm4b:s30+s23], $0x300, s24, s23, $0x38;
	[tilespmem:$0x18100] =	vst v63  }
0x47: {  	s2 =	sadd.s32 $0x320, s6;
	s3 =	simm.s32 $0x1F00  }
0x48: {  	[tilespmem:s3], [sflag:$0x1] =	stream.strided.gather [hbm4b:s2+s23], $0x300, s24, s23, $0x38;
	[tilespmem:$0x18100] =	vst v63  }
0x49: {  	s4 =	sadd.s32 $0x330, s6;
	s5 =	simm.s32 $0x2200  }
0x4a: {  	[tilespmem:s5], [sflag:$0x1] =	stream.strided.gather [hbm4b:s4+s23], $0x300, s24, s23, $0x38;
	[tilespmem:$0x18100] =	vst v63  }
0x4b: {  	s22 =	sadd.s32 $0x480, s6;
	s25 =	simm.s32 $0x2500  }
0x4c: {  	[tilespmem:s25], [sflag:$0x1] =	stream.strided.gather [hbm4b:s22+s23], $0x300, s24, s23, $0x38;
	[tilespmem:$0x18100] =	vst v63  }
0x4d: {  	s26 =	sadd.s32 $0x490, s6;
	s28 =	simm.s32 $0x2800  }
0x4e: {  	[tilespmem:s28], [sflag:$0x1] =	stream.strided.gather [hbm4b:s26+s23], $0x300, s24, s23, $0x38;
	[tilespmem:$0x18100] =	vst v63  }
0x4f: {  	s30 =	sadd.s32 $0x4A0, s6;
	s31 =	simm.s32 $0x2B00  }
0x50: {  	[tilespmem:s31], [sflag:$0x1] =	stream.strided.gather [hbm4b:s30+s23], $0x300, s24, s23, $0x38;
	[tilespmem:$0x18100] =	vst v63  }
0x51: {  	s2 =	sadd.s32 $0x4B0, s6;
	s3 =	simm.s32 $0x2E00  }
0x52: {  	[tilespmem:s3], [sflag:$0x1] =	stream.strided.gather [hbm4b:s2+s23], $0x300, s24, s23, $0x38;
	[tilespmem:$0x18100] =	vst v63  }
0x53: {  	s4 =	sadd.s32 $0x600, s6;
	s5 =	simm.s32 $0x3100  }
0x54: {  	[tilespmem:s5], [sflag:$0x1] =	stream.strided.gather [hbm4b:s4+s23], $0x300, s24, s23, $0x38;
	[tilespmem:$0x18100] =	vst v63  }
0x55: {  	s22 =	sadd.s32 $0x610, s6;
	s25 =	simm.s32 $0x3400  }
0x56: {  	[tilespmem:s25], [sflag:$0x1] =	stream.strided.gather [hbm4b:s22+s23], $0x300, s24, s23, $0x38;
	[tilespmem:$0x18100] =	vst v63  }
0x57: {  	s26 =	sadd.s32 $0x620, s6;
	s28 =	simm.s32 $0x3700  }
0x58: {  	[tilespmem:s28], [sflag:$0x1] =	stream.strided.gather [hbm4b:s26+s23], $0x300, s24, s23, $0x38;
	[tilespmem:$0x18100] =	vst v63  }
0x59: {  	s30 =	sadd.s32 $0x630, s6;
	s31 =	simm.s32 $0x3A00  }
0x5a: {  	[tilespmem:s31], [sflag:$0x1] =	stream.strided.gather [hbm4b:s30+s23], $0x300, s24, s23, $0x38;
	[tilespmem:$0x18100] =	vst v63  }
0x5b: {  	s2 =	sadd.s32 $0x780, s6;
	s3 =	simm.s32 $0x3D00  }
0x5c: {  	[tilespmem:s3], [sflag:$0x1] =	stream.strided.gather [hbm4b:s2+s23], $0x300, s24, s23, $0x38;
	[tilespmem:$0x18100] =	vst v63  }
0x5d: {  	s4 =	sadd.s32 $0x790, s6;
	s5 =	simm.s32 $0x4000  }
0x5e: {  	[tilespmem:s5], [sflag:$0x1] =	stream.strided.gather [hbm4b:s4+s23], $0x300, s24, s23, $0x38;
	[tilespmem:$0x18100] =	vst v63  }
0x5f: {  	s22 =	sadd.s32 $0x7A0, s6;
	s25 =	simm.s32 $0x4300  }
0x60: {  	[tilespmem:s25], [sflag:$0x1] =	stream.strided.gather [hbm4b:s22+s23], $0x300, s24, s23, $0x38;
	[tilespmem:$0x18100] =	vst v63  }
0x61: {  	s26 =	sadd.s32 $0x7B0, s6;
	s28 =	simm.s32 $0x4600  }
0x62: {  	[tilespmem:s28], [sflag:$0x1] =	stream.strided.gather [hbm4b:s26+s23], $0x300, s24, s23, $0x38;
	[tilespmem:$0x18100] =	vst v63  }
0x63: {  	s30 =	sadd.s32 $0x900, s6;
	s31 =	simm.s32 $0x4900  }
0x64: {  	[tilespmem:s31], [sflag:$0x1] =	stream.strided.gather [hbm4b:s30+s23], $0x300, s24, s23, $0x38;
	[tilespmem:$0x18100] =	vst v63  }
0x65: {  	s2 =	sadd.s32 $0x910, s6;
	s3 =	simm.s32 $0x4C00  }
0x66: {  	[tilespmem:s3], [sflag:$0x1] =	stream.strided.gather [hbm4b:s2+s23], $0x300, s24, s23, $0x38;
	[tilespmem:$0x18100] =	vst v63  }
0x67: {  	s4 =	sadd.s32 $0x920, s6;
	s5 =	simm.s32 $0x4F00  }
0x68: {  	[tilespmem:s5], [sflag:$0x1] =	stream.strided.gather [hbm4b:s4+s23], $0x300, s24, s23, $0x38;
	[tilespmem:$0x18100] =	vst v63  }
0x69: {  	s22 =	sadd.s32 $0x930, s6;
	s25 =	simm.s32 $0x5200  }
0x6a: {  	[tilespmem:s25], [sflag:$0x1] =	stream.strided.gather [hbm4b:s22+s23], $0x300, s24, s23, $0x38;
	[tilespmem:$0x18100] =	vst v63  }
0x6b: {  	s26 =	sadd.s32 $0xA80, s6;
	s28 =	simm.s32 $0x5500  }
0x6c: {  	[tilespmem:s28], [sflag:$0x1] =	stream.strided.gather [hbm4b:s26+s23], $0x300, s24, s23, $0x38;
	[tilespmem:$0x18100] =	vst v63  }
0x6d: {  	s30 =	sadd.s32 $0xA90, s6;
	s31 =	simm.s32 $0x5800  }
0x6e: {  	[tilespmem:s31], [sflag:$0x1] =	stream.strided.gather [hbm4b:s30+s23], $0x300, s24, s23, $0x38;
	[tilespmem:$0x18100] =	vst v63  }
0x6f: {  	s1 =	sadd.s32 $0xAA0, s6;
	s2 =	simm.s32 $0x5B00  }
0x70: {  	[tilespmem:s2], [sflag:$0x1] =	stream.strided.gather [hbm4b:s1+s23], $0x300, s24, s23, $0x38;
	[tilespmem:$0x18100] =	vst v63  }
0x71: {  	s3 =	sadd.s32 $0xAB0, s6;
	s4 =	simm.s32 $0x5E00  }
0x72: {  	[tilespmem:s4], [sflag:$0x1] =	stream.strided.gather [hbm4b:s3+s23], $0x300, s24, s23, $0x38;
	[tilespmem:$0x18100] =	vst v63  }
0x73: {  	s5 =	simm.s32 $0x6100  }
0x74: {  	[tilespmem:s5], [sflag:$0x2] =	stream.strided.gather [hbm4b:s7+s23], $0x300, s24, s23, $0x38;
	[tilespmem:$0x18100] =	vst v63  }
0x75: {  	s22 =	sadd.s32 $0x10, s7;
	s25 =	simm.s32 $0x6400  }
0x76: {  	[tilespmem:s25], [sflag:$0x2] =	stream.strided.gather [hbm4b:s22+s23], $0x300, s24, s23, $0x38;
	[tilespmem:$0x18100] =	vst v63  }
0x77: {  	s26 =	sadd.s32 $0x20, s7;
	s28 =	simm.s32 $0x6700  }
0x78: {  	[tilespmem:s28], [sflag:$0x2] =	stream.strided.gather [hbm4b:s26+s23], $0x300, s24, s23, $0x38;
	[tilespmem:$0x18100] =	vst v63  }
0x79: {  	s30 =	sadd.s32 $0x30, s7;
	s31 =	simm.s32 $0x6A00  }
0x7a: {  	[tilespmem:s31], [sflag:$0x2] =	stream.strided.gather [hbm4b:s30+s23], $0x300, s24, s23, $0x38;
	[tilespmem:$0x18100] =	vst v63  }
0x7b: {  	s2 =	sadd.s32 $0x180, s7;
	s3 =	simm.s32 $0x6D00  }
0x7c: {  	[tilespmem:s3], [sflag:$0x2] =	stream.strided.gather [hbm4b:s2+s23], $0x300, s24, s23, $0x38;
	[tilespmem:$0x18100] =	vst v63  }
0x7d: {  	s4 =	sadd.s32 $0x190, s7;
	s5 =	simm.s32 $0x7000  }
0x7e: {  	[tilespmem:s5], [sflag:$0x2] =	stream.strided.gather [hbm4b:s4+s23], $0x300, s24, s23, $0x38;
	[tilespmem:$0x18100] =	vst v63  }
0x7f: {  	s22 =	sadd.s32 $0x1A0, s7;
	s25 =	simm.s32 $0x7300  }
0x80: {  	[tilespmem:s25], [sflag:$0x2] =	stream.strided.gather [hbm4b:s22+s23], $0x300, s24, s23, $0x38;
	[tilespmem:$0x18100] =	vst v63  }
0x81: {  	s26 =	sadd.s32 $0x1B0, s7;
	s28 =	simm.s32 $0x7600  }
0x82: {  	[tilespmem:s28], [sflag:$0x2] =	stream.strided.gather [hbm4b:s26+s23], $0x300, s24, s23, $0x38;
	[tilespmem:$0x18100] =	vst v63  }
0x83: {  	s30 =	sadd.s32 $0x300, s7;
	s31 =	simm.s32 $0x7900  }
0x84: {  	[tilespmem:s31], [sflag:$0x2] =	stream.strided.gather [hbm4b:s30+s23], $0x300, s24, s23, $0x38;
	[tilespmem:$0x18100] =	vst v63  }
0x85: {  	s2 =	sadd.s32 $0x310, s7;
	s3 =	simm.s32 $0x7C00  }
0x86: {  	[tilespmem:s3], [sflag:$0x2] =	stream.strided.gather [hbm4b:s2+s23], $0x300, s24, s23, $0x38;
	[tilespmem:$0x18100] =	vst v63  }
0x87: {  	s4 =	sadd.s32 $0x320, s7;
	s5 =	simm.s32 $0x7F00  }
0x88: {  	[tilespmem:s5], [sflag:$0x2] =	stream.strided.gather [hbm4b:s4+s23], $0x300, s24, s23, $0x38;
	[tilespmem:$0x18100] =	vst v63  }
0x89: {  	s22 =	sadd.s32 $0x330, s7;
	s25 =	simm.s32 $0x8200  }
0x8a: {  	[tilespmem:s25], [sflag:$0x2] =	stream.strided.gather [hbm4b:s22+s23], $0x300, s24, s23, $0x38;
	[tilespmem:$0x18100] =	vst v63  }
0x8b: {  	s26 =	sadd.s32 $0x480, s7;
	s28 =	simm.s32 $0x8500  }
0x8c: {  	[tilespmem:s28], [sflag:$0x2] =	stream.strided.gather [hbm4b:s26+s23], $0x300, s24, s23, $0x38;
	[tilespmem:$0x18100] =	vst v63  }
0x8d: {  	s30 =	sadd.s32 $0x490, s7;
	s31 =	simm.s32 $0x8800  }
0x8e: {  	[tilespmem:s31], [sflag:$0x2] =	stream.strided.gather [hbm4b:s30+s23], $0x300, s24, s23, $0x38;
	[tilespmem:$0x18100] =	vst v63  }
0x8f: {  	s2 =	sadd.s32 $0x4A0, s7;
	s3 =	simm.s32 $0x8B00  }
0x90: {  	[tilespmem:s3], [sflag:$0x2] =	stream.strided.gather [hbm4b:s2+s23], $0x300, s24, s23, $0x38;
	[tilespmem:$0x18100] =	vst v63  }
0x91: {  	s4 =	sadd.s32 $0x4B0, s7;
	s5 =	simm.s32 $0x8E00  }
0x92: {  	[tilespmem:s5], [sflag:$0x2] =	stream.strided.gather [hbm4b:s4+s23], $0x300, s24, s23, $0x38;
	[tilespmem:$0x18100] =	vst v63  }
0x93: {  	s22 =	sadd.s32 $0x600, s7;
	s25 =	simm.s32 $0x9100  }
0x94: {  	[tilespmem:s25], [sflag:$0x2] =	stream.strided.gather [hbm4b:s22+s23], $0x300, s24, s23, $0x38;
	[tilespmem:$0x18100] =	vst v63  }
0x95: {  	s26 =	sadd.s32 $0x610, s7;
	s28 =	simm.s32 $0x9400  }
0x96: {  	[tilespmem:s28], [sflag:$0x2] =	stream.strided.gather [hbm4b:s26+s23], $0x300, s24, s23, $0x38;
	[tilespmem:$0x18100] =	vst v63  }
0x97: {  	s30 =	sadd.s32 $0x620, s7;
	s31 =	simm.s32 $0x9700  }
0x98: {  	[tilespmem:s31], [sflag:$0x2] =	stream.strided.gather [hbm4b:s30+s23], $0x300, s24, s23, $0x38;
	[tilespmem:$0x18100] =	vst v63  }
0x99: {  	s2 =	sadd.s32 $0x630, s7;
	s3 =	simm.s32 $0x9A00  }
0x9a: {  	[tilespmem:s3], [sflag:$0x2] =	stream.strided.gather [hbm4b:s2+s23], $0x300, s24, s23, $0x38;
	[tilespmem:$0x18100] =	vst v63  }
0x9b: {  	s4 =	sadd.s32 $0x780, s7;
	s5 =	simm.s32 $0x9D00  }
0x9c: {  	[tilespmem:s5], [sflag:$0x2] =	stream.strided.gather [hbm4b:s4+s23], $0x300, s24, s23, $0x38;
	[tilespmem:$0x18100] =	vst v63  }
0x9d: {  	s22 =	sadd.s32 $0x790, s7;
	s25 =	simm.s32 $0xA000  }
0x9e: {  	[tilespmem:s25], [sflag:$0x2] =	stream.strided.gather [hbm4b:s22+s23], $0x300, s24, s23, $0x38;
	[tilespmem:$0x18100] =	vst v63  }
0x9f: {  	s26 =	sadd.s32 $0x7A0, s7;
	s28 =	simm.s32 $0xA300  }
0xa0: {  	[tilespmem:s28], [sflag:$0x2] =	stream.strided.gather [hbm4b:s26+s23], $0x300, s24, s23, $0x38;
	[tilespmem:$0x18100] =	vst v63  }
0xa1: {  	s30 =	sadd.s32 $0x7B0, s7;
	s31 =	simm.s32 $0xA600  }
0xa2: {  	[tilespmem:s31], [sflag:$0x2] =	stream.strided.gather [hbm4b:s30+s23], $0x300, s24, s23, $0x38;
	[tilespmem:$0x18100] =	vst v63  }
0xa3: {  	s2 =	sadd.s32 $0x900, s7;
	s3 =	simm.s32 $0xA900  }
0xa4: {  	[tilespmem:s3], [sflag:$0x2] =	stream.strided.gather [hbm4b:s2+s23], $0x300, s24, s23, $0x38;
	[tilespmem:$0x18100] =	vst v63  }
0xa5: {  	s4 =	sadd.s32 $0x910, s7;
	s5 =	simm.s32 $0xAC00  }
0xa6: {  	[tilespmem:s5], [sflag:$0x2] =	stream.strided.gather [hbm4b:s4+s23], $0x300, s24, s23, $0x38;
	[tilespmem:$0x18100] =	vst v63  }
0xa7: {  	s22 =	sadd.s32 $0x920, s7;
	s25 =	simm.s32 $0xAF00  }
0xa8: {  	[tilespmem:s25], [sflag:$0x2] =	stream.strided.gather [hbm4b:s22+s23], $0x300, s24, s23, $0x38;
	[tilespmem:$0x18100] =	vst v63  }
0xa9: {  	s26 =	sadd.s32 $0x930, s7;
	s28 =	simm.s32 $0xB200  }
0xaa: {  	[tilespmem:s28], [sflag:$0x2] =	stream.strided.gather [hbm4b:s26+s23], $0x300, s24, s23, $0x38;
	[tilespmem:$0x18100] =	vst v63  }
0xab: {  	s30 =	sadd.s32 $0xA80, s7;
	s31 =	simm.s32 $0xB500  }
0xac: {  	[tilespmem:s31], [sflag:$0x2] =	stream.strided.gather [hbm4b:s30+s23], $0x300, s24, s23, $0x38;
	[tilespmem:$0x18100] =	vst v63  }
0xad: {  	s2 =	sadd.s32 $0xA90, s7;
	s3 =	simm.s32 $0xB800  }
0xae: {  	[tilespmem:s3], [sflag:$0x2] =	stream.strided.gather [hbm4b:s2+s23], $0x300, s24, s23, $0x38;
	[tilespmem:$0x18100] =	vst v63  }
0xaf: {  	s4 =	sadd.s32 $0xAA0, s7;
	s5 =	simm.s32 $0xBB00  }
0xb0: {  	[tilespmem:s5], [sflag:$0x2] =	stream.strided.gather [hbm4b:s4+s23], $0x300, s24, s23, $0x38;
	[tilespmem:$0x18100] =	vst v63  }
0xb1: {  	s22 =	sadd.s32 $0xAB0, s7;
	s25 =	simm.s32 $0xBE00;
	s26 =	simm.s32 $0xD  }
0xb2: {  	[tilespmem:s25], [sflag:$0x2] =	stream.strided.gather [hbm4b:s22+s23], $0x300, s24, s23, $0x38;
	[tilespmem:$0x18100] =	vst v63  }
0xb3: {  	_ =	swait.ge [sflag:s26], $0x100  }
0xb4: {  	[sflag:s26] =	ssyncset.done $0x0  }
0xb5: {  	[sflag:s26] =	ssyncadd.s32 $0xFFFFFF00  }
0xb6: {  	v0 =	vld [tilespmem:$0x0]  }
0xb7: {  	v1 =	vld [tilespmem:$0x10]  }
0xb8: {  	v2 =	vld [tilespmem:$0x20]  }
0xb9: {  	v3 =	vld [tilespmem:$0x30]  }
0xba: {  	v4 =	vld [tilespmem:$0x40]  }
0xbb: {  	v5 =	vld [tilespmem:$0x50];
	vm0 =	vgt.s32 v0, $0x0  }
0xbc: {  	v6 =	vld [tilespmem:$0x60];
	vm13 =	vgt.s32 v1, $0x0;
	v0 =	vnsel vm0, $0x0, v0  }
0xbd: {  	v7 =	vld [tilespmem:$0x70];
	vm14 =	vgt.s32 v2, $0x0;
	v1 =	vnsel vm13, $0x0, v1;
	v0 =	vmin.u32 v0, $0x1FFF  }
0xbe: {  	v31 =	vld [tilespmem:$0x80];
	vm15 =	vgt.s32 v3, $0x0;
	v30 =	vnsel vm14, $0x0, v2;
	v29 =	vmin.u32 v1, $0x1FFF;
	[tilespmem:$0x0] =	vst v0  }
0xbf: {  	v34 =	vld [tilespmem:$0x90];
	vm4 =	vgt.s32 v4, $0x0;
	v33 =	vnsel vm15, $0x0, v3;
	v32 =	vmin.u32 v30, $0x1FFF;
	[tilespmem:$0x10] =	vst v29  }
0xc0: {  	v37 =	vld [tilespmem:$0xA0];
	vm5 =	vgt.s32 v5, $0x0;
	v36 =	vnsel vm4, $0x0, v4;
	v35 =	vmin.u32 v33, $0x1FFF;
	[tilespmem:$0x20] =	vst v32  }
0xc1: {  	v40 =	vld [tilespmem:$0xB0];
	vm6 =	vgt.s32 v6, $0x0;
	v39 =	vnsel vm5, $0x0, v5;
	v38 =	vmin.u32 v36, $0x1FFF;
	[tilespmem:$0x30] =	vst v35  }
0xc2: {  	v43 =	vld [tilespmem:$0xC0];
	vm7 =	vgt.s32 v7, $0x0;
	v42 =	vnsel vm6, $0x0, v6;
	v41 =	vmin.u32 v39, $0x1FFF;
	[tilespmem:$0x40] =	vst v38  }
0xc3: {  	v46 =	vld [tilespmem:$0xD0];
	vm8 =	vgt.s32 v31, $0x0;
	v45 =	vnsel vm7, $0x0, v7;
	v44 =	vmin.u32 v42, $0x1FFF;
	[tilespmem:$0x50] =	vst v41  }
0xc4: {  	v49 =	vld [tilespmem:$0xE0];
	vm9 =	vgt.s32 v34, $0x0;
	v48 =	vnsel vm8, $0x0, v31;
	v47 =	vmin.u32 v45, $0x1FFF;
	[tilespmem:$0x60] =	vst v44  }
0xc5: {  	v52 =	vld [tilespmem:$0xF0];
	vm10 =	vgt.s32 v37, $0x0;
	v51 =	vnsel vm9, $0x0, v34;
	v50 =	vmin.u32 v48, $0x1FFF;
	[tilespmem:$0x70] =	vst v47  }
0xc6: {  	vm11 =	vgt.s32 v40, $0x0;
	v54 =	vnsel vm10, $0x0, v37;
	v53 =	vmin.u32 v51, $0x1FFF;
	[tilespmem:$0x80] =	vst v50  }
0xc7: {  	vm12 =	vgt.s32 v43, $0x0;
	v56 =	vnsel vm11, $0x0, v40;
	v55 =	vmin.u32 v54, $0x1FFF;
	[tilespmem:$0x90] =	vst v53  }
0xc8: {  	v58 =	vnsel vm12, $0x0, v43;
	vm13 =	vgt.s32 v46, $0x0;
	v57 =	vmin.u32 v56, $0x1FFF;
	[tilespmem:$0xA0] =	vst v55  }
0xc9: {  	vm14 =	vgt.s32 v49, $0x0;
	v59 =	vmin.u32 v58, $0x1FFF;
	v60 =	vnsel vm13, $0x0, v46;
	[tilespmem:$0xB0] =	vst v57  }
0xca: {  	vm15 =	vgt.s32 v52, $0x0;
	v62 =	vnsel vm14, $0x0, v49;
	[tilespmem:$0xC0] =	vst v59;
	v61 =	vmin.u32 v60, $0x1FFF  }
0xcb: {  	v63 =	vnsel vm15, $0x0, v52;
	v1 =	vmin.u32 v62, $0x1FFF;
	[tilespmem:$0xD0] =	vst v61  }
0xcc: {  	v0 =	vmin.u32 v63, $0x1FFF;
	[tilespmem:$0xE0] =	vst v1  }
0xcd: {  	s22 =	simm.s32 $0x1;
	[tilespmem:$0xF0] =	vst v0  }
0xce: {  	_ =	swait.ge [sflag:s22], $0x6000  }
0xcf: {  	[sflag:s22] =	ssyncset.done $0x0  }
0xd0: {  	[sflag:s22] =	ssyncadd.s32 $0xFFFFA000  }
0xd1: {  	s28 =	simm.s32 $0x20;
	s4 =	simm.s32 $0x100;
	s2 =	rddreg [dreg:$0x2]  }
0xd2: {  	[tilespmem:s4], [sflag:$0x5] =	stream.indirect.gather.add.f32 [hbm:s2], $0x300, s29, s28, $0xb8;
	[tilespmem:$0x18100] =	vst v63  }
0xd3: {  	s29 =	simm.s32 $0xC100  }
0xd4: {  	[tilespmem:s29], [sflag:$0x3] =	stream.strided.gather [hbm4b:s8+s23], $0x300, s24, s23, $0x38;
	[tilespmem:$0x18100] =	vst v63  }
0xd5: {  	s30 =	sadd.s32 $0x10, s8;
	s31 =	simm.s32 $0xC400  }
0xd6: {  	[tilespmem:s31], [sflag:$0x3] =	stream.strided.gather [hbm4b:s30+s23], $0x300, s24, s23, $0x38;
	[tilespmem:$0x18100] =	vst v63  }
0xd7: {  	s1 =	sadd.s32 $0x20, s8;
	s3 =	simm.s32 $0xC700  }
0xd8: {  	[tilespmem:s3], [sflag:$0x3] =	stream.strided.gather [hbm4b:s1+s23], $0x300, s24, s23, $0x38;
	[tilespmem:$0x18100] =	vst v63  }
0xd9: {  	s25 =	sadd.s32 $0x30, s8;
	s26 =	simm.s32 $0xCA00  }
0xda: {  	[tilespmem:s26], [sflag:$0x3] =	stream.strided.gather [hbm4b:s25+s23], $0x300, s24, s23, $0x38;
	[tilespmem:$0x18100] =	vst v63  }
0xdb: {  	s28 =	sadd.s32 $0x180, s8;
	s29 =	simm.s32 $0xCD00  }
0xdc: {  	[tilespmem:s29], [sflag:$0x3] =	stream.strided.gather [hbm4b:s28+s23], $0x300, s24, s23, $0x38;
	[tilespmem:$0x18100] =	vst v63  }
0xdd: {  	s30 =	sadd.s32 $0x190, s8;
	s31 =	simm.s32 $0xD000  }
0xde: {  	[tilespmem:s31], [sflag:$0x3] =	stream.strided.gather [hbm4b:s30+s23], $0x300, s24, s23, $0x38;
	[tilespmem:$0x18100] =	vst v63  }
0xdf: {  	s1 =	sadd.s32 $0x1A0, s8;
	s3 =	simm.s32 $0xD300  }
0xe0: {  	[tilespmem:s3], [sflag:$0x3] =	stream.strided.gather [hbm4b:s1+s23], $0x300, s24, s23, $0x38;
	[tilespmem:$0x18100] =	vst v63  }
0xe1: {  	s25 =	sadd.s32 $0x1B0, s8;
	s26 =	simm.s32 $0xD600  }
0xe2: {  	[tilespmem:s26], [sflag:$0x3] =	stream.strided.gather [hbm4b:s25+s23], $0x300, s24, s23, $0x38;
	[tilespmem:$0x18100] =	vst v63  }
0xe3: {  	s28 =	sadd.s32 $0x300, s8;
	s29 =	simm.s32 $0xD900  }
0xe4: {  	[tilespmem:s29], [sflag:$0x3] =	stream.strided.gather [hbm4b:s28+s23], $0x300, s24, s23, $0x38;
	[tilespmem:$0x18100] =	vst v63  }
0xe5: {  	s30 =	sadd.s32 $0x310, s8;
	s31 =	simm.s32 $0xDC00  }
0xe6: {  	[tilespmem:s31], [sflag:$0x3] =	stream.strided.gather [hbm4b:s30+s23], $0x300, s24, s23, $0x38;
	[tilespmem:$0x18100] =	vst v63  }
0xe7: {  	s1 =	sadd.s32 $0x320, s8;
	s3 =	simm.s32 $0xDF00  }
0xe8: {  	[tilespmem:s3], [sflag:$0x3] =	stream.strided.gather [hbm4b:s1+s23], $0x300, s24, s23, $0x38;
	[tilespmem:$0x18100] =	vst v63  }
0xe9: {  	s25 =	sadd.s32 $0x330, s8;
	s26 =	simm.s32 $0xE200  }
0xea: {  	[tilespmem:s26], [sflag:$0x3] =	stream.strided.gather [hbm4b:s25+s23], $0x300, s24, s23, $0x38;
	[tilespmem:$0x18100] =	vst v63  }
0xeb: {  	s28 =	sadd.s32 $0x480, s8;
	s29 =	simm.s32 $0xE500  }
0xec: {  	[tilespmem:s29], [sflag:$0x3] =	stream.strided.gather [hbm4b:s28+s23], $0x300, s24, s23, $0x38;
	[tilespmem:$0x18100] =	vst v63  }
0xed: {  	s30 =	sadd.s32 $0x490, s8;
	s31 =	simm.s32 $0xE800  }
0xee: {  	[tilespmem:s31], [sflag:$0x3] =	stream.strided.gather [hbm4b:s30+s23], $0x300, s24, s23, $0x38;
	[tilespmem:$0x18100] =	vst v63  }
0xef: {  	s1 =	sadd.s32 $0x4A0, s8;
	s3 =	simm.s32 $0xEB00  }
0xf0: {  	[tilespmem:s3], [sflag:$0x3] =	stream.strided.gather [hbm4b:s1+s23], $0x300, s24, s23, $0x38;
	[tilespmem:$0x18100] =	vst v63  }
0xf1: {  	s25 =	sadd.s32 $0x4B0, s8;
	s26 =	simm.s32 $0xEE00  }
0xf2: {  	[tilespmem:s26], [sflag:$0x3] =	stream.strided.gather [hbm4b:s25+s23], $0x300, s24, s23, $0x38;
	[tilespmem:$0x18100] =	vst v63  }
0xf3: {  	s28 =	sadd.s32 $0x600, s8;
	s29 =	simm.s32 $0xF100  }
0xf4: {  	[tilespmem:s29], [sflag:$0x3] =	stream.strided.gather [hbm4b:s28+s23], $0x300, s24, s23, $0x38;
	[tilespmem:$0x18100] =	vst v63  }
0xf5: {  	s30 =	sadd.s32 $0x610, s8;
	s31 =	simm.s32 $0xF400  }
0xf6: {  	[tilespmem:s31], [sflag:$0x3] =	stream.strided.gather [hbm4b:s30+s23], $0x300, s24, s23, $0x38;
	[tilespmem:$0x18100] =	vst v63  }
0xf7: {  	s1 =	sadd.s32 $0x620, s8;
	s3 =	simm.s32 $0xF700  }
0xf8: {  	[tilespmem:s3], [sflag:$0x3] =	stream.strided.gather [hbm4b:s1+s23], $0x300, s24, s23, $0x38;
	[tilespmem:$0x18100] =	vst v63  }
0xf9: {  	s25 =	sadd.s32 $0x630, s8;
	s26 =	simm.s32 $0xFA00  }
0xfa: {  	[tilespmem:s26], [sflag:$0x3] =	stream.strided.gather [hbm4b:s25+s23], $0x300, s24, s23, $0x38;
	[tilespmem:$0x18100] =	vst v63  }
0xfb: {  	s28 =	sadd.s32 $0x780, s8;
	s29 =	simm.s32 $0xFD00  }
0xfc: {  	[tilespmem:s29], [sflag:$0x3] =	stream.strided.gather [hbm4b:s28+s23], $0x300, s24, s23, $0x38;
	[tilespmem:$0x18100] =	vst v63  }
0xfd: {  	s30 =	sadd.s32 $0x790, s8;
	s31 =	simm.s32 $0x10000  }
0xfe: {  	[tilespmem:s31], [sflag:$0x3] =	stream.strided.gather [hbm4b:s30+s23], $0x300, s24, s23, $0x38;
	[tilespmem:$0x18100] =	vst v63  }
0xff: {  	s1 =	sadd.s32 $0x7A0, s8;
	s3 =	simm.s32 $0x10300  }
0x100: {  	[tilespmem:s3], [sflag:$0x3] =	stream.strided.gather [hbm4b:s1+s23], $0x300, s24, s23, $0x38;
	[tilespmem:$0x18100] =	vst v63  }
0x101: {  	s25 =	sadd.s32 $0x7B0, s8;
	s26 =	simm.s32 $0x10600  }
0x102: {  	[tilespmem:s26], [sflag:$0x3] =	stream.strided.gather [hbm4b:s25+s23], $0x300, s24, s23, $0x38;
	[tilespmem:$0x18100] =	vst v63  }
0x103: {  	s28 =	sadd.s32 $0x900, s8;
	s29 =	simm.s32 $0x10900  }
0x104: {  	[tilespmem:s29], [sflag:$0x3] =	stream.strided.gather [hbm4b:s28+s23], $0x300, s24, s23, $0x38;
	[tilespmem:$0x18100] =	vst v63  }
0x105: {  	s30 =	sadd.s32 $0x910, s8;
	s31 =	simm.s32 $0x10C00  }
0x106: {  	[tilespmem:s31], [sflag:$0x3] =	stream.strided.gather [hbm4b:s30+s23], $0x300, s24, s23, $0x38;
	[tilespmem:$0x18100] =	vst v63  }
0x107: {  	s1 =	sadd.s32 $0x920, s8;
	s3 =	simm.s32 $0x10F00  }
0x108: {  	[tilespmem:s3], [sflag:$0x3] =	stream.strided.gather [hbm4b:s1+s23], $0x300, s24, s23, $0x38;
	[tilespmem:$0x18100] =	vst v63  }
0x109: {  	s25 =	sadd.s32 $0x930, s8;
	s26 =	simm.s32 $0x11200  }
0x10a: {  	[tilespmem:s26], [sflag:$0x3] =	stream.strided.gather [hbm4b:s25+s23], $0x300, s24, s23, $0x38;
	[tilespmem:$0x18100] =	vst v63  }
0x10b: {  	s28 =	sadd.s32 $0xA80, s8;
	s29 =	simm.s32 $0x11500  }
0x10c: {  	[tilespmem:s29], [sflag:$0x3] =	stream.strided.gather [hbm4b:s28+s23], $0x300, s24, s23, $0x38;
	[tilespmem:$0x18100] =	vst v63  }
0x10d: {  	s30 =	sadd.s32 $0xA90, s8;
	s31 =	simm.s32 $0x11800  }
0x10e: {  	[tilespmem:s31], [sflag:$0x3] =	stream.strided.gather [hbm4b:s30+s23], $0x300, s24, s23, $0x38;
	[tilespmem:$0x18100] =	vst v63  }
0x10f: {  	s1 =	sadd.s32 $0xAA0, s8;
	s3 =	simm.s32 $0x11B00  }
0x110: {  	[tilespmem:s3], [sflag:$0x3] =	stream.strided.gather [hbm4b:s1+s23], $0x300, s24, s23, $0x38;
	[tilespmem:$0x18100] =	vst v63  }
0x111: {  	s25 =	sadd.s32 $0xAB0, s8;
	s26 =	simm.s32 $0x11E00;
	s28 =	simm.s32 $0x2  }
0x112: {  	[tilespmem:s26], [sflag:$0x3] =	stream.strided.gather [hbm4b:s25+s23], $0x300, s24, s23, $0x38;
	[tilespmem:$0x18100] =	vst v63  }
0x113: {  	_ =	swait.ge [sflag:s28], $0x6000  }
0x114: {  	s5 =	simm.s32 $0x20;
	[sflag:s28] =	ssyncset.done $0x0  }
0x115: {  	s29 =	simm.s32 $0x5;
	s1 =	simm.s32 $0x6100;
	[sflag:s28] =	ssyncadd.s32 $0xFFFFA000  }
0x116: {  	[tilespmem:s1], [sflag:$0x6] =	stream.indirect.gather.add.f32 [hbm:s2], $0x300, s5, s5, $0xb8;
	[tilespmem:$0x18100] =	vst v63  }
0x117: {  	_ =	swait.ge [sflag:s29], $0x6000  }
0x118: {  	[sflag:s29] =	ssyncset.done $0x0  }
0x119: {  	[sflag:s29] =	ssyncadd.s32 $0xFFFFA000  }
0x11a: {  	[hbm4b:s9+s23] =	stream.strided.scatter [tilespmem:s4], [sflag:$0x9], $0x300, s24, s23, $0x38;
	[tilespmem:$0x18100] =	vst v63  }
0x11b: {  	s30 =	sadd.s32 $0x10, s9;
	s31 =	simm.s32 $0x400  }
0x11c: {  	[hbm4b:s30+s23] =	stream.strided.scatter [tilespmem:s31], [sflag:$0x9], $0x300, s24, s23, $0x38;
	[tilespmem:$0x18100] =	vst v63  }
0x11d: {  	s3 =	simm.s32 $0x700;
	s2 =	sadd.s32 $0x20, s9  }
0x11e: {  	[hbm4b:s2+s23] =	stream.strided.scatter [tilespmem:s3], [sflag:$0x9], $0x300, s24, s23, $0x38;
	[tilespmem:$0x18100] =	vst v63  }
0x11f: {  	s5 =	simm.s32 $0xA00;
	s4 =	sadd.s32 $0x30, s9  }
0x120: {  	[hbm4b:s4+s23] =	stream.strided.scatter [tilespmem:s5], [sflag:$0x9], $0x300, s24, s23, $0x38;
	[tilespmem:$0x18100] =	vst v63  }
0x121: {  	s25 =	sadd.s32 $0x180, s9;
	s26 =	simm.s32 $0xD00  }
0x122: {  	[hbm4b:s25+s23] =	stream.strided.scatter [tilespmem:s26], [sflag:$0x9], $0x300, s24, s23, $0x38;
	[tilespmem:$0x18100] =	vst v63  }
0x123: {  	s28 =	sadd.s32 $0x190, s9;
	s25 =	simm.s32 $0x1000  }
0x124: {  	[hbm4b:s28+s23] =	stream.strided.scatter [tilespmem:s25], [sflag:$0x9], $0x300, s24, s23, $0x38;
	[tilespmem:$0x18100] =	vst v63  }
0x125: {  	s29 =	sadd.s32 $0x1A0, s9;
	s26 =	simm.s32 $0x1300  }
0x126: {  	[hbm4b:s29+s23] =	stream.strided.scatter [tilespmem:s26], [sflag:$0x9], $0x300, s24, s23, $0x38;
	[tilespmem:$0x18100] =	vst v63  }
0x127: {  	s30 =	sadd.s32 $0x1B0, s9;
	s28 =	simm.s32 $0x1600  }
0x128: {  	[hbm4b:s30+s23] =	stream.strided.scatter [tilespmem:s28], [sflag:$0x9], $0x300, s24, s23, $0x38;
	[tilespmem:$0x18100] =	vst v63  }
0x129: {  	s31 =	sadd.s32 $0x300, s9;
	s29 =	simm.s32 $0x1900  }
0x12a: {  	[hbm4b:s31+s23] =	stream.strided.scatter [tilespmem:s29], [sflag:$0x9], $0x300, s24, s23, $0x38;
	[tilespmem:$0x18100] =	vst v63  }
0x12b: {  	s2 =	sadd.s32 $0x310, s9;
	s30 =	simm.s32 $0x1C00  }
0x12c: {  	[hbm4b:s2+s23] =	stream.strided.scatter [tilespmem:s30], [sflag:$0x9], $0x300, s24, s23, $0x38;
	[tilespmem:$0x18100] =	vst v63  }
0x12d: {  	s3 =	sadd.s32 $0x320, s9;
	s31 =	simm.s32 $0x1F00  }
0x12e: {  	[hbm4b:s3+s23] =	stream.strided.scatter [tilespmem:s31], [sflag:$0x9], $0x300, s24, s23, $0x38;
	[tilespmem:$0x18100] =	vst v63  }
0x12f: {  	s4 =	sadd.s32 $0x330, s9;
	s2 =	simm.s32 $0x2200  }
0x130: {  	[hbm4b:s4+s23] =	stream.strided.scatter [tilespmem:s2], [sflag:$0x9], $0x300, s24, s23, $0x38;
	[tilespmem:$0x18100] =	vst v63  }
0x131: {  	s4 =	sadd.s32 $0x480, s9;
	s2 =	simm.s32 $0x2500  }
0x132: {  	[hbm4b:s4+s23] =	stream.strided.scatter [tilespmem:s2], [sflag:$0x9], $0x300, s24, s23, $0x38;
	[tilespmem:$0x18100] =	vst v63  }
0x133: {  	s4 =	sadd.s32 $0x490, s9;
	s2 =	simm.s32 $0x2800  }
0x134: {  	[hbm4b:s4+s23] =	stream.strided.scatter [tilespmem:s2], [sflag:$0x9], $0x300, s24, s23, $0x38;
	[tilespmem:$0x18100] =	vst v63  }
0x135: {  	s4 =	sadd.s32 $0x4A0, s9;
	s2 =	simm.s32 $0x2B00  }
0x136: {  	[hbm4b:s4+s23] =	stream.strided.scatter [tilespmem:s2], [sflag:$0x9], $0x300, s24, s23, $0x38;
	[tilespmem:$0x18100] =	vst v63  }
0x137: {  	s4 =	sadd.s32 $0x4B0, s9;
	s2 =	simm.s32 $0x2E00  }
0x138: {  	[hbm4b:s4+s23] =	stream.strided.scatter [tilespmem:s2], [sflag:$0x9], $0x300, s24, s23, $0x38;
	[tilespmem:$0x18100] =	vst v63  }
0x139: {  	s4 =	sadd.s32 $0x600, s9;
	s2 =	simm.s32 $0x3100  }
0x13a: {  	[hbm4b:s4+s23] =	stream.strided.scatter [tilespmem:s2], [sflag:$0x9], $0x300, s24, s23, $0x38;
	[tilespmem:$0x18100] =	vst v63  }
0x13b: {  	s4 =	sadd.s32 $0x610, s9;
	s2 =	simm.s32 $0x3400  }
0x13c: {  	[hbm4b:s4+s23] =	stream.strided.scatter [tilespmem:s2], [sflag:$0x9], $0x300, s24, s23, $0x38;
	[tilespmem:$0x18100] =	vst v63  }
0x13d: {  	s4 =	sadd.s32 $0x620, s9;
	s2 =	simm.s32 $0x3700  }
0x13e: {  	[hbm4b:s4+s23] =	stream.strided.scatter [tilespmem:s2], [sflag:$0x9], $0x300, s24, s23, $0x38;
	[tilespmem:$0x18100] =	vst v63  }
0x13f: {  	s4 =	sadd.s32 $0x630, s9;
	s2 =	simm.s32 $0x3A00  }
0x140: {  	[hbm4b:s4+s23] =	stream.strided.scatter [tilespmem:s2], [sflag:$0x9], $0x300, s24, s23, $0x38;
	[tilespmem:$0x18100] =	vst v63  }
0x141: {  	s4 =	sadd.s32 $0x780, s9;
	s2 =	simm.s32 $0x3D00  }
0x142: {  	[hbm4b:s4+s23] =	stream.strided.scatter [tilespmem:s2], [sflag:$0x9], $0x300, s24, s23, $0x38;
	[tilespmem:$0x18100] =	vst v63  }
0x143: {  	s4 =	sadd.s32 $0x790, s9;
	s2 =	simm.s32 $0x4000  }
0x144: {  	[hbm4b:s4+s23] =	stream.strided.scatter [tilespmem:s2], [sflag:$0x9], $0x300, s24, s23, $0x38;
	[tilespmem:$0x18100] =	vst v63  }
0x145: {  	s4 =	sadd.s32 $0x7A0, s9;
	s2 =	simm.s32 $0x4300  }
0x146: {  	[hbm4b:s4+s23] =	stream.strided.scatter [tilespmem:s2], [sflag:$0x9], $0x300, s24, s23, $0x38;
	[tilespmem:$0x18100] =	vst v63  }
0x147: {  	s4 =	sadd.s32 $0x7B0, s9;
	s2 =	simm.s32 $0x4600  }
0x148: {  	[hbm4b:s4+s23] =	stream.strided.scatter [tilespmem:s2], [sflag:$0x9], $0x300, s24, s23, $0x38;
	[tilespmem:$0x18100] =	vst v63  }
0x149: {  	s4 =	sadd.s32 $0x900, s9;
	s2 =	simm.s32 $0x4900  }
0x14a: {  	[hbm4b:s4+s23] =	stream.strided.scatter [tilespmem:s2], [sflag:$0x9], $0x300, s24, s23, $0x38;
	[tilespmem:$0x18100] =	vst v63  }
0x14b: {  	s4 =	sadd.s32 $0x910, s9;
	s2 =	simm.s32 $0x4C00  }
0x14c: {  	[hbm4b:s4+s23] =	stream.strided.scatter [tilespmem:s2], [sflag:$0x9], $0x300, s24, s23, $0x38;
	[tilespmem:$0x18100] =	vst v63  }
0x14d: {  	s4 =	sadd.s32 $0x920, s9;
	s2 =	simm.s32 $0x4F00  }
0x14e: {  	[hbm4b:s4+s23] =	stream.strided.scatter [tilespmem:s2], [sflag:$0x9], $0x300, s24, s23, $0x38;
	[tilespmem:$0x18100] =	vst v63  }
0x14f: {  	s4 =	sadd.s32 $0x930, s9;
	s2 =	simm.s32 $0x5200  }
0x150: {  	[hbm4b:s4+s23] =	stream.strided.scatter [tilespmem:s2], [sflag:$0x9], $0x300, s24, s23, $0x38;
	[tilespmem:$0x18100] =	vst v63  }
0x151: {  	s4 =	sadd.s32 $0xA80, s9;
	s2 =	simm.s32 $0x5500  }
0x152: {  	[hbm4b:s4+s23] =	stream.strided.scatter [tilespmem:s2], [sflag:$0x9], $0x300, s24, s23, $0x38;
	[tilespmem:$0x18100] =	vst v63  }
0x153: {  	s4 =	sadd.s32 $0xA90, s9;
	s2 =	simm.s32 $0x5800  }
0x154: {  	[hbm4b:s4+s23] =	stream.strided.scatter [tilespmem:s2], [sflag:$0x9], $0x300, s24, s23, $0x38;
	[tilespmem:$0x18100] =	vst v63  }
0x155: {  	s4 =	sadd.s32 $0xAA0, s9;
	s2 =	simm.s32 $0x5B00  }
0x156: {  	[hbm4b:s4+s23] =	stream.strided.scatter [tilespmem:s2], [sflag:$0x9], $0x300, s24, s23, $0x38;
	[tilespmem:$0x18100] =	vst v63  }
0x157: {  	s3 =	sadd.s32 $0xAB0, s9;
	s4 =	simm.s32 $0x5E00  }
0x158: {  	[hbm4b:s3+s23] =	stream.strided.scatter [tilespmem:s4], [sflag:$0x9], $0x300, s24, s23, $0x38;
	[tilespmem:$0x18100] =	vst v63  }
0x159: {  	s3 =	simm.s32 $0x12100  }
0x15a: {  	[tilespmem:s3], [sflag:$0x4] =	stream.strided.gather [hbm4b:s10+s23], $0x300, s24, s23, $0x38;
	[tilespmem:$0x18100] =	vst v63  }
0x15b: {  	s2 =	simm.s32 $0x12400;
	s4 =	sadd.s32 $0x10, s10  }
0x15c: {  	[tilespmem:s2], [sflag:$0x4] =	stream.strided.gather [hbm4b:s4+s23], $0x300, s24, s23, $0x38;
	[tilespmem:$0x18100] =	vst v63  }
0x15d: {  	s4 =	sadd.s32 $0x20, s10;
	s2 =	simm.s32 $0x12700  }
0x15e: {  	[tilespmem:s2], [sflag:$0x4] =	stream.strided.gather [hbm4b:s4+s23], $0x300, s24, s23, $0x38;
	[tilespmem:$0x18100] =	vst v63  }
0x15f: {  	s4 =	sadd.s32 $0x30, s10;
	s2 =	simm.s32 $0x12A00  }
0x160: {  	[tilespmem:s2], [sflag:$0x4] =	stream.strided.gather [hbm4b:s4+s23], $0x300, s24, s23, $0x38;
	[tilespmem:$0x18100] =	vst v63  }
0x161: {  	s4 =	sadd.s32 $0x180, s10;
	s2 =	simm.s32 $0x12D00  }
0x162: {  	[tilespmem:s2], [sflag:$0x4] =	stream.strided.gather [hbm4b:s4+s23], $0x300, s24, s23, $0x38;
	[tilespmem:$0x18100] =	vst v63  }
0x163: {  	s4 =	sadd.s32 $0x190, s10;
	s2 =	simm.s32 $0x13000  }
0x164: {  	[tilespmem:s2], [sflag:$0x4] =	stream.strided.gather [hbm4b:s4+s23], $0x300, s24, s23, $0x38;
	[tilespmem:$0x18100] =	vst v63  }
0x165: {  	s4 =	sadd.s32 $0x1A0, s10;
	s2 =	simm.s32 $0x13300  }
0x166: {  	[tilespmem:s2], [sflag:$0x4] =	stream.strided.gather [hbm4b:s4+s23], $0x300, s24, s23, $0x38;
	[tilespmem:$0x18100] =	vst v63  }
0x167: {  	s4 =	sadd.s32 $0x1B0, s10;
	s2 =	simm.s32 $0x13600  }
0x168: {  	[tilespmem:s2], [sflag:$0x4] =	stream.strided.gather [hbm4b:s4+s23], $0x300, s24, s23, $0x38;
	[tilespmem:$0x18100] =	vst v63  }
0x169: {  	s4 =	sadd.s32 $0x300, s10;
	s2 =	simm.s32 $0x13900  }
0x16a: {  	[tilespmem:s2], [sflag:$0x4] =	stream.strided.gather [hbm4b:s4+s23], $0x300, s24, s23, $0x38;
	[tilespmem:$0x18100] =	vst v63  }
0x16b: {  	s4 =	sadd.s32 $0x310, s10;
	s2 =	simm.s32 $0x13C00  }
0x16c: {  	[tilespmem:s2], [sflag:$0x4] =	stream.strided.gather [hbm4b:s4+s23], $0x300, s24, s23, $0x38;
	[tilespmem:$0x18100] =	vst v63  }
0x16d: {  	s4 =	sadd.s32 $0x320, s10;
	s2 =	simm.s32 $0x13F00  }
0x16e: {  	[tilespmem:s2], [sflag:$0x4] =	stream.strided.gather [hbm4b:s4+s23], $0x300, s24, s23, $0x38;
	[tilespmem:$0x18100] =	vst v63  }
0x16f: {  	s4 =	sadd.s32 $0x330, s10;
	s2 =	simm.s32 $0x14200  }
0x170: {  	[tilespmem:s2], [sflag:$0x4] =	stream.strided.gather [hbm4b:s4+s23], $0x300, s24, s23, $0x38;
	[tilespmem:$0x18100] =	vst v63  }
0x171: {  	s4 =	sadd.s32 $0x480, s10;
	s2 =	simm.s32 $0x14500  }
0x172: {  	[tilespmem:s2], [sflag:$0x4] =	stream.strided.gather [hbm4b:s4+s23], $0x300, s24, s23, $0x38;
	[tilespmem:$0x18100] =	vst v63  }
0x173: {  	s4 =	sadd.s32 $0x490, s10;
	s2 =	simm.s32 $0x14800  }
0x174: {  	[tilespmem:s2], [sflag:$0x4] =	stream.strided.gather [hbm4b:s4+s23], $0x300, s24, s23, $0x38;
	[tilespmem:$0x18100] =	vst v63  }
0x175: {  	s4 =	sadd.s32 $0x4A0, s10;
	s2 =	simm.s32 $0x14B00  }
0x176: {  	[tilespmem:s2], [sflag:$0x4] =	stream.strided.gather [hbm4b:s4+s23], $0x300, s24, s23, $0x38;
	[tilespmem:$0x18100] =	vst v63  }
0x177: {  	s4 =	sadd.s32 $0x4B0, s10;
	s2 =	simm.s32 $0x14E00  }
0x178: {  	[tilespmem:s2], [sflag:$0x4] =	stream.strided.gather [hbm4b:s4+s23], $0x300, s24, s23, $0x38;
	[tilespmem:$0x18100] =	vst v63  }
0x179: {  	s4 =	sadd.s32 $0x600, s10;
	s2 =	simm.s32 $0x15100  }
0x17a: {  	[tilespmem:s2], [sflag:$0x4] =	stream.strided.gather [hbm4b:s4+s23], $0x300, s24, s23, $0x38;
	[tilespmem:$0x18100] =	vst v63  }
0x17b: {  	s4 =	sadd.s32 $0x610, s10;
	s2 =	simm.s32 $0x15400  }
0x17c: {  	[tilespmem:s2], [sflag:$0x4] =	stream.strided.gather [hbm4b:s4+s23], $0x300, s24, s23, $0x38;
	[tilespmem:$0x18100] =	vst v63  }
0x17d: {  	s4 =	sadd.s32 $0x620, s10;
	s2 =	simm.s32 $0x15700  }
0x17e: {  	[tilespmem:s2], [sflag:$0x4] =	stream.strided.gather [hbm4b:s4+s23], $0x300, s24, s23, $0x38;
	[tilespmem:$0x18100] =	vst v63  }
0x17f: {  	s4 =	sadd.s32 $0x630, s10;
	s2 =	simm.s32 $0x15A00  }
0x180: {  	[tilespmem:s2], [sflag:$0x4] =	stream.strided.gather [hbm4b:s4+s23], $0x300, s24, s23, $0x38;
	[tilespmem:$0x18100] =	vst v63  }
0x181: {  	s4 =	sadd.s32 $0x780, s10;
	s2 =	simm.s32 $0x15D00  }
0x182: {  	[tilespmem:s2], [sflag:$0x4] =	stream.strided.gather [hbm4b:s4+s23], $0x300, s24, s23, $0x38;
	[tilespmem:$0x18100] =	vst v63  }
0x183: {  	s4 =	sadd.s32 $0x790, s10;
	s2 =	simm.s32 $0x16000  }
0x184: {  	[tilespmem:s2], [sflag:$0x4] =	stream.strided.gather [hbm4b:s4+s23], $0x300, s24, s23, $0x38;
	[tilespmem:$0x18100] =	vst v63  }
0x185: {  	s4 =	sadd.s32 $0x7A0, s10;
	s2 =	simm.s32 $0x16300  }
0x186: {  	[tilespmem:s2], [sflag:$0x4] =	stream.strided.gather [hbm4b:s4+s23], $0x300, s24, s23, $0x38;
	[tilespmem:$0x18100] =	vst v63  }
0x187: {  	s4 =	sadd.s32 $0x7B0, s10;
	s2 =	simm.s32 $0x16600  }
0x188: {  	[tilespmem:s2], [sflag:$0x4] =	stream.strided.gather [hbm4b:s4+s23], $0x300, s24, s23, $0x38;
	[tilespmem:$0x18100] =	vst v63  }
0x189: {  	s4 =	sadd.s32 $0x900, s10;
	s2 =	simm.s32 $0x16900  }
0x18a: {  	[tilespmem:s2], [sflag:$0x4] =	stream.strided.gather [hbm4b:s4+s23], $0x300, s24, s23, $0x38;
	[tilespmem:$0x18100] =	vst v63  }
0x18b: {  	s4 =	sadd.s32 $0x910, s10;
	s2 =	simm.s32 $0x16C00  }
0x18c: {  	[tilespmem:s2], [sflag:$0x4] =	stream.strided.gather [hbm4b:s4+s23], $0x300, s24, s23, $0x38;
	[tilespmem:$0x18100] =	vst v63  }
0x18d: {  	s4 =	sadd.s32 $0x920, s10;
	s2 =	simm.s32 $0x16F00  }
0x18e: {  	[tilespmem:s2], [sflag:$0x4] =	stream.strided.gather [hbm4b:s4+s23], $0x300, s24, s23, $0x38;
	[tilespmem:$0x18100] =	vst v63  }
0x18f: {  	s4 =	sadd.s32 $0x930, s10;
	s2 =	simm.s32 $0x17200  }
0x190: {  	[tilespmem:s2], [sflag:$0x4] =	stream.strided.gather [hbm4b:s4+s23], $0x300, s24, s23, $0x38;
	[tilespmem:$0x18100] =	vst v63  }
0x191: {  	s4 =	sadd.s32 $0xA80, s10;
	s2 =	simm.s32 $0x17500  }
0x192: {  	[tilespmem:s2], [sflag:$0x4] =	stream.strided.gather [hbm4b:s4+s23], $0x300, s24, s23, $0x38;
	[tilespmem:$0x18100] =	vst v63  }
0x193: {  	s4 =	sadd.s32 $0xA90, s10;
	s2 =	simm.s32 $0x17800  }
0x194: {  	[tilespmem:s2], [sflag:$0x4] =	stream.strided.gather [hbm4b:s4+s23], $0x300, s24, s23, $0x38;
	[tilespmem:$0x18100] =	vst v63  }
0x195: {  	s4 =	sadd.s32 $0xAA0, s10;
	s2 =	simm.s32 $0x17B00  }
0x196: {  	[tilespmem:s2], [sflag:$0x4] =	stream.strided.gather [hbm4b:s4+s23], $0x300, s24, s23, $0x38;
	[tilespmem:$0x18100] =	vst v63  }
0x197: {  	s3 =	sadd.s32 $0xAB0, s10;
	s4 =	simm.s32 $0x17E00;
	s2 =	simm.s32 $0x3  }
0x198: {  	[tilespmem:s4], [sflag:$0x4] =	stream.strided.gather [hbm4b:s3+s23], $0x300, s24, s23, $0x38;
	[tilespmem:$0x18100] =	vst v63  }
0x199: {  	_ =	swait.ge [sflag:s2], $0x6000  }
0x19a: {  	[sflag:s2] =	ssyncset.done $0x0  }
0x19b: {  	s0 =	rddreg [dreg:$0xc];
	[sflag:s2] =	ssyncadd.s32 $0xFFFFA000  }
0x19c: {  	s4 =	simm.s32 $0x20;
	s2 =	simm.s32 $0xC100;
	s3 =	rddreg [dreg:$0x2]  }
0x19d: {  	[tilespmem:s2], [sflag:$0x7] =	stream.indirect.gather.add.f32 [hbm:s3], $0x300, s0, s4, $0xb8;
	[tilespmem:$0x18100] =	vst v63  }
0x19e: {  	s4 =	simm.s32 $0x6  }
0x19f: {  	_ =	swait.ge [sflag:s4], $0x6000  }
0x1a0: {  	[sflag:s4] =	ssyncset.done $0x0  }
0x1a1: {  	[sflag:s4] =	ssyncadd.s32 $0xFFFFA000  }
0x1a2: {  	[hbm4b:s11+s23] =	stream.strided.scatter [tilespmem:s1], [sflag:$0xA], $0x300, s24, s23, $0x38;
	[tilespmem:$0x18100] =	vst v63  }
0x1a3: {  	s4 =	simm.s32 $0x6400;
	s1 =	sadd.s32 $0x10, s11  }
0x1a4: {  	[hbm4b:s1+s23] =	stream.strided.scatter [tilespmem:s4], [sflag:$0xA], $0x300, s24, s23, $0x38;
	[tilespmem:$0x18100] =	vst v63  }
0x1a5: {  	s1 =	sadd.s32 $0x20, s11;
	s4 =	simm.s32 $0x6700  }
0x1a6: {  	[hbm4b:s1+s23] =	stream.strided.scatter [tilespmem:s4], [sflag:$0xA], $0x300, s24, s23, $0x38;
	[tilespmem:$0x18100] =	vst v63  }
0x1a7: {  	s1 =	sadd.s32 $0x30, s11;
	s4 =	simm.s32 $0x6A00  }
0x1a8: {  	[hbm4b:s1+s23] =	stream.strided.scatter [tilespmem:s4], [sflag:$0xA], $0x300, s24, s23, $0x38;
	[tilespmem:$0x18100] =	vst v63  }
0x1a9: {  	s1 =	sadd.s32 $0x180, s11;
	s4 =	simm.s32 $0x6D00  }
0x1aa: {  	[hbm4b:s1+s23] =	stream.strided.scatter [tilespmem:s4], [sflag:$0xA], $0x300, s24, s23, $0x38;
	[tilespmem:$0x18100] =	vst v63  }
0x1ab: {  	s1 =	sadd.s32 $0x190, s11;
	s4 =	simm.s32 $0x7000  }
0x1ac: {  	[hbm4b:s1+s23] =	stream.strided.scatter [tilespmem:s4], [sflag:$0xA], $0x300, s24, s23, $0x38;
	[tilespmem:$0x18100] =	vst v63  }
0x1ad: {  	s1 =	sadd.s32 $0x1A0, s11;
	s4 =	simm.s32 $0x7300  }
0x1ae: {  	[hbm4b:s1+s23] =	stream.strided.scatter [tilespmem:s4], [sflag:$0xA], $0x300, s24, s23, $0x38;
	[tilespmem:$0x18100] =	vst v63  }
0x1af: {  	s1 =	sadd.s32 $0x1B0, s11;
	s4 =	simm.s32 $0x7600  }
0x1b0: {  	[hbm4b:s1+s23] =	stream.strided.scatter [tilespmem:s4], [sflag:$0xA], $0x300, s24, s23, $0x38;
	[tilespmem:$0x18100] =	vst v63  }
0x1b1: {  	s1 =	sadd.s32 $0x300, s11;
	s4 =	simm.s32 $0x7900  }
0x1b2: {  	[hbm4b:s1+s23] =	stream.strided.scatter [tilespmem:s4], [sflag:$0xA], $0x300, s24, s23, $0x38;
	[tilespmem:$0x18100] =	vst v63  }
0x1b3: {  	s1 =	sadd.s32 $0x310, s11;
	s4 =	simm.s32 $0x7C00  }
0x1b4: {  	[hbm4b:s1+s23] =	stream.strided.scatter [tilespmem:s4], [sflag:$0xA], $0x300, s24, s23, $0x38;
	[tilespmem:$0x18100] =	vst v63  }
0x1b5: {  	s1 =	sadd.s32 $0x320, s11;
	s4 =	simm.s32 $0x7F00  }
0x1b6: {  	[hbm4b:s1+s23] =	stream.strided.scatter [tilespmem:s4], [sflag:$0xA], $0x300, s24, s23, $0x38;
	[tilespmem:$0x18100] =	vst v63  }
0x1b7: {  	s1 =	sadd.s32 $0x330, s11;
	s4 =	simm.s32 $0x8200  }
0x1b8: {  	[hbm4b:s1+s23] =	stream.strided.scatter [tilespmem:s4], [sflag:$0xA], $0x300, s24, s23, $0x38;
	[tilespmem:$0x18100] =	vst v63  }
0x1b9: {  	s1 =	sadd.s32 $0x480, s11;
	s4 =	simm.s32 $0x8500  }
0x1ba: {  	[hbm4b:s1+s23] =	stream.strided.scatter [tilespmem:s4], [sflag:$0xA], $0x300, s24, s23, $0x38;
	[tilespmem:$0x18100] =	vst v63  }
0x1bb: {  	s1 =	sadd.s32 $0x490, s11;
	s4 =	simm.s32 $0x8800  }
0x1bc: {  	[hbm4b:s1+s23] =	stream.strided.scatter [tilespmem:s4], [sflag:$0xA], $0x300, s24, s23, $0x38;
	[tilespmem:$0x18100] =	vst v63  }
0x1bd: {  	s1 =	sadd.s32 $0x4A0, s11;
	s4 =	simm.s32 $0x8B00  }
0x1be: {  	[hbm4b:s1+s23] =	stream.strided.scatter [tilespmem:s4], [sflag:$0xA], $0x300, s24, s23, $0x38;
	[tilespmem:$0x18100] =	vst v63  }
0x1bf: {  	s1 =	sadd.s32 $0x4B0, s11;
	s4 =	simm.s32 $0x8E00  }
0x1c0: {  	[hbm4b:s1+s23] =	stream.strided.scatter [tilespmem:s4], [sflag:$0xA], $0x300, s24, s23, $0x38;
	[tilespmem:$0x18100] =	vst v63  }
0x1c1: {  	s1 =	sadd.s32 $0x600, s11;
	s4 =	simm.s32 $0x9100  }
0x1c2: {  	[hbm4b:s1+s23] =	stream.strided.scatter [tilespmem:s4], [sflag:$0xA], $0x300, s24, s23, $0x38;
	[tilespmem:$0x18100] =	vst v63  }
0x1c3: {  	s1 =	sadd.s32 $0x610, s11;
	s4 =	simm.s32 $0x9400  }
0x1c4: {  	[hbm4b:s1+s23] =	stream.strided.scatter [tilespmem:s4], [sflag:$0xA], $0x300, s24, s23, $0x38;
	[tilespmem:$0x18100] =	vst v63  }
0x1c5: {  	s1 =	sadd.s32 $0x620, s11;
	s4 =	simm.s32 $0x9700  }
0x1c6: {  	[hbm4b:s1+s23] =	stream.strided.scatter [tilespmem:s4], [sflag:$0xA], $0x300, s24, s23, $0x38;
	[tilespmem:$0x18100] =	vst v63  }
0x1c7: {  	s1 =	sadd.s32 $0x630, s11;
	s4 =	simm.s32 $0x9A00  }
0x1c8: {  	[hbm4b:s1+s23] =	stream.strided.scatter [tilespmem:s4], [sflag:$0xA], $0x300, s24, s23, $0x38;
	[tilespmem:$0x18100] =	vst v63  }
0x1c9: {  	s1 =	sadd.s32 $0x780, s11;
	s4 =	simm.s32 $0x9D00  }
0x1ca: {  	[hbm4b:s1+s23] =	stream.strided.scatter [tilespmem:s4], [sflag:$0xA], $0x300, s24, s23, $0x38;
	[tilespmem:$0x18100] =	vst v63  }
0x1cb: {  	s1 =	sadd.s32 $0x790, s11;
	s4 =	simm.s32 $0xA000  }
0x1cc: {  	[hbm4b:s1+s23] =	stream.strided.scatter [tilespmem:s4], [sflag:$0xA], $0x300, s24, s23, $0x38;
	[tilespmem:$0x18100] =	vst v63  }
0x1cd: {  	s1 =	sadd.s32 $0x7A0, s11;
	s4 =	simm.s32 $0xA300  }
0x1ce: {  	[hbm4b:s1+s23] =	stream.strided.scatter [tilespmem:s4], [sflag:$0xA], $0x300, s24, s23, $0x38;
	[tilespmem:$0x18100] =	vst v63  }
0x1cf: {  	s1 =	sadd.s32 $0x7B0, s11;
	s4 =	simm.s32 $0xA600  }
0x1d0: {  	[hbm4b:s1+s23] =	stream.strided.scatter [tilespmem:s4], [sflag:$0xA], $0x300, s24, s23, $0x38;
	[tilespmem:$0x18100] =	vst v63  }
0x1d1: {  	s1 =	sadd.s32 $0x900, s11;
	s4 =	simm.s32 $0xA900  }
0x1d2: {  	[hbm4b:s1+s23] =	stream.strided.scatter [tilespmem:s4], [sflag:$0xA], $0x300, s24, s23, $0x38;
	[tilespmem:$0x18100] =	vst v63  }
0x1d3: {  	s1 =	sadd.s32 $0x910, s11;
	s4 =	simm.s32 $0xAC00  }
0x1d4: {  	[hbm4b:s1+s23] =	stream.strided.scatter [tilespmem:s4], [sflag:$0xA], $0x300, s24, s23, $0x38;
	[tilespmem:$0x18100] =	vst v63  }
0x1d5: {  	s1 =	sadd.s32 $0x920, s11;
	s4 =	simm.s32 $0xAF00  }
0x1d6: {  	[hbm4b:s1+s23] =	stream.strided.scatter [tilespmem:s4], [sflag:$0xA], $0x300, s24, s23, $0x38;
	[tilespmem:$0x18100] =	vst v63  }
0x1d7: {  	s1 =	sadd.s32 $0x930, s11;
	s4 =	simm.s32 $0xB200  }
0x1d8: {  	[hbm4b:s1+s23] =	stream.strided.scatter [tilespmem:s4], [sflag:$0xA], $0x300, s24, s23, $0x38;
	[tilespmem:$0x18100] =	vst v63  }
0x1d9: {  	s1 =	sadd.s32 $0xA80, s11;
	s4 =	simm.s32 $0xB500  }
0x1da: {  	[hbm4b:s1+s23] =	stream.strided.scatter [tilespmem:s4], [sflag:$0xA], $0x300, s24, s23, $0x38;
	[tilespmem:$0x18100] =	vst v63  }
0x1db: {  	s1 =	sadd.s32 $0xA90, s11;
	s4 =	simm.s32 $0xB800  }
0x1dc: {  	[hbm4b:s1+s23] =	stream.strided.scatter [tilespmem:s4], [sflag:$0xA], $0x300, s24, s23, $0x38;
	[tilespmem:$0x18100] =	vst v63  }
0x1dd: {  	s1 =	sadd.s32 $0xAA0, s11;
	s4 =	simm.s32 $0xBB00  }
0x1de: {  	[hbm4b:s1+s23] =	stream.strided.scatter [tilespmem:s4], [sflag:$0xA], $0x300, s24, s23, $0x38;
	[tilespmem:$0x18100] =	vst v63  }
0x1df: {  	s1 =	sadd.s32 $0xAB0, s11;
	s4 =	simm.s32 $0xBE00  }
0x1e0: {  	[hbm4b:s1+s23] =	stream.strided.scatter [tilespmem:s4], [sflag:$0xA], $0x300, s24, s23, $0x38;
	[tilespmem:$0x18100] =	vst v63  }
0x1e1: {  	s1 =	simm.s32 $0x9  }
0x1e2: {  	_ =	swait.ge [sflag:s1], $0x6000  }
0x1e3: {  	[sflag:s1] =	ssyncset.done $0x0  }
0x1e4: {  	s4 =	simm.s32 $0x100;
	[sflag:s1] =	ssyncadd.s32 $0xFFFFA000  }
0x1e5: {  	[tilespmem:s4], [sflag:$0x1] =	stream.strided.gather [hbm4b:s12+s23], $0x300, s24, s23, $0x38;
	[tilespmem:$0x18100] =	vst v63  }
0x1e6: {  	s1 =	sadd.s32 $0x10, s12;
	s4 =	simm.s32 $0x400  }
0x1e7: {  	[tilespmem:s4], [sflag:$0x1] =	stream.strided.gather [hbm4b:s1+s23], $0x300, s24, s23, $0x38;
	[tilespmem:$0x18100] =	vst v63  }
0x1e8: {  	s1 =	sadd.s32 $0x20, s12;
	s4 =	simm.s32 $0x700  }
0x1e9: {  	[tilespmem:s4], [sflag:$0x1] =	stream.strided.gather [hbm4b:s1+s23], $0x300, s24, s23, $0x38;
	[tilespmem:$0x18100] =	vst v63  }
0x1ea: {  	s1 =	sadd.s32 $0x30, s12  }
0x1eb: {  	[tilespmem:s5], [sflag:$0x1] =	stream.strided.gather [hbm4b:s1+s23], $0x300, s24, s23, $0x38;
	[tilespmem:$0x18100] =	vst v63  }
0x1ec: {  	s4 =	sadd.s32 $0x180, s12;
	s5 =	simm.s32 $0xD00  }
0x1ed: {  	[tilespmem:s5], [sflag:$0x1] =	stream.strided.gather [hbm4b:s4+s23], $0x300, s24, s23, $0x38;
	[tilespmem:$0x18100] =	vst v63  }
0x1ee: {  	s4 =	sadd.s32 $0x190, s12  }
0x1ef: {  	[tilespmem:s25], [sflag:$0x1] =	stream.strided.gather [hbm4b:s4+s23], $0x300, s24, s23, $0x38;
	[tilespmem:$0x18100] =	vst v63  }
0x1f0: {  	s5 =	sadd.s32 $0x1A0, s12  }
0x1f1: {  	[tilespmem:s26], [sflag:$0x1] =	stream.strided.gather [hbm4b:s5+s23], $0x300, s24, s23, $0x38;
	[tilespmem:$0x18100] =	vst v63  }
0x1f2: {  	s25 =	sadd.s32 $0x1B0, s12  }
0x1f3: {  	[tilespmem:s28], [sflag:$0x1] =	stream.strided.gather [hbm4b:s25+s23], $0x300, s24, s23, $0x38;
	[tilespmem:$0x18100] =	vst v63  }
0x1f4: {  	s26 =	sadd.s32 $0x300, s12  }
0x1f5: {  	[tilespmem:s29], [sflag:$0x1] =	stream.strided.gather [hbm4b:s26+s23], $0x300, s24, s23, $0x38;
	[tilespmem:$0x18100] =	vst v63  }
0x1f6: {  	s28 =	sadd.s32 $0x310, s12  }
0x1f7: {  	[tilespmem:s30], [sflag:$0x1] =	stream.strided.gather [hbm4b:s28+s23], $0x300, s24, s23, $0x38;
	[tilespmem:$0x18100] =	vst v63  }
0x1f8: {  	s29 =	sadd.s32 $0x320, s12  }
0x1f9: {  	[tilespmem:s31], [sflag:$0x1] =	stream.strided.gather [hbm4b:s29+s23], $0x300, s24, s23, $0x38;
	[tilespmem:$0x18100] =	vst v63  }
0x1fa: {  	s30 =	sadd.s32 $0x330, s12;
	s31 =	simm.s32 $0x2200  }
0x1fb: {  	[tilespmem:s31], [sflag:$0x1] =	stream.strided.gather [hbm4b:s30+s23], $0x300, s24, s23, $0x38;
	[tilespmem:$0x18100] =	vst v63  }
0x1fc: {  	s4 =	sadd.s32 $0x480, s12;
	s5 =	simm.s32 $0x2500  }
0x1fd: {  	[tilespmem:s5], [sflag:$0x1] =	stream.strided.gather [hbm4b:s4+s23], $0x300, s24, s23, $0x38;
	[tilespmem:$0x18100] =	vst v63  }
0x1fe: {  	s25 =	sadd.s32 $0x490, s12;
	s26 =	simm.s32 $0x2800  }
0x1ff: {  	[tilespmem:s26], [sflag:$0x1] =	stream.strided.gather [hbm4b:s25+s23], $0x300, s24, s23, $0x38;
	[tilespmem:$0x18100] =	vst v63  }
0x200: {  	s28 =	sadd.s32 $0x4A0, s12;
	s29 =	simm.s32 $0x2B00  }
0x201: {  	[tilespmem:s29], [sflag:$0x1] =	stream.strided.gather [hbm4b:s28+s23], $0x300, s24, s23, $0x38;
	[tilespmem:$0x18100] =	vst v63  }
0x202: {  	s30 =	sadd.s32 $0x4B0, s12;
	s31 =	simm.s32 $0x2E00  }
0x203: {  	[tilespmem:s31], [sflag:$0x1] =	stream.strided.gather [hbm4b:s30+s23], $0x300, s24, s23, $0x38;
	[tilespmem:$0x18100] =	vst v63  }
0x204: {  	s4 =	sadd.s32 $0x600, s12;
	s5 =	simm.s32 $0x3100  }
0x205: {  	[tilespmem:s5], [sflag:$0x1] =	stream.strided.gather [hbm4b:s4+s23], $0x300, s24, s23, $0x38;
	[tilespmem:$0x18100] =	vst v63  }
0x206: {  	s25 =	sadd.s32 $0x610, s12;
	s26 =	simm.s32 $0x3400  }
0x207: {  	[tilespmem:s26], [sflag:$0x1] =	stream.strided.gather [hbm4b:s25+s23], $0x300, s24, s23, $0x38;
	[tilespmem:$0x18100] =	vst v63  }
0x208: {  	s28 =	sadd.s32 $0x620, s12;
	s29 =	simm.s32 $0x3700  }
0x209: {  	[tilespmem:s29], [sflag:$0x1] =	stream.strided.gather [hbm4b:s28+s23], $0x300, s24, s23, $0x38;
	[tilespmem:$0x18100] =	vst v63  }
0x20a: {  	s30 =	sadd.s32 $0x630, s12;
	s31 =	simm.s32 $0x3A00  }
0x20b: {  	[tilespmem:s31], [sflag:$0x1] =	stream.strided.gather [hbm4b:s30+s23], $0x300, s24, s23, $0x38;
	[tilespmem:$0x18100] =	vst v63  }
0x20c: {  	s4 =	sadd.s32 $0x780, s12;
	s5 =	simm.s32 $0x3D00  }
0x20d: {  	[tilespmem:s5], [sflag:$0x1] =	stream.strided.gather [hbm4b:s4+s23], $0x300, s24, s23, $0x38;
	[tilespmem:$0x18100] =	vst v63  }
0x20e: {  	s25 =	sadd.s32 $0x790, s12;
	s26 =	simm.s32 $0x4000  }
0x20f: {  	[tilespmem:s26], [sflag:$0x1] =	stream.strided.gather [hbm4b:s25+s23], $0x300, s24, s23, $0x38;
	[tilespmem:$0x18100] =	vst v63  }
0x210: {  	s28 =	sadd.s32 $0x7A0, s12;
	s29 =	simm.s32 $0x4300  }
0x211: {  	[tilespmem:s29], [sflag:$0x1] =	stream.strided.gather [hbm4b:s28+s23], $0x300, s24, s23, $0x38;
	[tilespmem:$0x18100] =	vst v63  }
0x212: {  	s30 =	sadd.s32 $0x7B0, s12;
	s31 =	simm.s32 $0x4600  }
0x213: {  	[tilespmem:s31], [sflag:$0x1] =	stream.strided.gather [hbm4b:s30+s23], $0x300, s24, s23, $0x38;
	[tilespmem:$0x18100] =	vst v63  }
0x214: {  	s4 =	sadd.s32 $0x900, s12;
	s5 =	simm.s32 $0x4900  }
0x215: {  	[tilespmem:s5], [sflag:$0x1] =	stream.strided.gather [hbm4b:s4+s23], $0x300, s24, s23, $0x38;
	[tilespmem:$0x18100] =	vst v63  }
0x216: {  	s25 =	sadd.s32 $0x910, s12;
	s26 =	simm.s32 $0x4C00  }
0x217: {  	[tilespmem:s26], [sflag:$0x1] =	stream.strided.gather [hbm4b:s25+s23], $0x300, s24, s23, $0x38;
	[tilespmem:$0x18100] =	vst v63  }
0x218: {  	s28 =	sadd.s32 $0x920, s12;
	s29 =	simm.s32 $0x4F00  }
0x219: {  	[tilespmem:s29], [sflag:$0x1] =	stream.strided.gather [hbm4b:s28+s23], $0x300, s24, s23, $0x38;
	[tilespmem:$0x18100] =	vst v63  }
0x21a: {  	s30 =	sadd.s32 $0x930, s12;
	s31 =	simm.s32 $0x5200  }
0x21b: {  	[tilespmem:s31], [sflag:$0x1] =	stream.strided.gather [hbm4b:s30+s23], $0x300, s24, s23, $0x38;
	[tilespmem:$0x18100] =	vst v63  }
0x21c: {  	s1 =	sadd.s32 $0xA80, s12;
	s4 =	simm.s32 $0x5500  }
0x21d: {  	[tilespmem:s4], [sflag:$0x1] =	stream.strided.gather [hbm4b:s1+s23], $0x300, s24, s23, $0x38;
	[tilespmem:$0x18100] =	vst v63  }
0x21e: {  	s5 =	sadd.s32 $0xA90, s12;
	s25 =	simm.s32 $0x5800  }
0x21f: {  	[tilespmem:s25], [sflag:$0x1] =	stream.strided.gather [hbm4b:s5+s23], $0x300, s24, s23, $0x38;
	[tilespmem:$0x18100] =	vst v63  }
0x220: {  	s26 =	sadd.s32 $0xAA0, s12;
	s28 =	simm.s32 $0x5B00  }
0x221: {  	[tilespmem:s28], [sflag:$0x1] =	stream.strided.gather [hbm4b:s26+s23], $0x300, s24, s23, $0x38;
	[tilespmem:$0x18100] =	vst v63  }
0x222: {  	s29 =	sadd.s32 $0xAB0, s12;
	s30 =	simm.s32 $0x5E00  }
0x223: {  	[tilespmem:s30], [sflag:$0x1] =	stream.strided.gather [hbm4b:s29+s23], $0x300, s24, s23, $0x38;
	[tilespmem:$0x18100] =	vst v63  }
0x224: {  	s30 =	simm.s32 $0x4  }
0x225: {  	_ =	swait.ge [sflag:s30], $0x6000  }
0x226: {  	s4 =	simm.s32 $0x12100;
	s1 =	simm.s32 $0x20;
	[sflag:s30] =	ssyncset.done $0x0  }
0x227: {  	s29 =	simm.s32 $0x7;
	s31 =	rddreg [dreg:$0xd];
	[sflag:s30] =	ssyncadd.s32 $0xFFFFA000  }
0x228: {  	[tilespmem:s4], [sflag:$0x8] =	stream.indirect.gather.add.f32 [hbm:s3], $0x300, s31, s1, $0xb8;
	[tilespmem:$0x18100] =	vst v63  }
0x229: {  	_ =	swait.ge [sflag:s29], $0x6000  }
0x22a: {  	[sflag:s29] =	ssyncset.done $0x0  }
0x22b: {  	[sflag:s29] =	ssyncadd.s32 $0xFFFFA000  }
0x22c: {  	[hbm4b:s13+s23] =	stream.strided.scatter [tilespmem:s2], [sflag:$0xB], $0x300, s24, s23, $0x38;
	[tilespmem:$0x18100] =	vst v63  }
0x22d: {  	s25 =	smov.u32 s3;
	s5 =	simm.s32 $0xC400;
	s3 =	sadd.s32 $0x10, s13  }
0x22e: {  	[hbm4b:s3+s23] =	stream.strided.scatter [tilespmem:s5], [sflag:$0xB], $0x300, s24, s23, $0x38;
	[tilespmem:$0x18100] =	vst v63  }
0x22f: {  	s26 =	sadd.s32 $0x20, s13;
	s28 =	simm.s32 $0xC700  }
0x230: {  	[hbm4b:s26+s23] =	stream.strided.scatter [tilespmem:s28], [sflag:$0xB], $0x300, s24, s23, $0x38;
	[tilespmem:$0x18100] =	vst v63  }
0x231: {  	s31 =	sadd.s32 $0x30, s13;
	s2 =	simm.s32 $0xCA00  }
0x232: {  	[hbm4b:s31+s23] =	stream.strided.scatter [tilespmem:s2], [sflag:$0xB], $0x300, s24, s23, $0x38;
	[tilespmem:$0x18100] =	vst v63  }
0x233: {  	s3 =	sadd.s32 $0x180, s13;
	s5 =	simm.s32 $0xCD00  }
0x234: {  	[hbm4b:s3+s23] =	stream.strided.scatter [tilespmem:s5], [sflag:$0xB], $0x300, s24, s23, $0x38;
	[tilespmem:$0x18100] =	vst v63  }
0x235: {  	s26 =	sadd.s32 $0x190, s13;
	s28 =	simm.s32 $0xD000  }
0x236: {  	[hbm4b:s26+s23] =	stream.strided.scatter [tilespmem:s28], [sflag:$0xB], $0x300, s24, s23, $0x38;
	[tilespmem:$0x18100] =	vst v63  }
0x237: {  	s31 =	sadd.s32 $0x1A0, s13;
	s2 =	simm.s32 $0xD300  }
0x238: {  	[hbm4b:s31+s23] =	stream.strided.scatter [tilespmem:s2], [sflag:$0xB], $0x300, s24, s23, $0x38;
	[tilespmem:$0x18100] =	vst v63  }
0x239: {  	s5 =	sadd.s32 $0x1B0, s13;
	s26 =	simm.s32 $0xD600  }
0x23a: {  	[hbm4b:s5+s23] =	stream.strided.scatter [tilespmem:s26], [sflag:$0xB], $0x300, s24, s23, $0x38;
	[tilespmem:$0x18100] =	vst v63  }
0x23b: {  	s28 =	sadd.s32 $0x300, s13;
	s31 =	simm.s32 $0xD900  }
0x23c: {  	[hbm4b:s28+s23] =	stream.strided.scatter [tilespmem:s31], [sflag:$0xB], $0x300, s24, s23, $0x38;
	[tilespmem:$0x18100] =	vst v63  }
0x23d: {  	s3 =	sadd.s32 $0x310, s13;
	s31 =	simm.s32 $0xDC00  }
0x23e: {  	[hbm4b:s3+s23] =	stream.strided.scatter [tilespmem:s31], [sflag:$0xB], $0x300, s24, s23, $0x38;
	[tilespmem:$0x18100] =	vst v63  }
0x23f: {  	s5 =	sadd.s32 $0x320, s13;
	s26 =	simm.s32 $0xDF00  }
0x240: {  	[hbm4b:s5+s23] =	stream.strided.scatter [tilespmem:s26], [sflag:$0xB], $0x300, s24, s23, $0x38;
	[tilespmem:$0x18100] =	vst v63  }
0x241: {  	s2 =	simm.s32 $0xE200;
	s28 =	sadd.s32 $0x330, s13  }
0x242: {  	[hbm4b:s28+s23] =	stream.strided.scatter [tilespmem:s2], [sflag:$0xB], $0x300, s24, s23, $0x38;
	[tilespmem:$0x18100] =	vst v63  }
0x243: {  	s5 =	sadd.s32 $0x480, s13;
	s26 =	simm.s32 $0xE500  }
0x244: {  	[hbm4b:s5+s23] =	stream.strided.scatter [tilespmem:s26], [sflag:$0xB], $0x300, s24, s23, $0x38;
	[tilespmem:$0x18100] =	vst v63  }
0x245: {  	s28 =	sadd.s32 $0x490, s13;
	s2 =	simm.s32 $0xE800  }
0x246: {  	[hbm4b:s28+s23] =	stream.strided.scatter [tilespmem:s2], [sflag:$0xB], $0x300, s24, s23, $0x38;
	[tilespmem:$0x18100] =	vst v63  }
0x247: {  	s5 =	sadd.s32 $0x4A0, s13;
	s26 =	simm.s32 $0xEB00  }
0x248: {  	[hbm4b:s5+s23] =	stream.strided.scatter [tilespmem:s26], [sflag:$0xB], $0x300, s24, s23, $0x38;
	[tilespmem:$0x18100] =	vst v63  }
0x249: {  	s28 =	sadd.s32 $0x4B0, s13;
	s2 =	simm.s32 $0xEE00  }
0x24a: {  	[hbm4b:s28+s23] =	stream.strided.scatter [tilespmem:s2], [sflag:$0xB], $0x300, s24, s23, $0x38;
	[tilespmem:$0x18100] =	vst v63  }
0x24b: {  	s5 =	sadd.s32 $0x600, s13;
	s26 =	simm.s32 $0xF100  }
0x24c: {  	[hbm4b:s5+s23] =	stream.strided.scatter [tilespmem:s26], [sflag:$0xB], $0x300, s24, s23, $0x38;
	[tilespmem:$0x18100] =	vst v63  }
0x24d: {  	s28 =	sadd.s32 $0x610, s13;
	s2 =	simm.s32 $0xF400  }
0x24e: {  	[hbm4b:s28+s23] =	stream.strided.scatter [tilespmem:s2], [sflag:$0xB], $0x300, s24, s23, $0x38;
	[tilespmem:$0x18100] =	vst v63  }
0x24f: {  	s5 =	sadd.s32 $0x620, s13;
	s26 =	simm.s32 $0xF700  }
0x250: {  	[hbm4b:s5+s23] =	stream.strided.scatter [tilespmem:s26], [sflag:$0xB], $0x300, s24, s23, $0x38;
	[tilespmem:$0x18100] =	vst v63  }
0x251: {  	s28 =	sadd.s32 $0x630, s13;
	s2 =	simm.s32 $0xFA00  }
0x252: {  	[hbm4b:s28+s23] =	stream.strided.scatter [tilespmem:s2], [sflag:$0xB], $0x300, s24, s23, $0x38;
	[tilespmem:$0x18100] =	vst v63  }
0x253: {  	s5 =	sadd.s32 $0x780, s13;
	s26 =	simm.s32 $0xFD00  }
0x254: {  	[hbm4b:s5+s23] =	stream.strided.scatter [tilespmem:s26], [sflag:$0xB], $0x300, s24, s23, $0x38;
	[tilespmem:$0x18100] =	vst v63  }
0x255: {  	s28 =	sadd.s32 $0x790, s13;
	s2 =	simm.s32 $0x10000  }
0x256: {  	[hbm4b:s28+s23] =	stream.strided.scatter [tilespmem:s2], [sflag:$0xB], $0x300, s24, s23, $0x38;
	[tilespmem:$0x18100] =	vst v63  }
0x257: {  	s5 =	sadd.s32 $0x7A0, s13;
	s26 =	simm.s32 $0x10300  }
0x258: {  	[hbm4b:s5+s23] =	stream.strided.scatter [tilespmem:s26], [sflag:$0xB], $0x300, s24, s23, $0x38;
	[tilespmem:$0x18100] =	vst v63  }
0x259: {  	s28 =	sadd.s32 $0x7B0, s13;
	s2 =	simm.s32 $0x10600  }
0x25a: {  	[hbm4b:s28+s23] =	stream.strided.scatter [tilespmem:s2], [sflag:$0xB], $0x300, s24, s23, $0x38;
	[tilespmem:$0x18100] =	vst v63  }
0x25b: {  	s5 =	sadd.s32 $0x900, s13;
	s26 =	simm.s32 $0x10900  }
0x25c: {  	[hbm4b:s5+s23] =	stream.strided.scatter [tilespmem:s26], [sflag:$0xB], $0x300, s24, s23, $0x38;
	[tilespmem:$0x18100] =	vst v63  }
0x25d: {  	s28 =	sadd.s32 $0x910, s13;
	s2 =	simm.s32 $0x10C00  }
0x25e: {  	[hbm4b:s28+s23] =	stream.strided.scatter [tilespmem:s2], [sflag:$0xB], $0x300, s24, s23, $0x38;
	[tilespmem:$0x18100] =	vst v63  }
0x25f: {  	s5 =	sadd.s32 $0x920, s13;
	s26 =	simm.s32 $0x10F00  }
0x260: {  	[hbm4b:s5+s23] =	stream.strided.scatter [tilespmem:s26], [sflag:$0xB], $0x300, s24, s23, $0x38;
	[tilespmem:$0x18100] =	vst v63  }
0x261: {  	s28 =	sadd.s32 $0x930, s13;
	s2 =	simm.s32 $0x11200  }
0x262: {  	[hbm4b:s28+s23] =	stream.strided.scatter [tilespmem:s2], [sflag:$0xB], $0x300, s24, s23, $0x38;
	[tilespmem:$0x18100] =	vst v63  }
0x263: {  	s5 =	sadd.s32 $0xA80, s13;
	s26 =	simm.s32 $0x11500  }
0x264: {  	[hbm4b:s5+s23] =	stream.strided.scatter [tilespmem:s26], [sflag:$0xB], $0x300, s24, s23, $0x38;
	[tilespmem:$0x18100] =	vst v63  }
0x265: {  	s28 =	sadd.s32 $0xA90, s13;
	s2 =	simm.s32 $0x11800  }
0x266: {  	[hbm4b:s28+s23] =	stream.strided.scatter [tilespmem:s2], [sflag:$0xB], $0x300, s24, s23, $0x38;
	[tilespmem:$0x18100] =	vst v63  }
0x267: {  	s5 =	sadd.s32 $0xAA0, s13;
	s26 =	simm.s32 $0x11B00  }
0x268: {  	[hbm4b:s5+s23] =	stream.strided.scatter [tilespmem:s26], [sflag:$0xB], $0x300, s24, s23, $0x38;
	[tilespmem:$0x18100] =	vst v63  }
0x269: {  	s28 =	sadd.s32 $0xAB0, s13;
	s2 =	simm.s32 $0x11E00;
	s5 =	simm.s32 $0xA  }
0x26a: {  	[hbm4b:s28+s23] =	stream.strided.scatter [tilespmem:s2], [sflag:$0xB], $0x300, s24, s23, $0x38;
	[tilespmem:$0x18100] =	vst v63  }
0x26b: {  	_ =	swait.ge [sflag:s5], $0x6000  }
0x26c: {  	[sflag:s5] =	ssyncset.done $0x0  }
0x26d: {  	s26 =	simm.s32 $0x6100;
	[sflag:s5] =	ssyncadd.s32 $0xFFFFA000  }
0x26e: {  	[tilespmem:s26], [sflag:$0x2] =	stream.strided.gather [hbm4b:s14+s23], $0x300, s24, s23, $0x38;
	[tilespmem:$0x18100] =	vst v63  }
0x26f: {  	s28 =	sadd.s32 $0x10, s14;
	s2 =	simm.s32 $0x6400  }
0x270: {  	[tilespmem:s2], [sflag:$0x2] =	stream.strided.gather [hbm4b:s28+s23], $0x300, s24, s23, $0x38;
	[tilespmem:$0x18100] =	vst v63  }
0x271: {  	s5 =	sadd.s32 $0x20, s14;
	s26 =	simm.s32 $0x6700  }
0x272: {  	[tilespmem:s26], [sflag:$0x2] =	stream.strided.gather [hbm4b:s5+s23], $0x300, s24, s23, $0x38;
	[tilespmem:$0x18100] =	vst v63  }
0x273: {  	s28 =	sadd.s32 $0x30, s14;
	s2 =	simm.s32 $0x6A00  }
0x274: {  	[tilespmem:s2], [sflag:$0x2] =	stream.strided.gather [hbm4b:s28+s23], $0x300, s24, s23, $0x38;
	[tilespmem:$0x18100] =	vst v63  }
0x275: {  	s5 =	sadd.s32 $0x180, s14;
	s26 =	simm.s32 $0x6D00  }
0x276: {  	[tilespmem:s26], [sflag:$0x2] =	stream.strided.gather [hbm4b:s5+s23], $0x300, s24, s23, $0x38;
	[tilespmem:$0x18100] =	vst v63  }
0x277: {  	s28 =	sadd.s32 $0x190, s14;
	s2 =	simm.s32 $0x7000  }
0x278: {  	[tilespmem:s2], [sflag:$0x2] =	stream.strided.gather [hbm4b:s28+s23], $0x300, s24, s23, $0x38;
	[tilespmem:$0x18100] =	vst v63  }
0x279: {  	s5 =	sadd.s32 $0x1A0, s14;
	s26 =	simm.s32 $0x7300  }
0x27a: {  	[tilespmem:s26], [sflag:$0x2] =	stream.strided.gather [hbm4b:s5+s23], $0x300, s24, s23, $0x38;
	[tilespmem:$0x18100] =	vst v63  }
0x27b: {  	s28 =	sadd.s32 $0x1B0, s14;
	s2 =	simm.s32 $0x7600  }
0x27c: {  	[tilespmem:s2], [sflag:$0x2] =	stream.strided.gather [hbm4b:s28+s23], $0x300, s24, s23, $0x38;
	[tilespmem:$0x18100] =	vst v63  }
0x27d: {  	s3 =	sadd.s32 $0x300, s14;
	s5 =	simm.s32 $0x7900  }
0x27e: {  	[tilespmem:s5], [sflag:$0x2] =	stream.strided.gather [hbm4b:s3+s23], $0x300, s24, s23, $0x38;
	[tilespmem:$0x18100] =	vst v63  }
0x27f: {  	s26 =	sadd.s32 $0x310, s14;
	s28 =	simm.s32 $0x7C00  }
0x280: {  	[tilespmem:s28], [sflag:$0x2] =	stream.strided.gather [hbm4b:s26+s23], $0x300, s24, s23, $0x38;
	[tilespmem:$0x18100] =	vst v63  }
0x281: {  	s2 =	sadd.s32 $0x320, s14;
	s3 =	simm.s32 $0x7F00  }
0x282: {  	[tilespmem:s3], [sflag:$0x2] =	stream.strided.gather [hbm4b:s2+s23], $0x300, s24, s23, $0x38;
	[tilespmem:$0x18100] =	vst v63  }
0x283: {  	s26 =	sadd.s32 $0x330, s14;
	s28 =	simm.s32 $0x8200  }
0x284: {  	[tilespmem:s28], [sflag:$0x2] =	stream.strided.gather [hbm4b:s26+s23], $0x300, s24, s23, $0x38;
	[tilespmem:$0x18100] =	vst v63  }
0x285: {  	s2 =	sadd.s32 $0x480, s14;
	s3 =	simm.s32 $0x8500  }
0x286: {  	[tilespmem:s3], [sflag:$0x2] =	stream.strided.gather [hbm4b:s2+s23], $0x300, s24, s23, $0x38;
	[tilespmem:$0x18100] =	vst v63  }
0x287: {  	s26 =	sadd.s32 $0x490, s14;
	s28 =	simm.s32 $0x8800  }
0x288: {  	[tilespmem:s28], [sflag:$0x2] =	stream.strided.gather [hbm4b:s26+s23], $0x300, s24, s23, $0x38;
	[tilespmem:$0x18100] =	vst v63  }
0x289: {  	s2 =	sadd.s32 $0x4A0, s14;
	s3 =	simm.s32 $0x8B00  }
0x28a: {  	[tilespmem:s3], [sflag:$0x2] =	stream.strided.gather [hbm4b:s2+s23], $0x300, s24, s23, $0x38;
	[tilespmem:$0x18100] =	vst v63  }
0x28b: {  	s26 =	sadd.s32 $0x4B0, s14;
	s28 =	simm.s32 $0x8E00  }
0x28c: {  	[tilespmem:s28], [sflag:$0x2] =	stream.strided.gather [hbm4b:s26+s23], $0x300, s24, s23, $0x38;
	[tilespmem:$0x18100] =	vst v63  }
0x28d: {  	s2 =	sadd.s32 $0x600, s14;
	s3 =	simm.s32 $0x9100  }
0x28e: {  	[tilespmem:s3], [sflag:$0x2] =	stream.strided.gather [hbm4b:s2+s23], $0x300, s24, s23, $0x38;
	[tilespmem:$0x18100] =	vst v63  }
0x28f: {  	s26 =	sadd.s32 $0x610, s14;
	s28 =	simm.s32 $0x9400  }
0x290: {  	[tilespmem:s28], [sflag:$0x2] =	stream.strided.gather [hbm4b:s26+s23], $0x300, s24, s23, $0x38;
	[tilespmem:$0x18100] =	vst v63  }
0x291: {  	s2 =	sadd.s32 $0x620, s14;
	s3 =	simm.s32 $0x9700  }
0x292: {  	[tilespmem:s3], [sflag:$0x2] =	stream.strided.gather [hbm4b:s2+s23], $0x300, s24, s23, $0x38;
	[tilespmem:$0x18100] =	vst v63  }
0x293: {  	s26 =	sadd.s32 $0x630, s14;
	s28 =	simm.s32 $0x9A00  }
0x294: {  	[tilespmem:s28], [sflag:$0x2] =	stream.strided.gather [hbm4b:s26+s23], $0x300, s24, s23, $0x38;
	[tilespmem:$0x18100] =	vst v63  }
0x295: {  	s2 =	sadd.s32 $0x780, s14;
	s3 =	simm.s32 $0x9D00  }
0x296: {  	[tilespmem:s3], [sflag:$0x2] =	stream.strided.gather [hbm4b:s2+s23], $0x300, s24, s23, $0x38;
	[tilespmem:$0x18100] =	vst v63  }
0x297: {  	s26 =	sadd.s32 $0x790, s14;
	s28 =	simm.s32 $0xA000  }
0x298: {  	[tilespmem:s28], [sflag:$0x2] =	stream.strided.gather [hbm4b:s26+s23], $0x300, s24, s23, $0x38;
	[tilespmem:$0x18100] =	vst v63  }
0x299: {  	s2 =	sadd.s32 $0x7A0, s14;
	s3 =	simm.s32 $0xA300  }
0x29a: {  	[tilespmem:s3], [sflag:$0x2] =	stream.strided.gather [hbm4b:s2+s23], $0x300, s24, s23, $0x38;
	[tilespmem:$0x18100] =	vst v63  }
0x29b: {  	s26 =	sadd.s32 $0x7B0, s14;
	s28 =	simm.s32 $0xA600  }
0x29c: {  	[tilespmem:s28], [sflag:$0x2] =	stream.strided.gather [hbm4b:s26+s23], $0x300, s24, s23, $0x38;
	[tilespmem:$0x18100] =	vst v63  }
0x29d: {  	s2 =	sadd.s32 $0x900, s14;
	s3 =	simm.s32 $0xA900  }
0x29e: {  	[tilespmem:s3], [sflag:$0x2] =	stream.strided.gather [hbm4b:s2+s23], $0x300, s24, s23, $0x38;
	[tilespmem:$0x18100] =	vst v63  }
0x29f: {  	s26 =	sadd.s32 $0x910, s14;
	s28 =	simm.s32 $0xAC00  }
0x2a0: {  	[tilespmem:s28], [sflag:$0x2] =	stream.strided.gather [hbm4b:s26+s23], $0x300, s24, s23, $0x38;
	[tilespmem:$0x18100] =	vst v63  }
0x2a1: {  	s2 =	sadd.s32 $0x920, s14;
	s3 =	simm.s32 $0xAF00  }
0x2a2: {  	[tilespmem:s3], [sflag:$0x2] =	stream.strided.gather [hbm4b:s2+s23], $0x300, s24, s23, $0x38;
	[tilespmem:$0x18100] =	vst v63  }
0x2a3: {  	s26 =	sadd.s32 $0x930, s14;
	s28 =	simm.s32 $0xB200  }
0x2a4: {  	[tilespmem:s28], [sflag:$0x2] =	stream.strided.gather [hbm4b:s26+s23], $0x300, s24, s23, $0x38;
	[tilespmem:$0x18100] =	vst v63  }
0x2a5: {  	s2 =	sadd.s32 $0xA80, s14;
	s3 =	simm.s32 $0xB500  }
0x2a6: {  	[tilespmem:s3], [sflag:$0x2] =	stream.strided.gather [hbm4b:s2+s23], $0x300, s24, s23, $0x38;
	[tilespmem:$0x18100] =	vst v63  }
0x2a7: {  	s26 =	sadd.s32 $0xA90, s14;
	s28 =	simm.s32 $0xB800  }
0x2a8: {  	[tilespmem:s28], [sflag:$0x2] =	stream.strided.gather [hbm4b:s26+s23], $0x300, s24, s23, $0x38;
	[tilespmem:$0x18100] =	vst v63  }
0x2a9: {  	s2 =	sadd.s32 $0xAA0, s14;
	s3 =	simm.s32 $0xBB00  }
0x2aa: {  	[tilespmem:s3], [sflag:$0x2] =	stream.strided.gather [hbm4b:s2+s23], $0x300, s24, s23, $0x38;
	[tilespmem:$0x18100] =	vst v63  }
0x2ab: {  	s5 =	sadd.s32 $0xAB0, s14;
	s26 =	simm.s32 $0xBE00  }
0x2ac: {  	[tilespmem:s26], [sflag:$0x2] =	stream.strided.gather [hbm4b:s5+s23], $0x300, s24, s23, $0x38;
	[tilespmem:$0x18100] =	vst v63  }
0x2ad: {  	_ =	swait.ge [sflag:s22], $0x6000  }
0x2ae: {  	[sflag:s22] =	ssyncset.done $0x0  }
0x2af: {  	s26 =	simm.s32 $0x8;
	[sflag:s22] =	ssyncadd.s32 $0xFFFFA000;
	s22 =	simm.s32 $0x100  }
0x2b0: {  	[tilespmem:s22], [sflag:$0x5] =	stream.indirect.gather.add.f32 [hbm:s25], $0x300, s23, s1, $0xb8;
	[tilespmem:$0x18100] =	vst v63  }
0x2b1: {  	_ =	swait.ge [sflag:s26], $0x6000  }
0x2b2: {  	[sflag:s26] =	ssyncset.done $0x0  }
0x2b3: {  	[sflag:s26] =	ssyncadd.s32 $0xFFFFA000  }
0x2b4: {  	[hbm4b:s15+s23] =	stream.strided.scatter [tilespmem:s4], [sflag:$0xC], $0x300, s24, s23, $0x38;
	[tilespmem:$0x18100] =	vst v63  }
0x2b5: {  	s28 =	sadd.s32 $0x10, s15;
	s1 =	simm.s32 $0x12400  }
0x2b6: {  	[hbm4b:s28+s23] =	stream.strided.scatter [tilespmem:s1], [sflag:$0xC], $0x300, s24, s23, $0x38;
	[tilespmem:$0x18100] =	vst v63  }
0x2b7: {  	s3 =	sadd.s32 $0x20, s15;
	s5 =	simm.s32 $0x12700  }
0x2b8: {  	[hbm4b:s3+s23] =	stream.strided.scatter [tilespmem:s5], [sflag:$0xC], $0x300, s24, s23, $0x38;
	[tilespmem:$0x18100] =	vst v63  }
0x2b9: {  	s28 =	sadd.s32 $0x30, s15;
	s1 =	simm.s32 $0x12A00  }
0x2ba: {  	[hbm4b:s28+s23] =	stream.strided.scatter [tilespmem:s1], [sflag:$0xC], $0x300, s24, s23, $0x38;
	[tilespmem:$0x18100] =	vst v63  }
0x2bb: {  	s3 =	sadd.s32 $0x180, s15;
	s5 =	simm.s32 $0x12D00  }
0x2bc: {  	[hbm4b:s3+s23] =	stream.strided.scatter [tilespmem:s5], [sflag:$0xC], $0x300, s24, s23, $0x38;
	[tilespmem:$0x18100] =	vst v63  }
0x2bd: {  	s28 =	sadd.s32 $0x190, s15;
	s1 =	simm.s32 $0x13000  }
0x2be: {  	[hbm4b:s28+s23] =	stream.strided.scatter [tilespmem:s1], [sflag:$0xC], $0x300, s24, s23, $0x38;
	[tilespmem:$0x18100] =	vst v63  }
0x2bf: {  	s3 =	sadd.s32 $0x1A0, s15;
	s5 =	simm.s32 $0x13300  }
0x2c0: {  	[hbm4b:s3+s23] =	stream.strided.scatter [tilespmem:s5], [sflag:$0xC], $0x300, s24, s23, $0x38;
	[tilespmem:$0x18100] =	vst v63  }
0x2c1: {  	s28 =	sadd.s32 $0x1B0, s15;
	s1 =	simm.s32 $0x13600  }
0x2c2: {  	[hbm4b:s28+s23] =	stream.strided.scatter [tilespmem:s1], [sflag:$0xC], $0x300, s24, s23, $0x38;
	[tilespmem:$0x18100] =	vst v63  }
0x2c3: {  	s3 =	sadd.s32 $0x300, s15;
	s5 =	simm.s32 $0x13900  }
0x2c4: {  	[hbm4b:s3+s23] =	stream.strided.scatter [tilespmem:s5], [sflag:$0xC], $0x300, s24, s23, $0x38;
	[tilespmem:$0x18100] =	vst v63  }
0x2c5: {  	s28 =	sadd.s32 $0x310, s15;
	s1 =	simm.s32 $0x13C00  }
0x2c6: {  	[hbm4b:s28+s23] =	stream.strided.scatter [tilespmem:s1], [sflag:$0xC], $0x300, s24, s23, $0x38;
	[tilespmem:$0x18100] =	vst v63  }
0x2c7: {  	s3 =	sadd.s32 $0x320, s15;
	s5 =	simm.s32 $0x13F00  }
0x2c8: {  	[hbm4b:s3+s23] =	stream.strided.scatter [tilespmem:s5], [sflag:$0xC], $0x300, s24, s23, $0x38;
	[tilespmem:$0x18100] =	vst v63  }
0x2c9: {  	s28 =	sadd.s32 $0x330, s15;
	s1 =	simm.s32 $0x14200  }
0x2ca: {  	[hbm4b:s28+s23] =	stream.strided.scatter [tilespmem:s1], [sflag:$0xC], $0x300, s24, s23, $0x38;
	[tilespmem:$0x18100] =	vst v63  }
0x2cb: {  	s3 =	sadd.s32 $0x480, s15;
	s5 =	simm.s32 $0x14500  }
0x2cc: {  	[hbm4b:s3+s23] =	stream.strided.scatter [tilespmem:s5], [sflag:$0xC], $0x300, s24, s23, $0x38;
	[tilespmem:$0x18100] =	vst v63  }
0x2cd: {  	s28 =	sadd.s32 $0x490, s15;
	s1 =	simm.s32 $0x14800  }
0x2ce: {  	[hbm4b:s28+s23] =	stream.strided.scatter [tilespmem:s1], [sflag:$0xC], $0x300, s24, s23, $0x38;
	[tilespmem:$0x18100] =	vst v63  }
0x2cf: {  	s3 =	sadd.s32 $0x4A0, s15;
	s5 =	simm.s32 $0x14B00  }
0x2d0: {  	[hbm4b:s3+s23] =	stream.strided.scatter [tilespmem:s5], [sflag:$0xC], $0x300, s24, s23, $0x38;
	[tilespmem:$0x18100] =	vst v63  }
0x2d1: {  	s28 =	sadd.s32 $0x4B0, s15;
	s1 =	simm.s32 $0x14E00  }
0x2d2: {  	[hbm4b:s28+s23] =	stream.strided.scatter [tilespmem:s1], [sflag:$0xC], $0x300, s24, s23, $0x38;
	[tilespmem:$0x18100] =	vst v63  }
0x2d3: {  	s3 =	sadd.s32 $0x600, s15;
	s5 =	simm.s32 $0x15100  }
0x2d4: {  	[hbm4b:s3+s23] =	stream.strided.scatter [tilespmem:s5], [sflag:$0xC], $0x300, s24, s23, $0x38;
	[tilespmem:$0x18100] =	vst v63  }
0x2d5: {  	s28 =	sadd.s32 $0x610, s15;
	s1 =	simm.s32 $0x15400  }
0x2d6: {  	[hbm4b:s28+s23] =	stream.strided.scatter [tilespmem:s1], [sflag:$0xC], $0x300, s24, s23, $0x38;
	[tilespmem:$0x18100] =	vst v63  }
0x2d7: {  	s3 =	sadd.s32 $0x620, s15;
	s5 =	simm.s32 $0x15700  }
0x2d8: {  	[hbm4b:s3+s23] =	stream.strided.scatter [tilespmem:s5], [sflag:$0xC], $0x300, s24, s23, $0x38;
	[tilespmem:$0x18100] =	vst v63  }
0x2d9: {  	s28 =	sadd.s32 $0x630, s15;
	s1 =	simm.s32 $0x15A00  }
0x2da: {  	[hbm4b:s28+s23] =	stream.strided.scatter [tilespmem:s1], [sflag:$0xC], $0x300, s24, s23, $0x38;
	[tilespmem:$0x18100] =	vst v63  }
0x2db: {  	s3 =	sadd.s32 $0x780, s15;
	s5 =	simm.s32 $0x15D00  }
0x2dc: {  	[hbm4b:s3+s23] =	stream.strided.scatter [tilespmem:s5], [sflag:$0xC], $0x300, s24, s23, $0x38;
	[tilespmem:$0x18100] =	vst v63  }
0x2dd: {  	s28 =	sadd.s32 $0x790, s15;
	s1 =	simm.s32 $0x16000  }
0x2de: {  	[hbm4b:s28+s23] =	stream.strided.scatter [tilespmem:s1], [sflag:$0xC], $0x300, s24, s23, $0x38;
	[tilespmem:$0x18100] =	vst v63  }
0x2df: {  	s3 =	sadd.s32 $0x7A0, s15;
	s5 =	simm.s32 $0x16300  }
0x2e0: {  	[hbm4b:s3+s23] =	stream.strided.scatter [tilespmem:s5], [sflag:$0xC], $0x300, s24, s23, $0x38;
	[tilespmem:$0x18100] =	vst v63  }
0x2e1: {  	s28 =	sadd.s32 $0x7B0, s15;
	s1 =	simm.s32 $0x16600  }
0x2e2: {  	[hbm4b:s28+s23] =	stream.strided.scatter [tilespmem:s1], [sflag:$0xC], $0x300, s24, s23, $0x38;
	[tilespmem:$0x18100] =	vst v63  }
0x2e3: {  	s3 =	sadd.s32 $0x900, s15;
	s5 =	simm.s32 $0x16900  }
0x2e4: {  	[hbm4b:s3+s23] =	stream.strided.scatter [tilespmem:s5], [sflag:$0xC], $0x300, s24, s23, $0x38;
	[tilespmem:$0x18100] =	vst v63  }
0x2e5: {  	s28 =	sadd.s32 $0x910, s15;
	s1 =	simm.s32 $0x16C00  }
0x2e6: {  	[hbm4b:s28+s23] =	stream.strided.scatter [tilespmem:s1], [sflag:$0xC], $0x300, s24, s23, $0x38;
	[tilespmem:$0x18100] =	vst v63  }
0x2e7: {  	s3 =	sadd.s32 $0x920, s15;
	s5 =	simm.s32 $0x16F00  }
0x2e8: {  	[hbm4b:s3+s23] =	stream.strided.scatter [tilespmem:s5], [sflag:$0xC], $0x300, s24, s23, $0x38;
	[tilespmem:$0x18100] =	vst v63  }
0x2e9: {  	s28 =	sadd.s32 $0x930, s15;
	s1 =	simm.s32 $0x17200  }
0x2ea: {  	[hbm4b:s28+s23] =	stream.strided.scatter [tilespmem:s1], [sflag:$0xC], $0x300, s24, s23, $0x38;
	[tilespmem:$0x18100] =	vst v63  }
0x2eb: {  	s3 =	sadd.s32 $0xA80, s15;
	s5 =	simm.s32 $0x17500  }
0x2ec: {  	[hbm4b:s3+s23] =	stream.strided.scatter [tilespmem:s5], [sflag:$0xC], $0x300, s24, s23, $0x38;
	[tilespmem:$0x18100] =	vst v63  }
0x2ed: {  	s28 =	sadd.s32 $0xA90, s15;
	s1 =	simm.s32 $0x17800  }
0x2ee: {  	[hbm4b:s28+s23] =	stream.strided.scatter [tilespmem:s1], [sflag:$0xC], $0x300, s24, s23, $0x38;
	[tilespmem:$0x18100] =	vst v63  }
0x2ef: {  	s2 =	sadd.s32 $0xAA0, s15;
	s3 =	simm.s32 $0x17B00  }
0x2f0: {  	[hbm4b:s2+s23] =	stream.strided.scatter [tilespmem:s3], [sflag:$0xC], $0x300, s24, s23, $0x38;
	[tilespmem:$0x18100] =	vst v63  }
0x2f1: {  	s5 =	sadd.s32 $0xAB0, s15;
	s28 =	simm.s32 $0x17E00  }
0x2f2: {  	[hbm4b:s5+s23] =	stream.strided.scatter [tilespmem:s28], [sflag:$0xC], $0x300, s24, s23, $0x38;
	[tilespmem:$0x18100] =	vst v63  }
0x2f3: {  	s28 =	simm.s32 $0xB  }
0x2f4: {  	_ =	swait.ge [sflag:s28], $0x6000  }
0x2f5: {  	[sflag:s28] =	ssyncset.done $0x0  }
0x2f6: {  	s1 =	simm.s32 $0xC100;
	[sflag:s28] =	ssyncadd.s32 $0xFFFFA000  }
0x2f7: {  	[tilespmem:s1], [sflag:$0x3] =	stream.strided.gather [hbm4b:s16+s23], $0x300, s24, s23, $0x38;
	[tilespmem:$0x18100] =	vst v63  }
0x2f8: {  	s2 =	sadd.s32 $0x10, s16;
	s3 =	simm.s32 $0xC400  }
0x2f9: {  	[tilespmem:s3], [sflag:$0x3] =	stream.strided.gather [hbm4b:s2+s23], $0x300, s24, s23, $0x38;
	[tilespmem:$0x18100] =	vst v63  }
0x2fa: {  	s5 =	sadd.s32 $0x20, s16;
	s1 =	simm.s32 $0xC700  }
0x2fb: {  	[tilespmem:s1], [sflag:$0x3] =	stream.strided.gather [hbm4b:s5+s23], $0x300, s24, s23, $0x38;
	[tilespmem:$0x18100] =	vst v63  }
0x2fc: {  	s2 =	sadd.s32 $0x30, s16;
	s3 =	simm.s32 $0xCA00  }
0x2fd: {  	[tilespmem:s3], [sflag:$0x3] =	stream.strided.gather [hbm4b:s2+s23], $0x300, s24, s23, $0x38;
	[tilespmem:$0x18100] =	vst v63  }
0x2fe: {  	s1 =	sadd.s32 $0x180, s16;
	s2 =	simm.s32 $0xCD00  }
0x2ff: {  	[tilespmem:s2], [sflag:$0x3] =	stream.strided.gather [hbm4b:s1+s23], $0x300, s24, s23, $0x38;
	[tilespmem:$0x18100] =	vst v63  }
0x300: {  	s5 =	simm.s32 $0xD000;
	s3 =	sadd.s32 $0x190, s16  }
0x301: {  	[tilespmem:s5], [sflag:$0x3] =	stream.strided.gather [hbm4b:s3+s23], $0x300, s24, s23, $0x38;
	[tilespmem:$0x18100] =	vst v63  }
0x302: {  	s1 =	sadd.s32 $0x1A0, s16;
	s2 =	simm.s32 $0xD300  }
0x303: {  	[tilespmem:s2], [sflag:$0x3] =	stream.strided.gather [hbm4b:s1+s23], $0x300, s24, s23, $0x38;
	[tilespmem:$0x18100] =	vst v63  }
0x304: {  	s3 =	sadd.s32 $0x1B0, s16;
	s5 =	simm.s32 $0xD600  }
0x305: {  	[tilespmem:s5], [sflag:$0x3] =	stream.strided.gather [hbm4b:s3+s23], $0x300, s24, s23, $0x38;
	[tilespmem:$0x18100] =	vst v63  }
0x306: {  	s2 =	sadd.s32 $0x300, s16;
	s3 =	simm.s32 $0xD900  }
0x307: {  	[tilespmem:s3], [sflag:$0x3] =	stream.strided.gather [hbm4b:s2+s23], $0x300, s24, s23, $0x38;
	[tilespmem:$0x18100] =	vst v63  }
0x308: {  	s5 =	sadd.s32 $0x310, s16  }
0x309: {  	[tilespmem:s31], [sflag:$0x3] =	stream.strided.gather [hbm4b:s5+s23], $0x300, s24, s23, $0x38;
	[tilespmem:$0x18100] =	vst v63  }
0x30a: {  	s1 =	simm.s32 $0xDF00;
	s31 =	sadd.s32 $0x320, s16  }
0x30b: {  	[tilespmem:s1], [sflag:$0x3] =	stream.strided.gather [hbm4b:s31+s23], $0x300, s24, s23, $0x38;
	[tilespmem:$0x18100] =	vst v63  }
0x30c: {  	s2 =	sadd.s32 $0x330, s16;
	s3 =	simm.s32 $0xE200  }
0x30d: {  	[tilespmem:s3], [sflag:$0x3] =	stream.strided.gather [hbm4b:s2+s23], $0x300, s24, s23, $0x38;
	[tilespmem:$0x18100] =	vst v63  }
0x30e: {  	s31 =	sadd.s32 $0x480, s16;
	s1 =	simm.s32 $0xE500  }
0x30f: {  	[tilespmem:s1], [sflag:$0x3] =	stream.strided.gather [hbm4b:s31+s23], $0x300, s24, s23, $0x38;
	[tilespmem:$0x18100] =	vst v63  }
0x310: {  	s2 =	sadd.s32 $0x490, s16;
	s3 =	simm.s32 $0xE800  }
0x311: {  	[tilespmem:s3], [sflag:$0x3] =	stream.strided.gather [hbm4b:s2+s23], $0x300, s24, s23, $0x38;
	[tilespmem:$0x18100] =	vst v63  }
0x312: {  	s31 =	sadd.s32 $0x4A0, s16;
	s1 =	simm.s32 $0xEB00  }
0x313: {  	[tilespmem:s1], [sflag:$0x3] =	stream.strided.gather [hbm4b:s31+s23], $0x300, s24, s23, $0x38;
	[tilespmem:$0x18100] =	vst v63  }
0x314: {  	s2 =	sadd.s32 $0x4B0, s16;
	s3 =	simm.s32 $0xEE00  }
0x315: {  	[tilespmem:s3], [sflag:$0x3] =	stream.strided.gather [hbm4b:s2+s23], $0x300, s24, s23, $0x38;
	[tilespmem:$0x18100] =	vst v63  }
0x316: {  	s31 =	sadd.s32 $0x600, s16;
	s1 =	simm.s32 $0xF100  }
0x317: {  	[tilespmem:s1], [sflag:$0x3] =	stream.strided.gather [hbm4b:s31+s23], $0x300, s24, s23, $0x38;
	[tilespmem:$0x18100] =	vst v63  }
0x318: {  	s2 =	sadd.s32 $0x610, s16;
	s3 =	simm.s32 $0xF400  }
0x319: {  	[tilespmem:s3], [sflag:$0x3] =	stream.strided.gather [hbm4b:s2+s23], $0x300, s24, s23, $0x38;
	[tilespmem:$0x18100] =	vst v63  }
0x31a: {  	s31 =	sadd.s32 $0x620, s16;
	s1 =	simm.s32 $0xF700  }
0x31b: {  	[tilespmem:s1], [sflag:$0x3] =	stream.strided.gather [hbm4b:s31+s23], $0x300, s24, s23, $0x38;
	[tilespmem:$0x18100] =	vst v63  }
0x31c: {  	s2 =	sadd.s32 $0x630, s16;
	s3 =	simm.s32 $0xFA00  }
0x31d: {  	[tilespmem:s3], [sflag:$0x3] =	stream.strided.gather [hbm4b:s2+s23], $0x300, s24, s23, $0x38;
	[tilespmem:$0x18100] =	vst v63  }
0x31e: {  	s31 =	sadd.s32 $0x780, s16;
	s1 =	simm.s32 $0xFD00  }
0x31f: {  	[tilespmem:s1], [sflag:$0x3] =	stream.strided.gather [hbm4b:s31+s23], $0x300, s24, s23, $0x38;
	[tilespmem:$0x18100] =	vst v63  }
0x320: {  	s2 =	sadd.s32 $0x790, s16;
	s3 =	simm.s32 $0x10000  }
0x321: {  	[tilespmem:s3], [sflag:$0x3] =	stream.strided.gather [hbm4b:s2+s23], $0x300, s24, s23, $0x38;
	[tilespmem:$0x18100] =	vst v63  }
0x322: {  	s31 =	sadd.s32 $0x7A0, s16;
	s1 =	simm.s32 $0x10300  }
0x323: {  	[tilespmem:s1], [sflag:$0x3] =	stream.strided.gather [hbm4b:s31+s23], $0x300, s24, s23, $0x38;
	[tilespmem:$0x18100] =	vst v63  }
0x324: {  	s2 =	sadd.s32 $0x7B0, s16;
	s3 =	simm.s32 $0x10600  }
0x325: {  	[tilespmem:s3], [sflag:$0x3] =	stream.strided.gather [hbm4b:s2+s23], $0x300, s24, s23, $0x38;
	[tilespmem:$0x18100] =	vst v63  }
0x326: {  	s31 =	sadd.s32 $0x900, s16;
	s1 =	simm.s32 $0x10900  }
0x327: {  	[tilespmem:s1], [sflag:$0x3] =	stream.strided.gather [hbm4b:s31+s23], $0x300, s24, s23, $0x38;
	[tilespmem:$0x18100] =	vst v63  }
0x328: {  	s2 =	sadd.s32 $0x910, s16;
	s3 =	simm.s32 $0x10C00  }
0x329: {  	[tilespmem:s3], [sflag:$0x3] =	stream.strided.gather [hbm4b:s2+s23], $0x300, s24, s23, $0x38;
	[tilespmem:$0x18100] =	vst v63  }
0x32a: {  	s31 =	sadd.s32 $0x920, s16;
	s1 =	simm.s32 $0x10F00  }
0x32b: {  	[tilespmem:s1], [sflag:$0x3] =	stream.strided.gather [hbm4b:s31+s23], $0x300, s24, s23, $0x38;
	[tilespmem:$0x18100] =	vst v63  }
0x32c: {  	s2 =	sadd.s32 $0x930, s16;
	s3 =	simm.s32 $0x11200  }
0x32d: {  	[tilespmem:s3], [sflag:$0x3] =	stream.strided.gather [hbm4b:s2+s23], $0x300, s24, s23, $0x38;
	[tilespmem:$0x18100] =	vst v63  }
0x32e: {  	s31 =	sadd.s32 $0xA80, s16;
	s1 =	simm.s32 $0x11500  }
0x32f: {  	[tilespmem:s1], [sflag:$0x3] =	stream.strided.gather [hbm4b:s31+s23], $0x300, s24, s23, $0x38;
	[tilespmem:$0x18100] =	vst v63  }
0x330: {  	s2 =	sadd.s32 $0xA90, s16;
	s3 =	simm.s32 $0x11800  }
0x331: {  	[tilespmem:s3], [sflag:$0x3] =	stream.strided.gather [hbm4b:s2+s23], $0x300, s24, s23, $0x38;
	[tilespmem:$0x18100] =	vst v63  }
0x332: {  	s31 =	sadd.s32 $0xAA0, s16;
	s1 =	simm.s32 $0x11B00  }
0x333: {  	[tilespmem:s1], [sflag:$0x3] =	stream.strided.gather [hbm4b:s31+s23], $0x300, s24, s23, $0x38;
	[tilespmem:$0x18100] =	vst v63  }
0x334: {  	s5 =	simm.s32 $0x2;
	s2 =	sadd.s32 $0xAB0, s16;
	s3 =	simm.s32 $0x11E00  }
0x335: {  	[tilespmem:s3], [sflag:$0x3] =	stream.strided.gather [hbm4b:s2+s23], $0x300, s24, s23, $0x38;
	[tilespmem:$0x18100] =	vst v63  }
0x336: {  	_ =	swait.ge [sflag:s5], $0x6000  }
0x337: {  	s3 =	simm.s32 $0x6100;
	s2 =	simm.s32 $0x20;
	[sflag:s5] =	ssyncset.done $0x0  }
0x338: {  	s31 =	rddreg [dreg:$0xe];
	[sflag:s5] =	ssyncadd.s32 $0xFFFFA000;
	s5 =	simm.s32 $0x5  }
0x339: {  	[tilespmem:s3], [sflag:$0x6] =	stream.indirect.gather.add.f32 [hbm:s25], $0x300, s31, s2, $0xb8;
	[tilespmem:$0x18100] =	vst v63  }
0x33a: {  	_ =	swait.ge [sflag:s5], $0x6000  }
0x33b: {  	[sflag:s5] =	ssyncset.done $0x0  }
0x33c: {  	[sflag:s5] =	ssyncadd.s32 $0xFFFFA000  }
0x33d: {  	[hbm4b:s17+s23] =	stream.strided.scatter [tilespmem:s22], [sflag:$0x9], $0x300, s24, s23, $0x38;
	[tilespmem:$0x18100] =	vst v63  }
0x33e: {  	s31 =	simm.s32 $0x400;
	s22 =	sadd.s32 $0x10, s17  }
0x33f: {  	[hbm4b:s22+s23] =	stream.strided.scatter [tilespmem:s31], [sflag:$0x9], $0x300, s24, s23, $0x38;
	[tilespmem:$0x18100] =	vst v63  }
0x340: {  	s2 =	sadd.s32 $0x20, s17;
	s5 =	simm.s32 $0x700  }
0x341: {  	[hbm4b:s2+s23] =	stream.strided.scatter [tilespmem:s5], [sflag:$0x9], $0x300, s24, s23, $0x38;
	[tilespmem:$0x18100] =	vst v63  }
0x342: {  	s22 =	sadd.s32 $0x30, s17;
	s31 =	simm.s32 $0xA00  }
0x343: {  	[hbm4b:s22+s23] =	stream.strided.scatter [tilespmem:s31], [sflag:$0x9], $0x300, s24, s23, $0x38;
	[tilespmem:$0x18100] =	vst v63  }
0x344: {  	s2 =	sadd.s32 $0x180, s17;
	s5 =	simm.s32 $0xD00  }
0x345: {  	[hbm4b:s2+s23] =	stream.strided.scatter [tilespmem:s5], [sflag:$0x9], $0x300, s24, s23, $0x38;
	[tilespmem:$0x18100] =	vst v63  }
0x346: {  	s22 =	sadd.s32 $0x190, s17;
	s31 =	simm.s32 $0x1000  }
0x347: {  	[hbm4b:s22+s23] =	stream.strided.scatter [tilespmem:s31], [sflag:$0x9], $0x300, s24, s23, $0x38;
	[tilespmem:$0x18100] =	vst v63  }
0x348: {  	s2 =	sadd.s32 $0x1A0, s17;
	s5 =	simm.s32 $0x1300  }
0x349: {  	[hbm4b:s2+s23] =	stream.strided.scatter [tilespmem:s5], [sflag:$0x9], $0x300, s24, s23, $0x38;
	[tilespmem:$0x18100] =	vst v63  }
0x34a: {  	s22 =	sadd.s32 $0x1B0, s17;
	s31 =	simm.s32 $0x1600  }
0x34b: {  	[hbm4b:s22+s23] =	stream.strided.scatter [tilespmem:s31], [sflag:$0x9], $0x300, s24, s23, $0x38;
	[tilespmem:$0x18100] =	vst v63  }
0x34c: {  	s2 =	sadd.s32 $0x300, s17;
	s5 =	simm.s32 $0x1900  }
0x34d: {  	[hbm4b:s2+s23] =	stream.strided.scatter [tilespmem:s5], [sflag:$0x9], $0x300, s24, s23, $0x38;
	[tilespmem:$0x18100] =	vst v63  }
0x34e: {  	s22 =	sadd.s32 $0x310, s17;
	s31 =	simm.s32 $0x1C00  }
0x34f: {  	[hbm4b:s22+s23] =	stream.strided.scatter [tilespmem:s31], [sflag:$0x9], $0x300, s24, s23, $0x38;
	[tilespmem:$0x18100] =	vst v63  }
0x350: {  	s2 =	sadd.s32 $0x320, s17;
	s5 =	simm.s32 $0x1F00  }
0x351: {  	[hbm4b:s2+s23] =	stream.strided.scatter [tilespmem:s5], [sflag:$0x9], $0x300, s24, s23, $0x38;
	[tilespmem:$0x18100] =	vst v63  }
0x352: {  	s22 =	sadd.s32 $0x330, s17;
	s31 =	simm.s32 $0x2200  }
0x353: {  	[hbm4b:s22+s23] =	stream.strided.scatter [tilespmem:s31], [sflag:$0x9], $0x300, s24, s23, $0x38;
	[tilespmem:$0x18100] =	vst v63  }
0x354: {  	s2 =	sadd.s32 $0x480, s17;
	s5 =	simm.s32 $0x2500  }
0x355: {  	[hbm4b:s2+s23] =	stream.strided.scatter [tilespmem:s5], [sflag:$0x9], $0x300, s24, s23, $0x38;
	[tilespmem:$0x18100] =	vst v63  }
0x356: {  	s22 =	sadd.s32 $0x490, s17;
	s31 =	simm.s32 $0x2800  }
0x357: {  	[hbm4b:s22+s23] =	stream.strided.scatter [tilespmem:s31], [sflag:$0x9], $0x300, s24, s23, $0x38;
	[tilespmem:$0x18100] =	vst v63  }
0x358: {  	s2 =	sadd.s32 $0x4A0, s17;
	s5 =	simm.s32 $0x2B00  }
0x359: {  	[hbm4b:s2+s23] =	stream.strided.scatter [tilespmem:s5], [sflag:$0x9], $0x300, s24, s23, $0x38;
	[tilespmem:$0x18100] =	vst v63  }
0x35a: {  	s22 =	sadd.s32 $0x4B0, s17;
	s31 =	simm.s32 $0x2E00  }
0x35b: {  	[hbm4b:s22+s23] =	stream.strided.scatter [tilespmem:s31], [sflag:$0x9], $0x300, s24, s23, $0x38;
	[tilespmem:$0x18100] =	vst v63  }
0x35c: {  	s2 =	sadd.s32 $0x600, s17;
	s5 =	simm.s32 $0x3100  }
0x35d: {  	[hbm4b:s2+s23] =	stream.strided.scatter [tilespmem:s5], [sflag:$0x9], $0x300, s24, s23, $0x38;
	[tilespmem:$0x18100] =	vst v63  }
0x35e: {  	s22 =	sadd.s32 $0x610, s17;
	s31 =	simm.s32 $0x3400  }
0x35f: {  	[hbm4b:s22+s23] =	stream.strided.scatter [tilespmem:s31], [sflag:$0x9], $0x300, s24, s23, $0x38;
	[tilespmem:$0x18100] =	vst v63  }
0x360: {  	s2 =	sadd.s32 $0x620, s17;
	s5 =	simm.s32 $0x3700  }
0x361: {  	[hbm4b:s2+s23] =	stream.strided.scatter [tilespmem:s5], [sflag:$0x9], $0x300, s24, s23, $0x38;
	[tilespmem:$0x18100] =	vst v63  }
0x362: {  	s22 =	sadd.s32 $0x630, s17;
	s31 =	simm.s32 $0x3A00  }
0x363: {  	[hbm4b:s22+s23] =	stream.strided.scatter [tilespmem:s31], [sflag:$0x9], $0x300, s24, s23, $0x38;
	[tilespmem:$0x18100] =	vst v63  }
0x364: {  	s2 =	sadd.s32 $0x780, s17;
	s5 =	simm.s32 $0x3D00  }
0x365: {  	[hbm4b:s2+s23] =	stream.strided.scatter [tilespmem:s5], [sflag:$0x9], $0x300, s24, s23, $0x38;
	[tilespmem:$0x18100] =	vst v63  }
0x366: {  	s22 =	sadd.s32 $0x790, s17;
	s31 =	simm.s32 $0x4000  }
0x367: {  	[hbm4b:s22+s23] =	stream.strided.scatter [tilespmem:s31], [sflag:$0x9], $0x300, s24, s23, $0x38;
	[tilespmem:$0x18100] =	vst v63  }
0x368: {  	s2 =	sadd.s32 $0x7A0, s17;
	s5 =	simm.s32 $0x4300  }
0x369: {  	[hbm4b:s2+s23] =	stream.strided.scatter [tilespmem:s5], [sflag:$0x9], $0x300, s24, s23, $0x38;
	[tilespmem:$0x18100] =	vst v63  }
0x36a: {  	s22 =	sadd.s32 $0x7B0, s17;
	s31 =	simm.s32 $0x4600  }
0x36b: {  	[hbm4b:s22+s23] =	stream.strided.scatter [tilespmem:s31], [sflag:$0x9], $0x300, s24, s23, $0x38;
	[tilespmem:$0x18100] =	vst v63  }
0x36c: {  	s2 =	sadd.s32 $0x900, s17;
	s5 =	simm.s32 $0x4900  }
0x36d: {  	[hbm4b:s2+s23] =	stream.strided.scatter [tilespmem:s5], [sflag:$0x9], $0x300, s24, s23, $0x38;
	[tilespmem:$0x18100] =	vst v63  }
0x36e: {  	s22 =	sadd.s32 $0x910, s17;
	s31 =	simm.s32 $0x4C00  }
0x36f: {  	[hbm4b:s22+s23] =	stream.strided.scatter [tilespmem:s31], [sflag:$0x9], $0x300, s24, s23, $0x38;
	[tilespmem:$0x18100] =	vst v63  }
0x370: {  	s2 =	sadd.s32 $0x920, s17;
	s5 =	simm.s32 $0x4F00  }
0x371: {  	[hbm4b:s2+s23] =	stream.strided.scatter [tilespmem:s5], [sflag:$0x9], $0x300, s24, s23, $0x38;
	[tilespmem:$0x18100] =	vst v63  }
0x372: {  	s22 =	sadd.s32 $0x930, s17;
	s31 =	simm.s32 $0x5200  }
0x373: {  	[hbm4b:s22+s23] =	stream.strided.scatter [tilespmem:s31], [sflag:$0x9], $0x300, s24, s23, $0x38;
	[tilespmem:$0x18100] =	vst v63  }
0x374: {  	s2 =	sadd.s32 $0xA80, s17;
	s5 =	simm.s32 $0x5500  }
0x375: {  	[hbm4b:s2+s23] =	stream.strided.scatter [tilespmem:s5], [sflag:$0x9], $0x300, s24, s23, $0x38;
	[tilespmem:$0x18100] =	vst v63  }
0x376: {  	s22 =	sadd.s32 $0xA90, s17;
	s31 =	simm.s32 $0x5800  }
0x377: {  	[hbm4b:s22+s23] =	stream.strided.scatter [tilespmem:s31], [sflag:$0x9], $0x300, s24, s23, $0x38;
	[tilespmem:$0x18100] =	vst v63  }
0x378: {  	s1 =	sadd.s32 $0xAA0, s17;
	s2 =	simm.s32 $0x5B00  }
0x379: {  	[hbm4b:s1+s23] =	stream.strided.scatter [tilespmem:s2], [sflag:$0x9], $0x300, s24, s23, $0x38;
	[tilespmem:$0x18100] =	vst v63  }
0x37a: {  	s5 =	sadd.s32 $0xAB0, s17;
	s22 =	simm.s32 $0x5E00  }
0x37b: {  	[hbm4b:s5+s23] =	stream.strided.scatter [tilespmem:s22], [sflag:$0x9], $0x300, s24, s23, $0x38;
	[tilespmem:$0x18100] =	vst v63  }
0x37c: {  	s5 =	simm.s32 $0xC  }
0x37d: {  	_ =	swait.ge [sflag:s5], $0x6000  }
0x37e: {  	[sflag:s5] =	ssyncset.done $0x0  }
0x37f: {  	s4 =	simm.s32 $0x12100;
	[sflag:s5] =	ssyncadd.s32 $0xFFFFA000  }
0x380: {  	[tilespmem:s4], [sflag:$0x4] =	stream.strided.gather [hbm4b:s18+s23], $0x300, s24, s23, $0x38;
	[tilespmem:$0x18100] =	vst v63  }
0x381: {  	s31 =	sadd.s32 $0x10, s18;
	s1 =	simm.s32 $0x12400  }
0x382: {  	[tilespmem:s1], [sflag:$0x4] =	stream.strided.gather [hbm4b:s31+s23], $0x300, s24, s23, $0x38;
	[tilespmem:$0x18100] =	vst v63  }
0x383: {  	s22 =	simm.s32 $0x12700;
	s4 =	sadd.s32 $0x20, s18  }
0x384: {  	[tilespmem:s22], [sflag:$0x4] =	stream.strided.gather [hbm4b:s4+s23], $0x300, s24, s23, $0x38;
	[tilespmem:$0x18100] =	vst v63  }
0x385: {  	s31 =	sadd.s32 $0x30, s18;
	s1 =	simm.s32 $0x12A00  }
0x386: {  	[tilespmem:s1], [sflag:$0x4] =	stream.strided.gather [hbm4b:s31+s23], $0x300, s24, s23, $0x38;
	[tilespmem:$0x18100] =	vst v63  }
0x387: {  	s2 =	sadd.s32 $0x180, s18;
	s4 =	simm.s32 $0x12D00  }
0x388: {  	[tilespmem:s4], [sflag:$0x4] =	stream.strided.gather [hbm4b:s2+s23], $0x300, s24, s23, $0x38;
	[tilespmem:$0x18100] =	vst v63  }
0x389: {  	s31 =	sadd.s32 $0x190, s18;
	s1 =	simm.s32 $0x13000  }
0x38a: {  	[tilespmem:s1], [sflag:$0x4] =	stream.strided.gather [hbm4b:s31+s23], $0x300, s24, s23, $0x38;
	[tilespmem:$0x18100] =	vst v63  }
0x38b: {  	s4 =	sadd.s32 $0x1A0, s18;
	s1 =	simm.s32 $0x13300  }
0x38c: {  	[tilespmem:s1], [sflag:$0x4] =	stream.strided.gather [hbm4b:s4+s23], $0x300, s24, s23, $0x38;
	[tilespmem:$0x18100] =	vst v63  }
0x38d: {  	s4 =	sadd.s32 $0x1B0, s18;
	s1 =	simm.s32 $0x13600  }
0x38e: {  	[tilespmem:s1], [sflag:$0x4] =	stream.strided.gather [hbm4b:s4+s23], $0x300, s24, s23, $0x38;
	[tilespmem:$0x18100] =	vst v63  }
0x38f: {  	s4 =	sadd.s32 $0x300, s18;
	s1 =	simm.s32 $0x13900  }
0x390: {  	[tilespmem:s1], [sflag:$0x4] =	stream.strided.gather [hbm4b:s4+s23], $0x300, s24, s23, $0x38;
	[tilespmem:$0x18100] =	vst v63  }
0x391: {  	s4 =	sadd.s32 $0x310, s18;
	s1 =	simm.s32 $0x13C00  }
0x392: {  	[tilespmem:s1], [sflag:$0x4] =	stream.strided.gather [hbm4b:s4+s23], $0x300, s24, s23, $0x38;
	[tilespmem:$0x18100] =	vst v63  }
0x393: {  	s4 =	sadd.s32 $0x320, s18;
	s1 =	simm.s32 $0x13F00  }
0x394: {  	[tilespmem:s1], [sflag:$0x4] =	stream.strided.gather [hbm4b:s4+s23], $0x300, s24, s23, $0x38;
	[tilespmem:$0x18100] =	vst v63  }
0x395: {  	s4 =	sadd.s32 $0x330, s18;
	s1 =	simm.s32 $0x14200  }
0x396: {  	[tilespmem:s1], [sflag:$0x4] =	stream.strided.gather [hbm4b:s4+s23], $0x300, s24, s23, $0x38;
	[tilespmem:$0x18100] =	vst v63  }
0x397: {  	s4 =	sadd.s32 $0x480, s18;
	s1 =	simm.s32 $0x14500  }
0x398: {  	[tilespmem:s1], [sflag:$0x4] =	stream.strided.gather [hbm4b:s4+s23], $0x300, s24, s23, $0x38;
	[tilespmem:$0x18100] =	vst v63  }
0x399: {  	s4 =	sadd.s32 $0x490, s18;
	s1 =	simm.s32 $0x14800  }
0x39a: {  	[tilespmem:s1], [sflag:$0x4] =	stream.strided.gather [hbm4b:s4+s23], $0x300, s24, s23, $0x38;
	[tilespmem:$0x18100] =	vst v63  }
0x39b: {  	s4 =	sadd.s32 $0x4A0, s18;
	s1 =	simm.s32 $0x14B00  }
0x39c: {  	[tilespmem:s1], [sflag:$0x4] =	stream.strided.gather [hbm4b:s4+s23], $0x300, s24, s23, $0x38;
	[tilespmem:$0x18100] =	vst v63  }
0x39d: {  	s4 =	sadd.s32 $0x4B0, s18;
	s1 =	simm.s32 $0x14E00  }
0x39e: {  	[tilespmem:s1], [sflag:$0x4] =	stream.strided.gather [hbm4b:s4+s23], $0x300, s24, s23, $0x38;
	[tilespmem:$0x18100] =	vst v63  }
0x39f: {  	s4 =	sadd.s32 $0x600, s18;
	s1 =	simm.s32 $0x15100  }
0x3a0: {  	[tilespmem:s1], [sflag:$0x4] =	stream.strided.gather [hbm4b:s4+s23], $0x300, s24, s23, $0x38;
	[tilespmem:$0x18100] =	vst v63  }
0x3a1: {  	s4 =	sadd.s32 $0x610, s18;
	s1 =	simm.s32 $0x15400  }
0x3a2: {  	[tilespmem:s1], [sflag:$0x4] =	stream.strided.gather [hbm4b:s4+s23], $0x300, s24, s23, $0x38;
	[tilespmem:$0x18100] =	vst v63  }
0x3a3: {  	s4 =	sadd.s32 $0x620, s18;
	s1 =	simm.s32 $0x15700  }
0x3a4: {  	[tilespmem:s1], [sflag:$0x4] =	stream.strided.gather [hbm4b:s4+s23], $0x300, s24, s23, $0x38;
	[tilespmem:$0x18100] =	vst v63  }
0x3a5: {  	s4 =	sadd.s32 $0x630, s18;
	s1 =	simm.s32 $0x15A00  }
0x3a6: {  	[tilespmem:s1], [sflag:$0x4] =	stream.strided.gather [hbm4b:s4+s23], $0x300, s24, s23, $0x38;
	[tilespmem:$0x18100] =	vst v63  }
0x3a7: {  	s4 =	sadd.s32 $0x780, s18;
	s1 =	simm.s32 $0x15D00  }
0x3a8: {  	[tilespmem:s1], [sflag:$0x4] =	stream.strided.gather [hbm4b:s4+s23], $0x300, s24, s23, $0x38;
	[tilespmem:$0x18100] =	vst v63  }
0x3a9: {  	s4 =	sadd.s32 $0x790, s18;
	s1 =	simm.s32 $0x16000  }
0x3aa: {  	[tilespmem:s1], [sflag:$0x4] =	stream.strided.gather [hbm4b:s4+s23], $0x300, s24, s23, $0x38;
	[tilespmem:$0x18100] =	vst v63  }
0x3ab: {  	s4 =	sadd.s32 $0x7A0, s18;
	s1 =	simm.s32 $0x16300  }
0x3ac: {  	[tilespmem:s1], [sflag:$0x4] =	stream.strided.gather [hbm4b:s4+s23], $0x300, s24, s23, $0x38;
	[tilespmem:$0x18100] =	vst v63  }
0x3ad: {  	s4 =	sadd.s32 $0x7B0, s18;
	s1 =	simm.s32 $0x16600  }
0x3ae: {  	[tilespmem:s1], [sflag:$0x4] =	stream.strided.gather [hbm4b:s4+s23], $0x300, s24, s23, $0x38;
	[tilespmem:$0x18100] =	vst v63  }
0x3af: {  	s4 =	sadd.s32 $0x900, s18;
	s1 =	simm.s32 $0x16900  }
0x3b0: {  	[tilespmem:s1], [sflag:$0x4] =	stream.strided.gather [hbm4b:s4+s23], $0x300, s24, s23, $0x38;
	[tilespmem:$0x18100] =	vst v63  }
0x3b1: {  	s4 =	sadd.s32 $0x910, s18;
	s1 =	simm.s32 $0x16C00  }
0x3b2: {  	[tilespmem:s1], [sflag:$0x4] =	stream.strided.gather [hbm4b:s4+s23], $0x300, s24, s23, $0x38;
	[tilespmem:$0x18100] =	vst v63  }
0x3b3: {  	s4 =	sadd.s32 $0x920, s18;
	s1 =	simm.s32 $0x16F00  }
0x3b4: {  	[tilespmem:s1], [sflag:$0x4] =	stream.strided.gather [hbm4b:s4+s23], $0x300, s24, s23, $0x38;
	[tilespmem:$0x18100] =	vst v63  }
0x3b5: {  	s4 =	sadd.s32 $0x930, s18;
	s1 =	simm.s32 $0x17200  }
0x3b6: {  	[tilespmem:s1], [sflag:$0x4] =	stream.strided.gather [hbm4b:s4+s23], $0x300, s24, s23, $0x38;
	[tilespmem:$0x18100] =	vst v63  }
0x3b7: {  	s4 =	sadd.s32 $0xA80, s18;
	s1 =	simm.s32 $0x17500  }
0x3b8: {  	[tilespmem:s1], [sflag:$0x4] =	stream.strided.gather [hbm4b:s4+s23], $0x300, s24, s23, $0x38;
	[tilespmem:$0x18100] =	vst v63  }
0x3b9: {  	s4 =	sadd.s32 $0xA90, s18;
	s1 =	simm.s32 $0x17800  }
0x3ba: {  	[tilespmem:s1], [sflag:$0x4] =	stream.strided.gather [hbm4b:s4+s23], $0x300, s24, s23, $0x38;
	[tilespmem:$0x18100] =	vst v63  }
0x3bb: {  	s4 =	sadd.s32 $0xAA0, s18;
	s1 =	simm.s32 $0x17B00  }
0x3bc: {  	[tilespmem:s1], [sflag:$0x4] =	stream.strided.gather [hbm4b:s4+s23], $0x300, s24, s23, $0x38;
	[tilespmem:$0x18100] =	vst v63  }
0x3bd: {  	s4 =	sadd.s32 $0xAB0, s18;
	s1 =	simm.s32 $0x17E00  }
0x3be: {  	[tilespmem:s1], [sflag:$0x4] =	stream.strided.gather [hbm4b:s4+s23], $0x300, s24, s23, $0x38;
	[tilespmem:$0x18100] =	vst v63  }
0x3bf: {  	s4 =	simm.s32 $0x3  }
0x3c0: {  	_ =	swait.ge [sflag:s4], $0x6000  }
0x3c1: {  	s2 =	simm.s32 $0x20;
	s1 =	simm.s32 $0x6;
	[sflag:s4] =	ssyncset.done $0x0  }
0x3c2: {  	s0 =	rddreg [dreg:$0xf];
	[sflag:s4] =	ssyncadd.s32 $0xFFFFA000;
	s4 =	simm.s32 $0xC100  }
0x3c3: {  	[tilespmem:s4], [sflag:$0x7] =	stream.indirect.gather.add.f32 [hbm:s25], $0x300, s0, s2, $0xb8;
	[tilespmem:$0x18100] =	vst v63  }
0x3c4: {  	_ =	swait.ge [sflag:s1], $0x6000  }
0x3c5: {  	[sflag:s1] =	ssyncset.done $0x0  }
0x3c6: {  	[sflag:s1] =	ssyncadd.s32 $0xFFFFA000  }
0x3c7: {  	[hbm4b:s19+s23] =	stream.strided.scatter [tilespmem:s3], [sflag:$0xA], $0x300, s24, s23, $0x38;
	[tilespmem:$0x18100] =	vst v63  }
0x3c8: {  	s1 =	simm.s32 $0x6400;
	s3 =	sadd.s32 $0x10, s19  }
0x3c9: {  	[hbm4b:s3+s23] =	stream.strided.scatter [tilespmem:s1], [sflag:$0xA], $0x300, s24, s23, $0x38;
	[tilespmem:$0x18100] =	vst v63  }
0x3ca: {  	s3 =	sadd.s32 $0x20, s19;
	s1 =	simm.s32 $0x6700  }
0x3cb: {  	[hbm4b:s3+s23] =	stream.strided.scatter [tilespmem:s1], [sflag:$0xA], $0x300, s24, s23, $0x38;
	[tilespmem:$0x18100] =	vst v63  }
0x3cc: {  	s3 =	sadd.s32 $0x30, s19;
	s1 =	simm.s32 $0x6A00  }
0x3cd: {  	[hbm4b:s3+s23] =	stream.strided.scatter [tilespmem:s1], [sflag:$0xA], $0x300, s24, s23, $0x38;
	[tilespmem:$0x18100] =	vst v63  }
0x3ce: {  	s3 =	sadd.s32 $0x180, s19;
	s1 =	simm.s32 $0x6D00  }
0x3cf: {  	[hbm4b:s3+s23] =	stream.strided.scatter [tilespmem:s1], [sflag:$0xA], $0x300, s24, s23, $0x38;
	[tilespmem:$0x18100] =	vst v63  }
0x3d0: {  	s3 =	sadd.s32 $0x190, s19;
	s1 =	simm.s32 $0x7000  }
0x3d1: {  	[hbm4b:s3+s23] =	stream.strided.scatter [tilespmem:s1], [sflag:$0xA], $0x300, s24, s23, $0x38;
	[tilespmem:$0x18100] =	vst v63  }
0x3d2: {  	s3 =	sadd.s32 $0x1A0, s19;
	s1 =	simm.s32 $0x7300  }
0x3d3: {  	[hbm4b:s3+s23] =	stream.strided.scatter [tilespmem:s1], [sflag:$0xA], $0x300, s24, s23, $0x38;
	[tilespmem:$0x18100] =	vst v63  }
0x3d4: {  	s3 =	sadd.s32 $0x1B0, s19;
	s1 =	simm.s32 $0x7600  }
0x3d5: {  	[hbm4b:s3+s23] =	stream.strided.scatter [tilespmem:s1], [sflag:$0xA], $0x300, s24, s23, $0x38;
	[tilespmem:$0x18100] =	vst v63  }
0x3d6: {  	s3 =	sadd.s32 $0x300, s19;
	s1 =	simm.s32 $0x7900  }
0x3d7: {  	[hbm4b:s3+s23] =	stream.strided.scatter [tilespmem:s1], [sflag:$0xA], $0x300, s24, s23, $0x38;
	[tilespmem:$0x18100] =	vst v63  }
0x3d8: {  	s3 =	sadd.s32 $0x310, s19;
	s1 =	simm.s32 $0x7C00  }
0x3d9: {  	[hbm4b:s3+s23] =	stream.strided.scatter [tilespmem:s1], [sflag:$0xA], $0x300, s24, s23, $0x38;
	[tilespmem:$0x18100] =	vst v63  }
0x3da: {  	s3 =	sadd.s32 $0x320, s19;
	s1 =	simm.s32 $0x7F00  }
0x3db: {  	[hbm4b:s3+s23] =	stream.strided.scatter [tilespmem:s1], [sflag:$0xA], $0x300, s24, s23, $0x38;
	[tilespmem:$0x18100] =	vst v63  }
0x3dc: {  	s3 =	sadd.s32 $0x330, s19;
	s1 =	simm.s32 $0x8200  }
0x3dd: {  	[hbm4b:s3+s23] =	stream.strided.scatter [tilespmem:s1], [sflag:$0xA], $0x300, s24, s23, $0x38;
	[tilespmem:$0x18100] =	vst v63  }
0x3de: {  	s3 =	sadd.s32 $0x480, s19;
	s1 =	simm.s32 $0x8500  }
0x3df: {  	[hbm4b:s3+s23] =	stream.strided.scatter [tilespmem:s1], [sflag:$0xA], $0x300, s24, s23, $0x38;
	[tilespmem:$0x18100] =	vst v63  }
0x3e0: {  	s3 =	sadd.s32 $0x490, s19;
	s1 =	simm.s32 $0x8800  }
0x3e1: {  	[hbm4b:s3+s23] =	stream.strided.scatter [tilespmem:s1], [sflag:$0xA], $0x300, s24, s23, $0x38;
	[tilespmem:$0x18100] =	vst v63  }
0x3e2: {  	s3 =	sadd.s32 $0x4A0, s19;
	s1 =	simm.s32 $0x8B00  }
0x3e3: {  	[hbm4b:s3+s23] =	stream.strided.scatter [tilespmem:s1], [sflag:$0xA], $0x300, s24, s23, $0x38;
	[tilespmem:$0x18100] =	vst v63  }
0x3e4: {  	s3 =	sadd.s32 $0x4B0, s19;
	s1 =	simm.s32 $0x8E00  }
0x3e5: {  	[hbm4b:s3+s23] =	stream.strided.scatter [tilespmem:s1], [sflag:$0xA], $0x300, s24, s23, $0x38;
	[tilespmem:$0x18100] =	vst v63  }
0x3e6: {  	s3 =	sadd.s32 $0x600, s19;
	s1 =	simm.s32 $0x9100  }
0x3e7: {  	[hbm4b:s3+s23] =	stream.strided.scatter [tilespmem:s1], [sflag:$0xA], $0x300, s24, s23, $0x38;
	[tilespmem:$0x18100] =	vst v63  }
0x3e8: {  	s3 =	sadd.s32 $0x610, s19;
	s1 =	simm.s32 $0x9400  }
0x3e9: {  	[hbm4b:s3+s23] =	stream.strided.scatter [tilespmem:s1], [sflag:$0xA], $0x300, s24, s23, $0x38;
	[tilespmem:$0x18100] =	vst v63  }
0x3ea: {  	s3 =	sadd.s32 $0x620, s19;
	s1 =	simm.s32 $0x9700  }
0x3eb: {  	[hbm4b:s3+s23] =	stream.strided.scatter [tilespmem:s1], [sflag:$0xA], $0x300, s24, s23, $0x38;
	[tilespmem:$0x18100] =	vst v63  }
0x3ec: {  	s3 =	sadd.s32 $0x630, s19;
	s1 =	simm.s32 $0x9A00  }
0x3ed: {  	[hbm4b:s3+s23] =	stream.strided.scatter [tilespmem:s1], [sflag:$0xA], $0x300, s24, s23, $0x38;
	[tilespmem:$0x18100] =	vst v63  }
0x3ee: {  	s3 =	sadd.s32 $0x780, s19;
	s1 =	simm.s32 $0x9D00  }
0x3ef: {  	[hbm4b:s3+s23] =	stream.strided.scatter [tilespmem:s1], [sflag:$0xA], $0x300, s24, s23, $0x38;
	[tilespmem:$0x18100] =	vst v63  }
0x3f0: {  	s3 =	sadd.s32 $0x790, s19;
	s1 =	simm.s32 $0xA000  }
0x3f1: {  	[hbm4b:s3+s23] =	stream.strided.scatter [tilespmem:s1], [sflag:$0xA], $0x300, s24, s23, $0x38;
	[tilespmem:$0x18100] =	vst v63  }
0x3f2: {  	s3 =	sadd.s32 $0x7A0, s19;
	s1 =	simm.s32 $0xA300  }
0x3f3: {  	[hbm4b:s3+s23] =	stream.strided.scatter [tilespmem:s1], [sflag:$0xA], $0x300, s24, s23, $0x38;
	[tilespmem:$0x18100] =	vst v63  }
0x3f4: {  	s3 =	sadd.s32 $0x7B0, s19;
	s1 =	simm.s32 $0xA600  }
0x3f5: {  	[hbm4b:s3+s23] =	stream.strided.scatter [tilespmem:s1], [sflag:$0xA], $0x300, s24, s23, $0x38;
	[tilespmem:$0x18100] =	vst v63  }
0x3f6: {  	s3 =	sadd.s32 $0x900, s19;
	s1 =	simm.s32 $0xA900  }
0x3f7: {  	[hbm4b:s3+s23] =	stream.strided.scatter [tilespmem:s1], [sflag:$0xA], $0x300, s24, s23, $0x38;
	[tilespmem:$0x18100] =	vst v63  }
0x3f8: {  	s3 =	sadd.s32 $0x910, s19;
	s1 =	simm.s32 $0xAC00  }
0x3f9: {  	[hbm4b:s3+s23] =	stream.strided.scatter [tilespmem:s1], [sflag:$0xA], $0x300, s24, s23, $0x38;
	[tilespmem:$0x18100] =	vst v63  }
0x3fa: {  	s3 =	sadd.s32 $0x920, s19;
	s1 =	simm.s32 $0xAF00  }
0x3fb: {  	[hbm4b:s3+s23] =	stream.strided.scatter [tilespmem:s1], [sflag:$0xA], $0x300, s24, s23, $0x38;
	[tilespmem:$0x18100] =	vst v63  }
0x3fc: {  	s3 =	sadd.s32 $0x930, s19;
	s1 =	simm.s32 $0xB200  }
0x3fd: {  	[hbm4b:s3+s23] =	stream.strided.scatter [tilespmem:s1], [sflag:$0xA], $0x300, s24, s23, $0x38;
	[tilespmem:$0x18100] =	vst v63  }
0x3fe: {  	s3 =	sadd.s32 $0xA80, s19;
	s1 =	simm.s32 $0xB500  }
0x3ff: {  	[hbm4b:s3+s23] =	stream.strided.scatter [tilespmem:s1], [sflag:$0xA], $0x300, s24, s23, $0x38;
	[tilespmem:$0x18100] =	vst v63  }
0x400: {  	s3 =	sadd.s32 $0xA90, s19;
	s1 =	simm.s32 $0xB800  }
0x401: {  	[hbm4b:s3+s23] =	stream.strided.scatter [tilespmem:s1], [sflag:$0xA], $0x300, s24, s23, $0x38;
	[tilespmem:$0x18100] =	vst v63  }
0x402: {  	s3 =	sadd.s32 $0xAA0, s19;
	s1 =	simm.s32 $0xBB00  }
0x403: {  	[hbm4b:s3+s23] =	stream.strided.scatter [tilespmem:s1], [sflag:$0xA], $0x300, s24, s23, $0x38;
	[tilespmem:$0x18100] =	vst v63  }
0x404: {  	s3 =	sadd.s32 $0xAB0, s19;
	s1 =	simm.s32 $0xBE00  }
0x405: {  	[hbm4b:s3+s23] =	stream.strided.scatter [tilespmem:s1], [sflag:$0xA], $0x300, s24, s23, $0x38;
	[tilespmem:$0x18100] =	vst v63  }
0x406: {  	_ =	swait.ge [sflag:s30], $0x6000  }
0x407: {  	[sflag:s30] =	ssyncset.done $0x0  }
0x408: {  	s3 =	simm.s32 $0x12100;
	s1 =	rddreg [dreg:$0x10];
	[sflag:s30] =	ssyncadd.s32 $0xFFFFA000  }
0x409: {  	[tilespmem:s3], [sflag:$0x8] =	stream.indirect.gather.add.f32 [hbm:s25], $0x300, s1, s2, $0xb8;
	[tilespmem:$0x18100] =	vst v63  }
0x40a: {  	s1 =	rddreg [dreg:$0x11];
	_ =	swait.ge [sflag:s29], $0x6000  }
0x40b: {  	[sflag:s29] =	ssyncset.done $0x0  }
0x40c: {  	[sflag:s29] =	ssyncadd.s32 $0xFFFFA000  }
0x40d: {  	[hbm4b:s20+s23] =	stream.strided.scatter [tilespmem:s4], [sflag:$0xB], $0x300, s24, s23, $0x38;
	[tilespmem:$0x18100] =	vst v63  }
0x40e: {  	s30 =	simm.s32 $0xC400;
	s29 =	sadd.s32 $0x10, s20  }
0x40f: {  	[hbm4b:s29+s23] =	stream.strided.scatter [tilespmem:s30], [sflag:$0xB], $0x300, s24, s23, $0x38;
	[tilespmem:$0x18100] =	vst v63  }
0x410: {  	s25 =	simm.s32 $0xC700;
	s4 =	sadd.s32 $0x20, s20  }
0x411: {  	[hbm4b:s4+s23] =	stream.strided.scatter [tilespmem:s25], [sflag:$0xB], $0x300, s24, s23, $0x38;
	[tilespmem:$0x18100] =	vst v63  }
0x412: {  	s29 =	sadd.s32 $0x30, s20;
	s30 =	simm.s32 $0xCA00  }
0x413: {  	[hbm4b:s29+s23] =	stream.strided.scatter [tilespmem:s30], [sflag:$0xB], $0x300, s24, s23, $0x38;
	[tilespmem:$0x18100] =	vst v63  }
0x414: {  	s4 =	sadd.s32 $0x180, s20;
	s25 =	simm.s32 $0xCD00  }
0x415: {  	[hbm4b:s4+s23] =	stream.strided.scatter [tilespmem:s25], [sflag:$0xB], $0x300, s24, s23, $0x38;
	[tilespmem:$0x18100] =	vst v63  }
0x416: {  	s29 =	sadd.s32 $0x190, s20;
	s30 =	simm.s32 $0xD000  }
0x417: {  	[hbm4b:s29+s23] =	stream.strided.scatter [tilespmem:s30], [sflag:$0xB], $0x300, s24, s23, $0x38;
	[tilespmem:$0x18100] =	vst v63  }
0x418: {  	s4 =	sadd.s32 $0x1A0, s20;
	s25 =	simm.s32 $0xD300  }
0x419: {  	[hbm4b:s4+s23] =	stream.strided.scatter [tilespmem:s25], [sflag:$0xB], $0x300, s24, s23, $0x38;
	[tilespmem:$0x18100] =	vst v63  }
0x41a: {  	s29 =	sadd.s32 $0x1B0, s20;
	s30 =	simm.s32 $0xD600  }
0x41b: {  	[hbm4b:s29+s23] =	stream.strided.scatter [tilespmem:s30], [sflag:$0xB], $0x300, s24, s23, $0x38;
	[tilespmem:$0x18100] =	vst v63  }
0x41c: {  	s4 =	sadd.s32 $0x300, s20;
	s25 =	simm.s32 $0xD900  }
0x41d: {  	[hbm4b:s4+s23] =	stream.strided.scatter [tilespmem:s25], [sflag:$0xB], $0x300, s24, s23, $0x38;
	[tilespmem:$0x18100] =	vst v63  }
0x41e: {  	s29 =	sadd.s32 $0x310, s20;
	s30 =	simm.s32 $0xDC00  }
0x41f: {  	[hbm4b:s29+s23] =	stream.strided.scatter [tilespmem:s30], [sflag:$0xB], $0x300, s24, s23, $0x38;
	[tilespmem:$0x18100] =	vst v63  }
0x420: {  	s4 =	sadd.s32 $0x320, s20;
	s25 =	simm.s32 $0xDF00  }
0x421: {  	[hbm4b:s4+s23] =	stream.strided.scatter [tilespmem:s25], [sflag:$0xB], $0x300, s24, s23, $0x38;
	[tilespmem:$0x18100] =	vst v63  }
0x422: {  	s29 =	sadd.s32 $0x330, s20;
	s30 =	simm.s32 $0xE200  }
0x423: {  	[hbm4b:s29+s23] =	stream.strided.scatter [tilespmem:s30], [sflag:$0xB], $0x300, s24, s23, $0x38;
	[tilespmem:$0x18100] =	vst v63  }
0x424: {  	s4 =	sadd.s32 $0x480, s20;
	s25 =	simm.s32 $0xE500  }
0x425: {  	[hbm4b:s4+s23] =	stream.strided.scatter [tilespmem:s25], [sflag:$0xB], $0x300, s24, s23, $0x38;
	[tilespmem:$0x18100] =	vst v63  }
0x426: {  	s29 =	sadd.s32 $0x490, s20;
	s30 =	simm.s32 $0xE800  }
0x427: {  	[hbm4b:s29+s23] =	stream.strided.scatter [tilespmem:s30], [sflag:$0xB], $0x300, s24, s23, $0x38;
	[tilespmem:$0x18100] =	vst v63  }
0x428: {  	s4 =	sadd.s32 $0x4A0, s20;
	s25 =	simm.s32 $0xEB00  }
0x429: {  	[hbm4b:s4+s23] =	stream.strided.scatter [tilespmem:s25], [sflag:$0xB], $0x300, s24, s23, $0x38;
	[tilespmem:$0x18100] =	vst v63  }
0x42a: {  	s29 =	sadd.s32 $0x4B0, s20;
	s30 =	simm.s32 $0xEE00  }
0x42b: {  	[hbm4b:s29+s23] =	stream.strided.scatter [tilespmem:s30], [sflag:$0xB], $0x300, s24, s23, $0x38;
	[tilespmem:$0x18100] =	vst v63  }
0x42c: {  	s4 =	sadd.s32 $0x600, s20;
	s25 =	simm.s32 $0xF100  }
0x42d: {  	[hbm4b:s4+s23] =	stream.strided.scatter [tilespmem:s25], [sflag:$0xB], $0x300, s24, s23, $0x38;
	[tilespmem:$0x18100] =	vst v63  }
0x42e: {  	s29 =	sadd.s32 $0x610, s20;
	s30 =	simm.s32 $0xF400  }
0x42f: {  	[hbm4b:s29+s23] =	stream.strided.scatter [tilespmem:s30], [sflag:$0xB], $0x300, s24, s23, $0x38;
	[tilespmem:$0x18100] =	vst v63  }
0x430: {  	s4 =	sadd.s32 $0x620, s20;
	s25 =	simm.s32 $0xF700  }
0x431: {  	[hbm4b:s4+s23] =	stream.strided.scatter [tilespmem:s25], [sflag:$0xB], $0x300, s24, s23, $0x38;
	[tilespmem:$0x18100] =	vst v63  }
0x432: {  	s29 =	sadd.s32 $0x630, s20;
	s30 =	simm.s32 $0xFA00  }
0x433: {  	[hbm4b:s29+s23] =	stream.strided.scatter [tilespmem:s30], [sflag:$0xB], $0x300, s24, s23, $0x38;
	[tilespmem:$0x18100] =	vst v63  }
0x434: {  	s4 =	sadd.s32 $0x780, s20;
	s25 =	simm.s32 $0xFD00  }
0x435: {  	[hbm4b:s4+s23] =	stream.strided.scatter [tilespmem:s25], [sflag:$0xB], $0x300, s24, s23, $0x38;
	[tilespmem:$0x18100] =	vst v63  }
0x436: {  	s29 =	sadd.s32 $0x790, s20;
	s30 =	simm.s32 $0x10000  }
0x437: {  	[hbm4b:s29+s23] =	stream.strided.scatter [tilespmem:s30], [sflag:$0xB], $0x300, s24, s23, $0x38;
	[tilespmem:$0x18100] =	vst v63  }
0x438: {  	s4 =	sadd.s32 $0x7A0, s20;
	s25 =	simm.s32 $0x10300  }
0x439: {  	[hbm4b:s4+s23] =	stream.strided.scatter [tilespmem:s25], [sflag:$0xB], $0x300, s24, s23, $0x38;
	[tilespmem:$0x18100] =	vst v63  }
0x43a: {  	s29 =	sadd.s32 $0x7B0, s20;
	s30 =	simm.s32 $0x10600  }
0x43b: {  	[hbm4b:s29+s23] =	stream.strided.scatter [tilespmem:s30], [sflag:$0xB], $0x300, s24, s23, $0x38;
	[tilespmem:$0x18100] =	vst v63  }
0x43c: {  	s4 =	sadd.s32 $0x900, s20;
	s25 =	simm.s32 $0x10900  }
0x43d: {  	[hbm4b:s4+s23] =	stream.strided.scatter [tilespmem:s25], [sflag:$0xB], $0x300, s24, s23, $0x38;
	[tilespmem:$0x18100] =	vst v63  }
0x43e: {  	s29 =	sadd.s32 $0x910, s20;
	s30 =	simm.s32 $0x10C00  }
0x43f: {  	[hbm4b:s29+s23] =	stream.strided.scatter [tilespmem:s30], [sflag:$0xB], $0x300, s24, s23, $0x38;
	[tilespmem:$0x18100] =	vst v63  }
0x440: {  	s4 =	sadd.s32 $0x920, s20;
	s25 =	simm.s32 $0x10F00  }
0x441: {  	[hbm4b:s4+s23] =	stream.strided.scatter [tilespmem:s25], [sflag:$0xB], $0x300, s24, s23, $0x38;
	[tilespmem:$0x18100] =	vst v63  }
0x442: {  	s29 =	sadd.s32 $0x930, s20;
	s30 =	simm.s32 $0x11200  }
0x443: {  	[hbm4b:s29+s23] =	stream.strided.scatter [tilespmem:s30], [sflag:$0xB], $0x300, s24, s23, $0x38;
	[tilespmem:$0x18100] =	vst v63  }
0x444: {  	s4 =	sadd.s32 $0xA80, s20;
	s25 =	simm.s32 $0x11500  }
0x445: {  	[hbm4b:s4+s23] =	stream.strided.scatter [tilespmem:s25], [sflag:$0xB], $0x300, s24, s23, $0x38;
	[tilespmem:$0x18100] =	vst v63  }
0x446: {  	s29 =	sadd.s32 $0xA90, s20;
	s30 =	simm.s32 $0x11800  }
0x447: {  	[hbm4b:s29+s23] =	stream.strided.scatter [tilespmem:s30], [sflag:$0xB], $0x300, s24, s23, $0x38;
	[tilespmem:$0x18100] =	vst v63  }
0x448: {  	s4 =	sadd.s32 $0xAA0, s20;
	s25 =	simm.s32 $0x11B00  }
0x449: {  	[hbm4b:s4+s23] =	stream.strided.scatter [tilespmem:s25], [sflag:$0xB], $0x300, s24, s23, $0x38;
	[tilespmem:$0x18100] =	vst v63  }
0x44a: {  	s29 =	sadd.s32 $0xAB0, s20;
	s30 =	simm.s32 $0x11E00  }
0x44b: {  	[hbm4b:s29+s23] =	stream.strided.scatter [tilespmem:s30], [sflag:$0xB], $0x300, s24, s23, $0x38;
	[tilespmem:$0x18100] =	vst v63  }
0x44c: {  	_ =	swait.ge [sflag:s26], $0x6000  }
0x44d: {  	[sflag:s26] =	ssyncset.done $0x0  }
0x44e: {  	[sflag:s26] =	ssyncadd.s32 $0xFFFFA000  }
0x44f: {  	[hbm4b:s21+s23] =	stream.strided.scatter [tilespmem:s3], [sflag:$0xC], $0x300, s24, s23, $0x38;
	[tilespmem:$0x18100] =	vst v63  }
0x450: {  	s4 =	sadd.s32 $0x10, s21;
	s25 =	simm.s32 $0x12400  }
0x451: {  	[hbm4b:s4+s23] =	stream.strided.scatter [tilespmem:s25], [sflag:$0xC], $0x300, s24, s23, $0x38;
	[tilespmem:$0x18100] =	vst v63  }
0x452: {  	s22 =	simm.s32 $0x12700;
	s26 =	sadd.s32 $0x20, s21  }
0x453: {  	[hbm4b:s26+s23] =	stream.strided.scatter [tilespmem:s22], [sflag:$0xC], $0x300, s24, s23, $0x38;
	[tilespmem:$0x18100] =	vst v63  }
0x454: {  	s29 =	sadd.s32 $0x30, s21;
	s30 =	simm.s32 $0x12A00  }
0x455: {  	[hbm4b:s29+s23] =	stream.strided.scatter [tilespmem:s30], [sflag:$0xC], $0x300, s24, s23, $0x38;
	[tilespmem:$0x18100] =	vst v63  }
0x456: {  	s2 =	sadd.s32 $0x180, s21;
	s3 =	simm.s32 $0x12D00  }
0x457: {  	[hbm4b:s2+s23] =	stream.strided.scatter [tilespmem:s3], [sflag:$0xC], $0x300, s24, s23, $0x38;
	[tilespmem:$0x18100] =	vst v63  }
0x458: {  	s31 =	simm.s32 $0x13000;
	s4 =	sadd.s32 $0x190, s21  }
0x459: {  	[hbm4b:s4+s23] =	stream.strided.scatter [tilespmem:s31], [sflag:$0xC], $0x300, s24, s23, $0x38;
	[tilespmem:$0x18100] =	vst v63  }
0x45a: {  	s25 =	simm.s32 $0x13300;
	s22 =	sadd.s32 $0x1A0, s21  }
0x45b: {  	[hbm4b:s22+s23] =	stream.strided.scatter [tilespmem:s25], [sflag:$0xC], $0x300, s24, s23, $0x38;
	[tilespmem:$0x18100] =	vst v63  }
0x45c: {  	s26 =	sadd.s32 $0x1B0, s21;
	s29 =	simm.s32 $0x13600  }
0x45d: {  	[hbm4b:s26+s23] =	stream.strided.scatter [tilespmem:s29], [sflag:$0xC], $0x300, s24, s23, $0x38;
	[tilespmem:$0x18100] =	vst v63  }
0x45e: {  	s30 =	sadd.s32 $0x300, s21;
	s31 =	simm.s32 $0x13900  }
0x45f: {  	[hbm4b:s30+s23] =	stream.strided.scatter [tilespmem:s31], [sflag:$0xC], $0x300, s24, s23, $0x38;
	[tilespmem:$0x18100] =	vst v63  }
0x460: {  	s3 =	sadd.s32 $0x310, s21;
	s4 =	simm.s32 $0x13C00  }
0x461: {  	[hbm4b:s3+s23] =	stream.strided.scatter [tilespmem:s4], [sflag:$0xC], $0x300, s24, s23, $0x38;
	[tilespmem:$0x18100] =	vst v63  }
0x462: {  	s22 =	sadd.s32 $0x320, s21;
	s25 =	simm.s32 $0x13F00  }
0x463: {  	[hbm4b:s22+s23] =	stream.strided.scatter [tilespmem:s25], [sflag:$0xC], $0x300, s24, s23, $0x38;
	[tilespmem:$0x18100] =	vst v63  }
0x464: {  	s26 =	sadd.s32 $0x330, s21;
	s29 =	simm.s32 $0x14200  }
0x465: {  	[hbm4b:s26+s23] =	stream.strided.scatter [tilespmem:s29], [sflag:$0xC], $0x300, s24, s23, $0x38;
	[tilespmem:$0x18100] =	vst v63  }
0x466: {  	s30 =	sadd.s32 $0x480, s21;
	s31 =	simm.s32 $0x14500  }
0x467: {  	[hbm4b:s30+s23] =	stream.strided.scatter [tilespmem:s31], [sflag:$0xC], $0x300, s24, s23, $0x38;
	[tilespmem:$0x18100] =	vst v63  }
0x468: {  	s3 =	sadd.s32 $0x490, s21;
	s4 =	simm.s32 $0x14800  }
0x469: {  	[hbm4b:s3+s23] =	stream.strided.scatter [tilespmem:s4], [sflag:$0xC], $0x300, s24, s23, $0x38;
	[tilespmem:$0x18100] =	vst v63  }
0x46a: {  	s22 =	sadd.s32 $0x4A0, s21;
	s25 =	simm.s32 $0x14B00  }
0x46b: {  	[hbm4b:s22+s23] =	stream.strided.scatter [tilespmem:s25], [sflag:$0xC], $0x300, s24, s23, $0x38;
	[tilespmem:$0x18100] =	vst v63  }
0x46c: {  	s26 =	sadd.s32 $0x4B0, s21;
	s29 =	simm.s32 $0x14E00  }
0x46d: {  	[hbm4b:s26+s23] =	stream.strided.scatter [tilespmem:s29], [sflag:$0xC], $0x300, s24, s23, $0x38;
	[tilespmem:$0x18100] =	vst v63  }
0x46e: {  	s30 =	sadd.s32 $0x600, s21;
	s31 =	simm.s32 $0x15100  }
0x46f: {  	[hbm4b:s30+s23] =	stream.strided.scatter [tilespmem:s31], [sflag:$0xC], $0x300, s24, s23, $0x38;
	[tilespmem:$0x18100] =	vst v63  }
0x470: {  	s3 =	sadd.s32 $0x610, s21;
	s4 =	simm.s32 $0x15400  }
0x471: {  	[hbm4b:s3+s23] =	stream.strided.scatter [tilespmem:s4], [sflag:$0xC], $0x300, s24, s23, $0x38;
	[tilespmem:$0x18100] =	vst v63  }
0x472: {  	s22 =	sadd.s32 $0x620, s21;
	s25 =	simm.s32 $0x15700  }
0x473: {  	[hbm4b:s22+s23] =	stream.strided.scatter [tilespmem:s25], [sflag:$0xC], $0x300, s24, s23, $0x38;
	[tilespmem:$0x18100] =	vst v63  }
0x474: {  	s26 =	sadd.s32 $0x630, s21;
	s29 =	simm.s32 $0x15A00  }
0x475: {  	[hbm4b:s26+s23] =	stream.strided.scatter [tilespmem:s29], [sflag:$0xC], $0x300, s24, s23, $0x38;
	[tilespmem:$0x18100] =	vst v63  }
0x476: {  	s30 =	sadd.s32 $0x780, s21;
	s31 =	simm.s32 $0x15D00  }
0x477: {  	[hbm4b:s30+s23] =	stream.strided.scatter [tilespmem:s31], [sflag:$0xC], $0x300, s24, s23, $0x38;
	[tilespmem:$0x18100] =	vst v63  }
0x478: {  	s3 =	sadd.s32 $0x790, s21;
	s4 =	simm.s32 $0x16000  }
0x479: {  	[hbm4b:s3+s23] =	stream.strided.scatter [tilespmem:s4], [sflag:$0xC], $0x300, s24, s23, $0x38;
	[tilespmem:$0x18100] =	vst v63  }
0x47a: {  	s22 =	sadd.s32 $0x7A0, s21;
	s25 =	simm.s32 $0x16300  }
0x47b: {  	[hbm4b:s22+s23] =	stream.strided.scatter [tilespmem:s25], [sflag:$0xC], $0x300, s24, s23, $0x38;
	[tilespmem:$0x18100] =	vst v63  }
0x47c: {  	s26 =	sadd.s32 $0x7B0, s21;
	s29 =	simm.s32 $0x16600  }
0x47d: {  	[hbm4b:s26+s23] =	stream.strided.scatter [tilespmem:s29], [sflag:$0xC], $0x300, s24, s23, $0x38;
	[tilespmem:$0x18100] =	vst v63  }
0x47e: {  	s30 =	sadd.s32 $0x900, s21;
	s31 =	simm.s32 $0x16900  }
0x47f: {  	[hbm4b:s30+s23] =	stream.strided.scatter [tilespmem:s31], [sflag:$0xC], $0x300, s24, s23, $0x38;
	[tilespmem:$0x18100] =	vst v63  }
0x480: {  	s3 =	sadd.s32 $0x910, s21;
	s4 =	simm.s32 $0x16C00  }
0x481: {  	[hbm4b:s3+s23] =	stream.strided.scatter [tilespmem:s4], [sflag:$0xC], $0x300, s24, s23, $0x38;
	[tilespmem:$0x18100] =	vst v63  }
0x482: {  	s22 =	sadd.s32 $0x920, s21;
	s25 =	simm.s32 $0x16F00  }
0x483: {  	[hbm4b:s22+s23] =	stream.strided.scatter [tilespmem:s25], [sflag:$0xC], $0x300, s24, s23, $0x38;
	[tilespmem:$0x18100] =	vst v63  }
0x484: {  	s26 =	sadd.s32 $0x930, s21;
	s29 =	simm.s32 $0x17200  }
0x485: {  	[hbm4b:s26+s23] =	stream.strided.scatter [tilespmem:s29], [sflag:$0xC], $0x300, s24, s23, $0x38;
	[tilespmem:$0x18100] =	vst v63  }
0x486: {  	s30 =	sadd.s32 $0xA80, s21;
	s31 =	simm.s32 $0x17500  }
0x487: {  	[hbm4b:s30+s23] =	stream.strided.scatter [tilespmem:s31], [sflag:$0xC], $0x300, s24, s23, $0x38;
	[tilespmem:$0x18100] =	vst v63  }
0x488: {  	s3 =	sadd.s32 $0xA90, s21;
	s4 =	simm.s32 $0x17800  }
0x489: {  	[hbm4b:s3+s23] =	stream.strided.scatter [tilespmem:s4], [sflag:$0xC], $0x300, s24, s23, $0x38;
	[tilespmem:$0x18100] =	vst v63  }
0x48a: {  	s22 =	sadd.s32 $0xAA0, s21;
	s25 =	simm.s32 $0x17B00  }
0x48b: {  	[hbm4b:s22+s23] =	stream.strided.scatter [tilespmem:s25], [sflag:$0xC], $0x300, s24, s23, $0x38;
	[tilespmem:$0x18100] =	vst v63  }
0x48c: {  	s26 =	sadd.s32 $0xAB0, s21;
	s29 =	simm.s32 $0x17E00;
	s30 =	simm.s32 $0x9  }
0x48d: {  	[hbm4b:s26+s23] =	stream.strided.scatter [tilespmem:s29], [sflag:$0xC], $0x300, s24, s23, $0x38;
	[tilespmem:$0x18100] =	vst v63  }
0x48e: {  	_ =	swait.ge [sflag:s30], $0x6000  }
0x48f: {  	[sflag:s30] =	ssyncset.done $0x0  }
0x490: {  	s31 =	simm.s32 $0xA;
	[sflag:s30] =	ssyncadd.s32 $0xFFFFA000  }
0x491: {  	_ =	swait.ge [sflag:s31], $0x6000  }
0x492: {  	[sflag:s31] =	ssyncset.done $0x0  }
0x493: {  	s1 =	sadd.s32 $0xFFFFFFFF, s1;
	[sflag:s31] =	ssyncadd.s32 $0xFFFFA000  }
0x494: {  	p1 =	sne.s32 s1, $0x0;
	_ =	swait.ge [sflag:s28], $0x6000  }
.Ltmp0:
0x495: {  	[sflag:s28] =	ssyncset.done $0x0;
	(pc) =	sbr.rel @p1 .LBB2_1-.Ltmp0, $4  }
0x496: {  	[sflag:s28] =	ssyncadd.s32 $0xFFFFA000  }
0x497: {  	_ =	swait.ge [sflag:s5], $0x6000  }
0x498: {  	[sflag:s5] =	ssyncset.done $0x0  }
0x499: {  	[sflag:s5] =	ssyncadd.s32 $0xFFFFA000  }
0x49a: {  	_ =	sfence.sel $0x180000  }
0x49b: {  	[bflag:$0x0] =	sbarrier.arrive $0xFFFF  }
0x49c: {  	_ =	strace $0x90000047  }
0x49d: {  	s0 =	stileid.u32;
	[bflag:$0x2] =	sbarrier.arrive $0xFFFF  }
0x49e: {  	p0 =	sne.s32 s0, $0x0;
	s0 =	rddreg [dreg:$0x4]  }
0x49f: {  	s0 =	sadd.s32 @!p0 $0x100000, s0  }
0x4a0: {  	[sflag:s0] =	ssyncadd.tile.s32 @!p0 $0x1;
	_ =	shalt  }
.Lfunc_end2:
_tile_overlayer_lowered:
.L_overlay_start_2:
0x4a1: {  	(tag) =	ssettag $0x2  }
0x4a2: {  	s0 =	rddreg [dreg:$0x0];
	s2 =	stileid.u32  }
0x4a3: {  	s1 =	rddreg [dreg:$0x1];
	p0 =	sne.s32 s2, $0x0  }
0x4a4: {  	s3 =	rddreg [dreg:$0x2];
	[bflag:$0x3] =	sbarrier.arrive $0xFFFF;
	s2 =	simm.s32 @!p0 $0x1C0E  }
0x4a5: {  	[timem:s3], [sflag:s2] =	dma.local @!p0 [hbm:s0], s1  }
0x4a6: {  	s0 =	simm.s32 @!p0 $0xE  }
0x4a7: {  	_ =	swait.ge @!p0 [sflag:s0], s1  }
0x4a8: {  	s1 =	ssub.s32 @!p0 $0x0, s1;
	[sflag:s0] =	ssyncset.done @!p0 $0x0  }
0x4a9: {  	[sflag:s0] =	ssyncadd.s32 @!p0 s1  }
0x4aa: {  	[bflag:$0x3] =	sbarrier.arrive $0xFFFF  }
0x4ab: {  	_ =	shalt  }

</sc_bundles>
